<compile_context>
chip_gen: v7x
topology: tpu7x:2x2x1
jax: 0.10.2.dev20260603
libtpu: 0.0.44.dev20260713+nightly
codegen_flags: <defaults>
</compile_context>

<pallas_src>
import functools

import jax
import jax.numpy as jnp
from jax import lax
from jax.experimental import pallas as pl
from jax.experimental.pallas import tpu as pltpu
from jax.experimental.pallas import tpu_sc as plsc

MAXLEN = 8192
OUTPUT_DIM = 1024

_info = plsc.get_sparse_core_info()
NC = _info.num_cores
ROWS_PER_W = MAXLEN // NC

CHUNK = 128
NCHUNK = ROWS_PER_W // CHUNK
NBUF = 12

_mesh = plsc.ScalarSubcoreMesh(axis_name="c", num_cores=NC)


@functools.partial(
    pl.kernel,
    mesh=_mesh,
    out_type=jax.ShapeDtypeStruct((MAXLEN, OUTPUT_DIM), jnp.float32),
    scratch_types=[
        pltpu.VMEM_SHARED((NBUF, CHUNK, OUTPUT_DIM), jnp.float32),
        pltpu.SemaphoreType.DMA((NBUF,)),
        pltpu.SemaphoreType.DMA((NBUF,)),
    ],
)
def _sc_copy(table_hbm, out_hbm, buf, in_sem, out_sem):
    base = lax.axis_index("c") * ROWS_PER_W

    def in_copy(c):
        return pltpu.make_async_copy(
            table_hbm.at[pl.ds(base + c * CHUNK, CHUNK), :],
            buf.at[c % NBUF],
            in_sem.at[c % NBUF],
        )

    def out_copy(c):
        return pltpu.make_async_copy(
            buf.at[c % NBUF],
            out_hbm.at[pl.ds(base + c * CHUNK, CHUNK), :],
            out_sem.at[c % NBUF],
        )

    for c in range(NBUF - 1):
        in_copy(c).start()
    for c in range(NCHUNK):
        in_copy(c).wait()
        out_copy(c).start()
        nxt = c + NBUF - 1
        if nxt < NCHUNK:
            if nxt >= NBUF:
                out_copy(nxt - NBUF).wait()
            in_copy(nxt).start()
    for c in range(NCHUNK - NBUF, NCHUNK):
        out_copy(c).wait()


def kernel(inputs, table):
    del inputs
    return _sc_copy(table)[None]

# --- scband reference (transcript-rebuilt; emitter-appended) ---
"""Pipeline reference for scband-position-embedding-2070174237135 (READ-ONLY COPY).

The authoritative reference and input builder live on the scoring server;
editing this copy changes nothing except your own understanding.
"""

import jax, jax.numpy as jnp
import numpy as np

MAXLEN = 8192
OUTPUT_DIM = 1024

def setup_inputs(seed: int = 0) -> dict:
    key = jax.random.key(seed)
    k1, k2 = jax.random.split(key)
    inputs = jax.random.randint(k1, (4, MAXLEN), 0, MAXLEN, dtype=jnp.int64 if jax.config.read('jax_enable_x64') else jnp.int32)
    table = jax.random.normal(k2, (MAXLEN, OUTPUT_DIM), dtype=jnp.float32) * 0.02
    return {"inputs": inputs, "table": table}

def reference(inputs, table):
    # Faithful to the keras module: the input tensor is ignored except
    # implicitly defining the sequence; positions = range(maxlen)
    positions = jnp.arange(0, MAXLEN, 1)
    positions = jnp.expand_dims(positions, axis=0)  # [1, maxlen]
    out = jnp.take(table, positions, axis=0)        # [1, maxlen, output_dim]
    return out

if __name__ == "__main__":
    import jax
    _d = setup_inputs()
    print(jax.jit(kernel)(*tuple(_d.values())))

</pallas_src>

<mosaic_0001>
#map = affine_map<(d0) -> (0, 0)>
module attributes {stable_mosaic.version = 14 : i64} {
  func.func @_sc_copy(%arg0: i32, %arg1: memref<8192x1024xf32, #tpu.memory_space<hbm>>, %arg2: memref<8192x1024xf32, #tpu.memory_space<hbm>>, %arg3: memref<12x128x1024xf32, #tpu.memory_space<vmem_shared>>, %arg4: memref<12x!tpu.dma_semaphore, #tpu.memory_space<semaphore_mem>>, %arg5: memref<12x!tpu.dma_semaphore, #tpu.memory_space<semaphore_mem>>) attributes {dimension_semantics = [#tpu.dimension_semantics<core_parallel>], iteration_bounds = array<i64: 2>, scalar_prefetch = 0 : i64, scratch_operands = 3 : i64, tpu.core_type = #tpu.core_type<sc_scalar_subcore>, window_params = [{transform_indices = #map}, {transform_indices = #map}]} {
    %mul3A = arith.constant 4096 : i32
    %mul3A_0 = arith.muli %arg0, %mul3A : i32
    %add3A = arith.constant 0 : i32
    %add3A_1 = arith.addi %mul3A_0, %add3A : i32
    %dma_start3A = arith.constant 0 : i32
    %dma_start3A_2 = arith.constant 0 : i32
    %dma_start3A_3 = tpu.memref_slice %arg4[%dma_start3A_2] : memref<12x!tpu.dma_semaphore, #tpu.memory_space<semaphore_mem>> -> memref<1x!tpu.dma_semaphore, #tpu.memory_space<semaphore_mem>>
    %dma_start3A_4 = tpu.memref_squeeze %dma_start3A_3 : memref<1x!tpu.dma_semaphore, #tpu.memory_space<semaphore_mem>> -> memref<!tpu.dma_semaphore, #tpu.memory_space<semaphore_mem>>
    %dma_start3A_5 = arith.constant 0 : i32
    %dma_start3A_6 = arith.constant 0 : i32
    %dma_start3A_7 = tpu.memref_slice %arg3[%dma_start3A, %dma_start3A_5, %dma_start3A_6] : memref<12x128x1024xf32, #tpu.memory_space<vmem_shared>> -> memref<1x128x1024xf32, #tpu.memory_space<vmem_shared>>
    %dma_start3A_8 = tpu.memref_squeeze %dma_start3A_7 : memref<1x128x1024xf32, #tpu.memory_space<vmem_shared>> -> memref<128x1024xf32, #tpu.memory_space<vmem_shared>>
    %dma_start3A_9 = arith.constant 0 : i32
    %dma_start3A_10 = tpu.memref_slice %arg1[%add3A_1, %dma_start3A_9] : memref<8192x1024xf32, #tpu.memory_space<hbm>> -> memref<128x1024xf32, #tpu.memory_space<hbm>>
    tpu.enqueue_dma source(%dma_start3A_10 : memref<128x1024xf32, #tpu.memory_space<hbm>>) target(%dma_start3A_8 : memref<128x1024xf32, #tpu.memory_space<vmem_shared>>) target_semaphore(%dma_start3A_4 : memref<!tpu.dma_semaphore, #tpu.memory_space<semaphore_mem>>)
    %add3A_11 = arith.constant 128 : i32
    %add3A_12 = arith.addi %mul3A_0, %add3A_11 : i32
    %dma_start3A_13 = arith.constant 1 : i32
    %dma_start3A_14 = arith.constant 1 : i32
    %dma_start3A_15 = tpu.memref_slice %arg4[%dma_start3A_14] : memref<12x!tpu.dma_semaphore, #tpu.memory_space<semaphore_mem>> -> memref<1x!tpu.dma_semaphore, #tpu.memory_space<semaphore_mem>>
    %dma_start3A_16 = tpu.memref_squeeze %dma_start3A_15 : memref<1x!tpu.dma_semaphore, #tpu.memory_space<semaphore_mem>> -> memref<!tpu.dma_semaphore, #tpu.memory_space<semaphore_mem>>
    %dma_start3A_17 = arith.constant 0 : i32
    %dma_start3A_18 = arith.constant 0 : i32
    %dma_start3A_19 = tpu.memref_slice %arg3[%dma_start3A_13, %dma_start3A_17, %dma_start3A_18] : memref<12x128x1024xf32, #tpu.memory_space<vmem_shared>> -> memref<1x128x1024xf32, #tpu.memory_space<vmem_shared>>
    %dma_start3A_20 = tpu.memref_squeeze %dma_start3A_19 : memref<1x128x1024xf32, #tpu.memory_space<vmem_shared>> -> memref<128x1024xf32, #tpu.memory_space<vmem_shared>>
    %dma_start3A_21 = arith.constant 0 : i32
    %dma_start3A_22 = tpu.memref_slice %arg1[%add3A_12, %dma_start3A_21] : memref<8192x1024xf32, #tpu.memory_space<hbm>> -> memref<128x1024xf32, #tpu.memory_space<hbm>>
    tpu.enqueue_dma source(%dma_start3A_22 : memref<128x1024xf32, #tpu.memory_space<hbm>>) target(%dma_start3A_20 : memref<128x1024xf32, #tpu.memory_space<vmem_shared>>) target_semaphore(%dma_start3A_16 : memref<!tpu.dma_semaphore, #tpu.memory_space<semaphore_mem>>)
    %add3A_23 = arith.constant 256 : i32
    %add3A_24 = arith.addi %mul3A_0, %add3A_23 : i32
    %dma_start3A_25 = arith.constant 2 : i32
    %dma_start3A_26 = arith.constant 2 : i32
    %dma_start3A_27 = tpu.memref_slice %arg4[%dma_start3A_26] : memref<12x!tpu.dma_semaphore, #tpu.memory_space<semaphore_mem>> -> memref<1x!tpu.dma_semaphore, #tpu.memory_space<semaphore_mem>>
    %dma_start3A_28 = tpu.memref_squeeze %dma_start3A_27 : memref<1x!tpu.dma_semaphore, #tpu.memory_space<semaphore_mem>> -> memref<!tpu.dma_semaphore, #tpu.memory_space<semaphore_mem>>
    %dma_start3A_29 = arith.constant 0 : i32
    %dma_start3A_30 = arith.constant 0 : i32
    %dma_start3A_31 = tpu.memref_slice %arg3[%dma_start3A_25, %dma_start3A_29, %dma_start3A_30] : memref<12x128x1024xf32, #tpu.memory_space<vmem_shared>> -> memref<1x128x1024xf32, #tpu.memory_space<vmem_shared>>
    %dma_start3A_32 = tpu.memref_squeeze %dma_start3A_31 : memref<1x128x1024xf32, #tpu.memory_space<vmem_shared>> -> memref<128x1024xf32, #tpu.memory_space<vmem_shared>>
    %dma_start3A_33 = arith.constant 0 : i32
    %dma_start3A_34 = tpu.memref_slice %arg1[%add3A_24, %dma_start3A_33] : memref<8192x1024xf32, #tpu.memory_space<hbm>> -> memref<128x1024xf32, #tpu.memory_space<hbm>>
    tpu.enqueue_dma source(%dma_start3A_34 : memref<128x1024xf32, #tpu.memory_space<hbm>>) target(%dma_start3A_32 : memref<128x1024xf32, #tpu.memory_space<vmem_shared>>) target_semaphore(%dma_start3A_28 : memref<!tpu.dma_semaphore, #tpu.memory_space<semaphore_mem>>)
    %add3A_35 = arith.constant 384 : i32
    %add3A_36 = arith.addi %mul3A_0, %add3A_35 : i32
    %dma_start3A_37 = arith.constant 3 : i32
    %dma_start3A_38 = arith.constant 3 : i32
    %dma_start3A_39 = tpu.memref_slice %arg4[%dma_start3A_38] : memref<12x!tpu.dma_semaphore, #tpu.memory_space<semaphore_mem>> -> memref<1x!tpu.dma_semaphore, #tpu.memory_space<semaphore_mem>>
    %dma_start3A_40 = tpu.memref_squeeze %dma_start3A_39 : memref<1x!tpu.dma_semaphore, #tpu.memory_space<semaphore_mem>> -> memref<!tpu.dma_semaphore, #tpu.memory_space<semaphore_mem>>
    %dma_start3A_41 = arith.constant 0 : i32
    %dma_start3A_42 = arith.constant 0 : i32
    %dma_start3A_43 = tpu.memref_slice %arg3[%dma_start3A_37, %dma_start3A_41, %dma_start3A_42] : memref<12x128x1024xf32, #tpu.memory_space<vmem_shared>> -> memref<1x128x1024xf32, #tpu.memory_space<vmem_shared>>
    %dma_start3A_44 = tpu.memref_squeeze %dma_start3A_43 : memref<1x128x1024xf32, #tpu.memory_space<vmem_shared>> -> memref<128x1024xf32, #tpu.memory_space<vmem_shared>>
    %dma_start3A_45 = arith.constant 0 : i32
    %dma_start3A_46 = tpu.memref_slice %arg1[%add3A_36, %dma_start3A_45] : memref<8192x1024xf32, #tpu.memory_space<hbm>> -> memref<128x1024xf32, #tpu.memory_space<hbm>>
    tpu.enqueue_dma source(%dma_start3A_46 : memref<128x1024xf32, #tpu.memory_space<hbm>>) target(%dma_start3A_44 : memref<128x1024xf32, #tpu.memory_space<vmem_shared>>) target_semaphore(%dma_start3A_40 : memref<!tpu.dma_semaphore, #tpu.memory_space<semaphore_mem>>)
    %add3A_47 = arith.constant 512 : i32
    %add3A_48 = arith.addi %mul3A_0, %add3A_47 : i32
    %dma_start3A_49 = arith.constant 4 : i32
    %dma_start3A_50 = arith.constant 4 : i32
    %dma_start3A_51 = tpu.memref_slice %arg4[%dma_start3A_50] : memref<12x!tpu.dma_semaphore, #tpu.memory_space<semaphore_mem>> -> memref<1x!tpu.dma_semaphore, #tpu.memory_space<semaphore_mem>>
    %dma_start3A_52 = tpu.memref_squeeze %dma_start3A_51 : memref<1x!tpu.dma_semaphore, #tpu.memory_space<semaphore_mem>> -> memref<!tpu.dma_semaphore, #tpu.memory_space<semaphore_mem>>
    %dma_start3A_53 = arith.constant 0 : i32
    %dma_start3A_54 = arith.constant 0 : i32
    %dma_start3A_55 = tpu.memref_slice %arg3[%dma_start3A_49, %dma_start3A_53, %dma_start3A_54] : memref<12x128x1024xf32, #tpu.memory_space<vmem_shared>> -> memref<1x128x1024xf32, #tpu.memory_space<vmem_shared>>
    %dma_start3A_56 = tpu.memref_squeeze %dma_start3A_55 : memref<1x128x1024xf32, #tpu.memory_space<vmem_shared>> -> memref<128x1024xf32, #tpu.memory_space<vmem_shared>>
    %dma_start3A_57 = arith.constant 0 : i32
    %dma_start3A_58 = tpu.memref_slice %arg1[%add3A_48, %dma_start3A_57] : memref<8192x1024xf32, #tpu.memory_space<hbm>> -> memref<128x1024xf32, #tpu.memory_space<hbm>>
    tpu.enqueue_dma source(%dma_start3A_58 : memref<128x1024xf32, #tpu.memory_space<hbm>>) target(%dma_start3A_56 : memref<128x1024xf32, #tpu.memory_space<vmem_shared>>) target_semaphore(%dma_start3A_52 : memref<!tpu.dma_semaphore, #tpu.memory_space<semaphore_mem>>)
    %add3A_59 = arith.constant 640 : i32
    %add3A_60 = arith.addi %mul3A_0, %add3A_59 : i32
    %dma_start3A_61 = arith.constant 5 : i32
    %dma_start3A_62 = arith.constant 5 : i32
    %dma_start3A_63 = tpu.memref_slice %arg4[%dma_start3A_62] : memref<12x!tpu.dma_semaphore, #tpu.memory_space<semaphore_mem>> -> memref<1x!tpu.dma_semaphore, #tpu.memory_space<semaphore_mem>>
    %dma_start3A_64 = tpu.memref_squeeze %dma_start3A_63 : memref<1x!tpu.dma_semaphore, #tpu.memory_space<semaphore_mem>> -> memref<!tpu.dma_semaphore, #tpu.memory_space<semaphore_mem>>
    %dma_start3A_65 = arith.constant 0 : i32
    %dma_start3A_66 = arith.constant 0 : i32
    %dma_start3A_67 = tpu.memref_slice %arg3[%dma_start3A_61, %dma_start3A_65, %dma_start3A_66] : memref<12x128x1024xf32, #tpu.memory_space<vmem_shared>> -> memref<1x128x1024xf32, #tpu.memory_space<vmem_shared>>
    %dma_start3A_68 = tpu.memref_squeeze %dma_start3A_67 : memref<1x128x1024xf32, #tpu.memory_space<vmem_shared>> -> memref<128x1024xf32, #tpu.memory_space<vmem_shared>>
    %dma_start3A_69 = arith.constant 0 : i32
    %dma_start3A_70 = tpu.memref_slice %arg1[%add3A_60, %dma_start3A_69] : memref<8192x1024xf32, #tpu.memory_space<hbm>> -> memref<128x1024xf32, #tpu.memory_space<hbm>>
    tpu.enqueue_dma source(%dma_start3A_70 : memref<128x1024xf32, #tpu.memory_space<hbm>>) target(%dma_start3A_68 : memref<128x1024xf32, #tpu.memory_space<vmem_shared>>) target_semaphore(%dma_start3A_64 : memref<!tpu.dma_semaphore, #tpu.memory_space<semaphore_mem>>)
    %add3A_71 = arith.constant 768 : i32
    %add3A_72 = arith.addi %mul3A_0, %add3A_71 : i32
    %dma_start3A_73 = arith.constant 6 : i32
    %dma_start3A_74 = arith.constant 6 : i32
    %dma_start3A_75 = tpu.memref_slice %arg4[%dma_start3A_74] : memref<12x!tpu.dma_semaphore, #tpu.memory_space<semaphore_mem>> -> memref<1x!tpu.dma_semaphore, #tpu.memory_space<semaphore_mem>>
    %dma_start3A_76 = tpu.memref_squeeze %dma_start3A_75 : memref<1x!tpu.dma_semaphore, #tpu.memory_space<semaphore_mem>> -> memref<!tpu.dma_semaphore, #tpu.memory_space<semaphore_mem>>
    %dma_start3A_77 = arith.constant 0 : i32
    %dma_start3A_78 = arith.constant 0 : i32
    %dma_start3A_79 = tpu.memref_slice %arg3[%dma_start3A_73, %dma_start3A_77, %dma_start3A_78] : memref<12x128x1024xf32, #tpu.memory_space<vmem_shared>> -> memref<1x128x1024xf32, #tpu.memory_space<vmem_shared>>
    %dma_start3A_80 = tpu.memref_squeeze %dma_start3A_79 : memref<1x128x1024xf32, #tpu.memory_space<vmem_shared>> -> memref<128x1024xf32, #tpu.memory_space<vmem_shared>>
    %dma_start3A_81 = arith.constant 0 : i32
    %dma_start3A_82 = tpu.memref_slice %arg1[%add3A_72, %dma_start3A_81] : memref<8192x1024xf32, #tpu.memory_space<hbm>> -> memref<128x1024xf32, #tpu.memory_space<hbm>>
    tpu.enqueue_dma source(%dma_start3A_82 : memref<128x1024xf32, #tpu.memory_space<hbm>>) target(%dma_start3A_80 : memref<128x1024xf32, #tpu.memory_space<vmem_shared>>) target_semaphore(%dma_start3A_76 : memref<!tpu.dma_semaphore, #tpu.memory_space<semaphore_mem>>)
    %add3A_83 = arith.constant 896 : i32
    %add3A_84 = arith.addi %mul3A_0, %add3A_83 : i32
    %dma_start3A_85 = arith.constant 7 : i32
    %dma_start3A_86 = arith.constant 7 : i32
    %dma_start3A_87 = tpu.memref_slice %arg4[%dma_start3A_86] : memref<12x!tpu.dma_semaphore, #tpu.memory_space<semaphore_mem>> -> memref<1x!tpu.dma_semaphore, #tpu.memory_space<semaphore_mem>>
    %dma_start3A_88 = tpu.memref_squeeze %dma_start3A_87 : memref<1x!tpu.dma_semaphore, #tpu.memory_space<semaphore_mem>> -> memref<!tpu.dma_semaphore, #tpu.memory_space<semaphore_mem>>
    %dma_start3A_89 = arith.constant 0 : i32
    %dma_start3A_90 = arith.constant 0 : i32
    %dma_start3A_91 = tpu.memref_slice %arg3[%dma_start3A_85, %dma_start3A_89, %dma_start3A_90] : memref<12x128x1024xf32, #tpu.memory_space<vmem_shared>> -> memref<1x128x1024xf32, #tpu.memory_space<vmem_shared>>
    %dma_start3A_92 = tpu.memref_squeeze %dma_start3A_91 : memref<1x128x1024xf32, #tpu.memory_space<vmem_shared>> -> memref<128x1024xf32, #tpu.memory_space<vmem_shared>>
    %dma_start3A_93 = arith.constant 0 : i32
    %dma_start3A_94 = tpu.memref_slice %arg1[%add3A_84, %dma_start3A_93] : memref<8192x1024xf32, #tpu.memory_space<hbm>> -> memref<128x1024xf32, #tpu.memory_space<hbm>>
    tpu.enqueue_dma source(%dma_start3A_94 : memref<128x1024xf32, #tpu.memory_space<hbm>>) target(%dma_start3A_92 : memref<128x1024xf32, #tpu.memory_space<vmem_shared>>) target_semaphore(%dma_start3A_88 : memref<!tpu.dma_semaphore, #tpu.memory_space<semaphore_mem>>)
    %add3A_95 = arith.constant 1024 : i32
    %add3A_96 = arith.addi %mul3A_0, %add3A_95 : i32
    %dma_start3A_97 = arith.constant 8 : i32
    %dma_start3A_98 = arith.constant 8 : i32
    %dma_start3A_99 = tpu.memref_slice %arg4[%dma_start3A_98] : memref<12x!tpu.dma_semaphore, #tpu.memory_space<semaphore_mem>> -> memref<1x!tpu.dma_semaphore, #tpu.memory_space<semaphore_mem>>
    %dma_start3A_100 = tpu.memref_squeeze %dma_start3A_99 : memref<1x!tpu.dma_semaphore, #tpu.memory_space<semaphore_mem>> -> memref<!tpu.dma_semaphore, #tpu.memory_space<semaphore_mem>>
    %dma_start3A_101 = arith.constant 0 : i32
    %dma_start3A_102 = arith.constant 0 : i32
    %dma_start3A_103 = tpu.memref_slice %arg3[%dma_start3A_97, %dma_start3A_101, %dma_start3A_102] : memref<12x128x1024xf32, #tpu.memory_space<vmem_shared>> -> memref<1x128x1024xf32, #tpu.memory_space<vmem_shared>>
    %dma_start3A_104 = tpu.memref_squeeze %dma_start3A_103 : memref<1x128x1024xf32, #tpu.memory_space<vmem_shared>> -> memref<128x1024xf32, #tpu.memory_space<vmem_shared>>
    %dma_start3A_105 = arith.constant 0 : i32
    %dma_start3A_106 = tpu.memref_slice %arg1[%add3A_96, %dma_start3A_105] : memref<8192x1024xf32, #tpu.memory_space<hbm>> -> memref<128x1024xf32, #tpu.memory_space<hbm>>
    tpu.enqueue_dma source(%dma_start3A_106 : memref<128x1024xf32, #tpu.memory_space<hbm>>) target(%dma_start3A_104 : memref<128x1024xf32, #tpu.memory_space<vmem_shared>>) target_semaphore(%dma_start3A_100 : memref<!tpu.dma_semaphore, #tpu.memory_space<semaphore_mem>>)
    %add3A_107 = arith.constant 1152 : i32
    %add3A_108 = arith.addi %mul3A_0, %add3A_107 : i32
    %dma_start3A_109 = arith.constant 9 : i32
    %dma_start3A_110 = arith.constant 9 : i32
    %dma_start3A_111 = tpu.memref_slice %arg4[%dma_start3A_110] : memref<12x!tpu.dma_semaphore, #tpu.memory_space<semaphore_mem>> -> memref<1x!tpu.dma_semaphore, #tpu.memory_space<semaphore_mem>>
    %dma_start3A_112 = tpu.memref_squeeze %dma_start3A_111 : memref<1x!tpu.dma_semaphore, #tpu.memory_space<semaphore_mem>> -> memref<!tpu.dma_semaphore, #tpu.memory_space<semaphore_mem>>
    %dma_start3A_113 = arith.constant 0 : i32
    %dma_start3A_114 = arith.constant 0 : i32
    %dma_start3A_115 = tpu.memref_slice %arg3[%dma_start3A_109, %dma_start3A_113, %dma_start3A_114] : memref<12x128x1024xf32, #tpu.memory_space<vmem_shared>> -> memref<1x128x1024xf32, #tpu.memory_space<vmem_shared>>
    %dma_start3A_116 = tpu.memref_squeeze %dma_start3A_115 : memref<1x128x1024xf32, #tpu.memory_space<vmem_shared>> -> memref<128x1024xf32, #tpu.memory_space<vmem_shared>>
    %dma_start3A_117 = arith.constant 0 : i32
    %dma_start3A_118 = tpu.memref_slice %arg1[%add3A_108, %dma_start3A_117] : memref<8192x1024xf32, #tpu.memory_space<hbm>> -> memref<128x1024xf32, #tpu.memory_space<hbm>>
    tpu.enqueue_dma source(%dma_start3A_118 : memref<128x1024xf32, #tpu.memory_space<hbm>>) target(%dma_start3A_116 : memref<128x1024xf32, #tpu.memory_space<vmem_shared>>) target_semaphore(%dma_start3A_112 : memref<!tpu.dma_semaphore, #tpu.memory_space<semaphore_mem>>)
    %add3A_119 = arith.constant 1280 : i32
    %add3A_120 = arith.addi %mul3A_0, %add3A_119 : i32
    %dma_start3A_121 = arith.constant 10 : i32
    %dma_start3A_122 = arith.constant 10 : i32
    %dma_start3A_123 = tpu.memref_slice %arg4[%dma_start3A_122] : memref<12x!tpu.dma_semaphore, #tpu.memory_space<semaphore_mem>> -> memref<1x!tpu.dma_semaphore, #tpu.memory_space<semaphore_mem>>
    %dma_start3A_124 = tpu.memref_squeeze %dma_start3A_123 : memref<1x!tpu.dma_semaphore, #tpu.memory_space<semaphore_mem>> -> memref<!tpu.dma_semaphore, #tpu.memory_space<semaphore_mem>>
    %dma_start3A_125 = arith.constant 0 : i32
    %dma_start3A_126 = arith.constant 0 : i32
    %dma_start3A_127 = tpu.memref_slice %arg3[%dma_start3A_121, %dma_start3A_125, %dma_start3A_126] : memref<12x128x1024xf32, #tpu.memory_space<vmem_shared>> -> memref<1x128x1024xf32, #tpu.memory_space<vmem_shared>>
    %dma_start3A_128 = tpu.memref_squeeze %dma_start3A_127 : memref<1x128x1024xf32, #tpu.memory_space<vmem_shared>> -> memref<128x1024xf32, #tpu.memory_space<vmem_shared>>
    %dma_start3A_129 = arith.constant 0 : i32
    %dma_start3A_130 = tpu.memref_slice %arg1[%add3A_120, %dma_start3A_129] : memref<8192x1024xf32, #tpu.memory_space<hbm>> -> memref<128x1024xf32, #tpu.memory_space<hbm>>
    tpu.enqueue_dma source(%dma_start3A_130 : memref<128x1024xf32, #tpu.memory_space<hbm>>) target(%dma_start3A_128 : memref<128x1024xf32, #tpu.memory_space<vmem_shared>>) target_semaphore(%dma_start3A_124 : memref<!tpu.dma_semaphore, #tpu.memory_space<semaphore_mem>>)
    %add3A_131 = arith.constant 0 : i32
    %add3A_132 = arith.addi %mul3A_0, %add3A_131 : i32
    %dma_wait3A = arith.constant 0 : i32
    %dma_wait3A_133 = arith.constant 0 : i32
    %dma_wait3A_134 = tpu.memref_slice %arg4[%dma_wait3A_133] : memref<12x!tpu.dma_semaphore, #tpu.memory_space<semaphore_mem>> -> memref<1x!tpu.dma_semaphore, #tpu.memory_space<semaphore_mem>>
    %dma_wait3A_135 = tpu.memref_squeeze %dma_wait3A_134 : memref<1x!tpu.dma_semaphore, #tpu.memory_space<semaphore_mem>> -> memref<!tpu.dma_semaphore, #tpu.memory_space<semaphore_mem>>
    %dma_wait3A_136 = arith.constant 0 : i32
    %dma_wait3A_137 = arith.constant 0 : i32
    %dma_wait3A_138 = tpu.memref_slice %arg3[%dma_wait3A, %dma_wait3A_136, %dma_wait3A_137] : memref<12x128x1024xf32, #tpu.memory_space<vmem_shared>> -> memref<1x128x1024xf32, #tpu.memory_space<vmem_shared>>
    %dma_wait3A_139 = tpu.memref_squeeze %dma_wait3A_138 : memref<1x128x1024xf32, #tpu.memory_space<vmem_shared>> -> memref<128x1024xf32, #tpu.memory_space<vmem_shared>>
    %dma_wait3A_140 = arith.constant 0 : i32
    %dma_wait3A_141 = tpu.memref_slice %arg1[%add3A_132, %dma_wait3A_140] : memref<8192x1024xf32, #tpu.memory_space<hbm>> -> memref<128x1024xf32, #tpu.memory_space<hbm>>
    tpu.wait_dma2 semaphore(%dma_wait3A_135 : memref<!tpu.dma_semaphore, #tpu.memory_space<semaphore_mem>>) src(%dma_wait3A_141 : memref<128x1024xf32, #tpu.memory_space<hbm>>) dst(%dma_wait3A_139 : memref<128x1024xf32, #tpu.memory_space<vmem_shared>>)
    %add3A_142 = arith.constant 0 : i32
    %add3A_143 = arith.addi %mul3A_0, %add3A_142 : i32
    %dma_start3A_144 = arith.constant 0 : i32
    %dma_start3A_145 = arith.constant 0 : i32
    %dma_start3A_146 = tpu.memref_slice %arg5[%dma_start3A_145] : memref<12x!tpu.dma_semaphore, #tpu.memory_space<semaphore_mem>> -> memref<1x!tpu.dma_semaphore, #tpu.memory_space<semaphore_mem>>
    %dma_start3A_147 = tpu.memref_squeeze %dma_start3A_146 : memref<1x!tpu.dma_semaphore, #tpu.memory_space<semaphore_mem>> -> memref<!tpu.dma_semaphore, #tpu.memory_space<semaphore_mem>>
    %dma_start3A_148 = arith.constant 0 : i32
    %dma_start3A_149 = tpu.memref_slice %arg2[%add3A_143, %dma_start3A_148] : memref<8192x1024xf32, #tpu.memory_space<hbm>> -> memref<128x1024xf32, #tpu.memory_space<hbm>>
    %dma_start3A_150 = arith.constant 0 : i32
    %dma_start3A_151 = arith.constant 0 : i32
    %dma_start3A_152 = tpu.memref_slice %arg3[%dma_start3A_144, %dma_start3A_150, %dma_start3A_151] : memref<12x128x1024xf32, #tpu.memory_space<vmem_shared>> -> memref<1x128x1024xf32, #tpu.memory_space<vmem_shared>>
    %dma_start3A_153 = tpu.memref_squeeze %dma_start3A_152 : memref<1x128x1024xf32, #tpu.memory_space<vmem_shared>> -> memref<128x1024xf32, #tpu.memory_space<vmem_shared>>
    tpu.enqueue_dma source(%dma_start3A_153 : memref<128x1024xf32, #tpu.memory_space<vmem_shared>>) target(%dma_start3A_149 : memref<128x1024xf32, #tpu.memory_space<hbm>>) target_semaphore(%dma_start3A_147 : memref<!tpu.dma_semaphore, #tpu.memory_space<semaphore_mem>>)
    %add3A_154 = arith.constant 1408 : i32
    %add3A_155 = arith.addi %mul3A_0, %add3A_154 : i32
    %dma_start3A_156 = arith.constant 11 : i32
    %dma_start3A_157 = arith.constant 11 : i32
    %dma_start3A_158 = tpu.memref_slice %arg4[%dma_start3A_157] : memref<12x!tpu.dma_semaphore, #tpu.memory_space<semaphore_mem>> -> memref<1x!tpu.dma_semaphore, #tpu.memory_space<semaphore_mem>>
    %dma_start3A_159 = tpu.memref_squeeze %dma_start3A_158 : memref<1x!tpu.dma_semaphore, #tpu.memory_space<semaphore_mem>> -> memref<!tpu.dma_semaphore, #tpu.memory_space<semaphore_mem>>
    %dma_start3A_160 = arith.constant 0 : i32
    %dma_start3A_161 = arith.constant 0 : i32
    %dma_start3A_162 = tpu.memref_slice %arg3[%dma_start3A_156, %dma_start3A_160, %dma_start3A_161] : memref<12x128x1024xf32, #tpu.memory_space<vmem_shared>> -> memref<1x128x1024xf32, #tpu.memory_space<vmem_shared>>
    %dma_start3A_163 = tpu.memref_squeeze %dma_start3A_162 : memref<1x128x1024xf32, #tpu.memory_space<vmem_shared>> -> memref<128x1024xf32, #tpu.memory_space<vmem_shared>>
    %dma_start3A_164 = arith.constant 0 : i32
    %dma_start3A_165 = tpu.memref_slice %arg1[%add3A_155, %dma_start3A_164] : memref<8192x1024xf32, #tpu.memory_space<hbm>> -> memref<128x1024xf32, #tpu.memory_space<hbm>>
    tpu.enqueue_dma source(%dma_start3A_165 : memref<128x1024xf32, #tpu.memory_space<hbm>>) target(%dma_start3A_163 : memref<128x1024xf32, #tpu.memory_space<vmem_shared>>) target_semaphore(%dma_start3A_159 : memref<!tpu.dma_semaphore, #tpu.memory_space<semaphore_mem>>)
    %add3A_166 = arith.constant 128 : i32
    %add3A_167 = arith.addi %mul3A_0, %add3A_166 : i32
    %dma_wait3A_168 = arith.constant 1 : i32
    %dma_wait3A_169 = arith.constant 1 : i32
    %dma_wait3A_170 = tpu.memref_slice %arg4[%dma_wait3A_169] : memref<12x!tpu.dma_semaphore, #tpu.memory_space<semaphore_mem>> -> memref<1x!tpu.dma_semaphore, #tpu.memory_space<semaphore_mem>>
    %dma_wait3A_171 = tpu.memref_squeeze %dma_wait3A_170 : memref<1x!tpu.dma_semaphore, #tpu.memory_space<semaphore_mem>> -> memref<!tpu.dma_semaphore, #tpu.memory_space<semaphore_mem>>
    %dma_wait3A_172 = arith.constant 0 : i32
    %dma_wait3A_173 = arith.constant 0 : i32
    %dma_wait3A_174 = tpu.memref_slice %arg3[%dma_wait3A_168, %dma_wait3A_172, %dma_wait3A_173] : memref<12x128x1024xf32, #tpu.memory_space<vmem_shared>> -> memref<1x128x1024xf32, #tpu.memory_space<vmem_shared>>
    %dma_wait3A_175 = tpu.memref_squeeze %dma_wait3A_174 : memref<1x128x1024xf32, #tpu.memory_space<vmem_shared>> -> memref<128x1024xf32, #tpu.memory_space<vmem_shared>>
    %dma_wait3A_176 = arith.constant 0 : i32
    %dma_wait3A_177 = tpu.memref_slice %arg1[%add3A_167, %dma_wait3A_176] : memref<8192x1024xf32, #tpu.memory_space<hbm>> -> memref<128x1024xf32, #tpu.memory_space<hbm>>
    tpu.wait_dma2 semaphore(%dma_wait3A_171 : memref<!tpu.dma_semaphore, #tpu.memory_space<semaphore_mem>>) src(%dma_wait3A_177 : memref<128x1024xf32, #tpu.memory_space<hbm>>) dst(%dma_wait3A_175 : memref<128x1024xf32, #tpu.memory_space<vmem_shared>>)
    %add3A_178 = arith.constant 128 : i32
    %add3A_179 = arith.addi %mul3A_0, %add3A_178 : i32
    %dma_start3A_180 = arith.constant 1 : i32
    %dma_start3A_181 = arith.constant 1 : i32
    %dma_start3A_182 = tpu.memref_slice %arg5[%dma_start3A_181] : memref<12x!tpu.dma_semaphore, #tpu.memory_space<semaphore_mem>> -> memref<1x!tpu.dma_semaphore, #tpu.memory_space<semaphore_mem>>
    %dma_start3A_183 = tpu.memref_squeeze %dma_start3A_182 : memref<1x!tpu.dma_semaphore, #tpu.memory_space<semaphore_mem>> -> memref<!tpu.dma_semaphore, #tpu.memory_space<semaphore_mem>>
    %dma_start3A_184 = arith.constant 0 : i32
    %dma_start3A_185 = tpu.memref_slice %arg2[%add3A_179, %dma_start3A_184] : memref<8192x1024xf32, #tpu.memory_space<hbm>> -> memref<128x1024xf32, #tpu.memory_space<hbm>>
    %dma_start3A_186 = arith.constant 0 : i32
    %dma_start3A_187 = arith.constant 0 : i32
    %dma_start3A_188 = tpu.memref_slice %arg3[%dma_start3A_180, %dma_start3A_186, %dma_start3A_187] : memref<12x128x1024xf32, #tpu.memory_space<vmem_shared>> -> memref<1x128x1024xf32, #tpu.memory_space<vmem_shared>>
    %dma_start3A_189 = tpu.memref_squeeze %dma_start3A_188 : memref<1x128x1024xf32, #tpu.memory_space<vmem_shared>> -> memref<128x1024xf32, #tpu.memory_space<vmem_shared>>
    tpu.enqueue_dma source(%dma_start3A_189 : memref<128x1024xf32, #tpu.memory_space<vmem_shared>>) target(%dma_start3A_185 : memref<128x1024xf32, #tpu.memory_space<hbm>>) target_semaphore(%dma_start3A_183 : memref<!tpu.dma_semaphore, #tpu.memory_space<semaphore_mem>>)
    %add3A_190 = arith.constant 0 : i32
    %add3A_191 = arith.addi %mul3A_0, %add3A_190 : i32
    %dma_wait3A_192 = arith.constant 0 : i32
    %dma_wait3A_193 = arith.constant 0 : i32
    %dma_wait3A_194 = tpu.memref_slice %arg5[%dma_wait3A_193] : memref<12x!tpu.dma_semaphore, #tpu.memory_space<semaphore_mem>> -> memref<1x!tpu.dma_semaphore, #tpu.memory_space<semaphore_mem>>
    %dma_wait3A_195 = tpu.memref_squeeze %dma_wait3A_194 : memref<1x!tpu.dma_semaphore, #tpu.memory_space<semaphore_mem>> -> memref<!tpu.dma_semaphore, #tpu.memory_space<semaphore_mem>>
    %dma_wait3A_196 = arith.constant 0 : i32
    %dma_wait3A_197 = tpu.memref_slice %arg2[%add3A_191, %dma_wait3A_196] : memref<8192x1024xf32, #tpu.memory_space<hbm>> -> memref<128x1024xf32, #tpu.memory_space<hbm>>
    %dma_wait3A_198 = arith.constant 0 : i32
    %dma_wait3A_199 = arith.constant 0 : i32
    %dma_wait3A_200 = tpu.memref_slice %arg3[%dma_wait3A_192, %dma_wait3A_198, %dma_wait3A_199] : memref<12x128x1024xf32, #tpu.memory_space<vmem_shared>> -> memref<1x128x1024xf32, #tpu.memory_space<vmem_shared>>
    %dma_wait3A_201 = tpu.memref_squeeze %dma_wait3A_200 : memref<1x128x1024xf32, #tpu.memory_space<vmem_shared>> -> memref<128x1024xf32, #tpu.memory_space<vmem_shared>>
    tpu.wait_dma2 semaphore(%dma_wait3A_195 : memref<!tpu.dma_semaphore, #tpu.memory_space<semaphore_mem>>) src(%dma_wait3A_201 : memref<128x1024xf32, #tpu.memory_space<vmem_shared>>) dst(%dma_wait3A_197 : memref<128x1024xf32, #tpu.memory_space<hbm>>)
    %add3A_202 = arith.constant 1536 : i32
    %add3A_203 = arith.addi %mul3A_0, %add3A_202 : i32
    %dma_start3A_204 = arith.constant 0 : i32
    %dma_start3A_205 = arith.constant 0 : i32
    %dma_start3A_206 = tpu.memref_slice %arg4[%dma_start3A_205] : memref<12x!tpu.dma_semaphore, #tpu.memory_space<semaphore_mem>> -> memref<1x!tpu.dma_semaphore, #tpu.memory_space<semaphore_mem>>
    %dma_start3A_207 = tpu.memref_squeeze %dma_start3A_206 : memref<1x!tpu.dma_semaphore, #tpu.memory_space<semaphore_mem>> -> memref<!tpu.dma_semaphore, #tpu.memory_space<semaphore_mem>>
    %dma_start3A_208 = arith.constant 0 : i32
    %dma_start3A_209 = arith.constant 0 : i32
    %dma_start3A_210 = tpu.memref_slice %arg3[%dma_start3A_204, %dma_start3A_208, %dma_start3A_209] : memref<12x128x1024xf32, #tpu.memory_space<vmem_shared>> -> memref<1x128x1024xf32, #tpu.memory_space<vmem_shared>>
    %dma_start3A_211 = tpu.memref_squeeze %dma_start3A_210 : memref<1x128x1024xf32, #tpu.memory_space<vmem_shared>> -> memref<128x1024xf32, #tpu.memory_space<vmem_shared>>
    %dma_start3A_212 = arith.constant 0 : i32
    %dma_start3A_213 = tpu.memref_slice %arg1[%add3A_203, %dma_start3A_212] : memref<8192x1024xf32, #tpu.memory_space<hbm>> -> memref<128x1024xf32, #tpu.memory_space<hbm>>
    tpu.enqueue_dma source(%dma_start3A_213 : memref<128x1024xf32, #tpu.memory_space<hbm>>) target(%dma_start3A_211 : memref<128x1024xf32, #tpu.memory_space<vmem_shared>>) target_semaphore(%dma_start3A_207 : memref<!tpu.dma_semaphore, #tpu.memory_space<semaphore_mem>>)
    %add3A_214 = arith.constant 256 : i32
    %add3A_215 = arith.addi %mul3A_0, %add3A_214 : i32
    %dma_wait3A_216 = arith.constant 2 : i32
    %dma_wait3A_217 = arith.constant 2 : i32
    %dma_wait3A_218 = tpu.memref_slice %arg4[%dma_wait3A_217] : memref<12x!tpu.dma_semaphore, #tpu.memory_space<semaphore_mem>> -> memref<1x!tpu.dma_semaphore, #tpu.memory_space<semaphore_mem>>
    %dma_wait3A_219 = tpu.memref_squeeze %dma_wait3A_218 : memref<1x!tpu.dma_semaphore, #tpu.memory_space<semaphore_mem>> -> memref<!tpu.dma_semaphore, #tpu.memory_space<semaphore_mem>>
    %dma_wait3A_220 = arith.constant 0 : i32
    %dma_wait3A_221 = arith.constant 0 : i32
    %dma_wait3A_222 = tpu.memref_slice %arg3[%dma_wait3A_216, %dma_wait3A_220, %dma_wait3A_221] : memref<12x128x1024xf32, #tpu.memory_space<vmem_shared>> -> memref<1x128x1024xf32, #tpu.memory_space<vmem_shared>>
    %dma_wait3A_223 = tpu.memref_squeeze %dma_wait3A_222 : memref<1x128x1024xf32, #tpu.memory_space<vmem_shared>> -> memref<128x1024xf32, #tpu.memory_space<vmem_shared>>
    %dma_wait3A_224 = arith.constant 0 : i32
    %dma_wait3A_225 = tpu.memref_slice %arg1[%add3A_215, %dma_wait3A_224] : memref<8192x1024xf32, #tpu.memory_space<hbm>> -> memref<128x1024xf32, #tpu.memory_space<hbm>>
    tpu.wait_dma2 semaphore(%dma_wait3A_219 : memref<!tpu.dma_semaphore, #tpu.memory_space<semaphore_mem>>) src(%dma_wait3A_225 : memref<128x1024xf32, #tpu.memory_space<hbm>>) dst(%dma_wait3A_223 : memref<128x1024xf32, #tpu.memory_space<vmem_shared>>)
    %add3A_226 = arith.constant 256 : i32
    %add3A_227 = arith.addi %mul3A_0, %add3A_226 : i32
    %dma_start3A_228 = arith.constant 2 : i32
    %dma_start3A_229 = arith.constant 2 : i32
    %dma_start3A_230 = tpu.memref_slice %arg5[%dma_start3A_229] : memref<12x!tpu.dma_semaphore, #tpu.memory_space<semaphore_mem>> -> memref<1x!tpu.dma_semaphore, #tpu.memory_space<semaphore_mem>>
    %dma_start3A_231 = tpu.memref_squeeze %dma_start3A_230 : memref<1x!tpu.dma_semaphore, #tpu.memory_space<semaphore_mem>> -> memref<!tpu.dma_semaphore, #tpu.memory_space<semaphore_mem>>
    %dma_start3A_232 = arith.constant 0 : i32
    %dma_start3A_233 = tpu.memref_slice %arg2[%add3A_227, %dma_start3A_232] : memref<8192x1024xf32, #tpu.memory_space<hbm>> -> memref<128x1024xf32, #tpu.memory_space<hbm>>
    %dma_start3A_234 = arith.constant 0 : i32
    %dma_start3A_235 = arith.constant 0 : i32
    %dma_start3A_236 = tpu.memref_slice %arg3[%dma_start3A_228, %dma_start3A_234, %dma_start3A_235] : memref<12x128x1024xf32, #tpu.memory_space<vmem_shared>> -> memref<1x128x1024xf32, #tpu.memory_space<vmem_shared>>
    %dma_start3A_237 = tpu.memref_squeeze %dma_start3A_236 : memref<1x128x1024xf32, #tpu.memory_space<vmem_shared>> -> memref<128x1024xf32, #tpu.memory_space<vmem_shared>>
    tpu.enqueue_dma source(%dma_start3A_237 : memref<128x1024xf32, #tpu.memory_space<vmem_shared>>) target(%dma_start3A_233 : memref<128x1024xf32, #tpu.memory_space<hbm>>) target_semaphore(%dma_start3A_231 : memref<!tpu.dma_semaphore, #tpu.memory_space<semaphore_mem>>)
    %add3A_238 = arith.constant 128 : i32
    %add3A_239 = arith.addi %mul3A_0, %add3A_238 : i32
    %dma_wait3A_240 = arith.constant 1 : i32
    %dma_wait3A_241 = arith.constant 1 : i32
    %dma_wait3A_242 = tpu.memref_slice %arg5[%dma_wait3A_241] : memref<12x!tpu.dma_semaphore, #tpu.memory_space<semaphore_mem>> -> memref<1x!tpu.dma_semaphore, #tpu.memory_space<semaphore_mem>>
    %dma_wait3A_243 = tpu.memref_squeeze %dma_wait3A_242 : memref<1x!tpu.dma_semaphore, #tpu.memory_space<semaphore_mem>> -> memref<!tpu.dma_semaphore, #tpu.memory_space<semaphore_mem>>
    %dma_wait3A_244 = arith.constant 0 : i32
    %dma_wait3A_245 = tpu.memref_slice %arg2[%add3A_239, %dma_wait3A_244] : memref<8192x1024xf32, #tpu.memory_space<hbm>> -> memref<128x1024xf32, #tpu.memory_space<hbm>>
    %dma_wait3A_246 = arith.constant 0 : i32
    %dma_wait3A_247 = arith.constant 0 : i32
    %dma_wait3A_248 = tpu.memref_slice %arg3[%dma_wait3A_240, %dma_wait3A_246, %dma_wait3A_247] : memref<12x128x1024xf32, #tpu.memory_space<vmem_shared>> -> memref<1x128x1024xf32, #tpu.memory_space<vmem_shared>>
    %dma_wait3A_249 = tpu.memref_squeeze %dma_wait3A_248 : memref<1x128x1024xf32, #tpu.memory_space<vmem_shared>> -> memref<128x1024xf32, #tpu.memory_space<vmem_shared>>
    tpu.wait_dma2 semaphore(%dma_wait3A_243 : memref<!tpu.dma_semaphore, #tpu.memory_space<semaphore_mem>>) src(%dma_wait3A_249 : memref<128x1024xf32, #tpu.memory_space<vmem_shared>>) dst(%dma_wait3A_245 : memref<128x1024xf32, #tpu.memory_space<hbm>>)
    %add3A_250 = arith.constant 1664 : i32
    %add3A_251 = arith.addi %mul3A_0, %add3A_250 : i32
    %dma_start3A_252 = arith.constant 1 : i32
    %dma_start3A_253 = arith.constant 1 : i32
    %dma_start3A_254 = tpu.memref_slice %arg4[%dma_start3A_253] : memref<12x!tpu.dma_semaphore, #tpu.memory_space<semaphore_mem>> -> memref<1x!tpu.dma_semaphore, #tpu.memory_space<semaphore_mem>>
    %dma_start3A_255 = tpu.memref_squeeze %dma_start3A_254 : memref<1x!tpu.dma_semaphore, #tpu.memory_space<semaphore_mem>> -> memref<!tpu.dma_semaphore, #tpu.memory_space<semaphore_mem>>
    %dma_start3A_256 = arith.constant 0 : i32
    %dma_start3A_257 = arith.constant 0 : i32
    %dma_start3A_258 = tpu.memref_slice %arg3[%dma_start3A_252, %dma_start3A_256, %dma_start3A_257] : memref<12x128x1024xf32, #tpu.memory_space<vmem_shared>> -> memref<1x128x1024xf32, #tpu.memory_space<vmem_shared>>
    %dma_start3A_259 = tpu.memref_squeeze %dma_start3A_258 : memref<1x128x1024xf32, #tpu.memory_space<vmem_shared>> -> memref<128x1024xf32, #tpu.memory_space<vmem_shared>>
    %dma_start3A_260 = arith.constant 0 : i32
    %dma_start3A_261 = tpu.memref_slice %arg1[%add3A_251, %dma_start3A_260] : memref<8192x1024xf32, #tpu.memory_space<hbm>> -> memref<128x1024xf32, #tpu.memory_space<hbm>>
    tpu.enqueue_dma source(%dma_start3A_261 : memref<128x1024xf32, #tpu.memory_space<hbm>>) target(%dma_start3A_259 : memref<128x1024xf32, #tpu.memory_space<vmem_shared>>) target_semaphore(%dma_start3A_255 : memref<!tpu.dma_semaphore, #tpu.memory_space<semaphore_mem>>)
    %add3A_262 = arith.constant 384 : i32
    %add3A_263 = arith.addi %mul3A_0, %add3A_262 : i32
    %dma_wait3A_264 = arith.constant 3 : i32
    %dma_wait3A_265 = arith.constant 3 : i32
    %dma_wait3A_266 = tpu.memref_slice %arg4[%dma_wait3A_265] : memref<12x!tpu.dma_semaphore, #tpu.memory_space<semaphore_mem>> -> memref<1x!tpu.dma_semaphore, #tpu.memory_space<semaphore_mem>>
    %dma_wait3A_267 = tpu.memref_squeeze %dma_wait3A_266 : memref<1x!tpu.dma_semaphore, #tpu.memory_space<semaphore_mem>> -> memref<!tpu.dma_semaphore, #tpu.memory_space<semaphore_mem>>
    %dma_wait3A_268 = arith.constant 0 : i32
    %dma_wait3A_269 = arith.constant 0 : i32
    %dma_wait3A_270 = tpu.memref_slice %arg3[%dma_wait3A_264, %dma_wait3A_268, %dma_wait3A_269] : memref<12x128x1024xf32, #tpu.memory_space<vmem_shared>> -> memref<1x128x1024xf32, #tpu.memory_space<vmem_shared>>
    %dma_wait3A_271 = tpu.memref_squeeze %dma_wait3A_270 : memref<1x128x1024xf32, #tpu.memory_space<vmem_shared>> -> memref<128x1024xf32, #tpu.memory_space<vmem_shared>>
    %dma_wait3A_272 = arith.constant 0 : i32
    %dma_wait3A_273 = tpu.memref_slice %arg1[%add3A_263, %dma_wait3A_272] : memref<8192x1024xf32, #tpu.memory_space<hbm>> -> memref<128x1024xf32, #tpu.memory_space<hbm>>
    tpu.wait_dma2 semaphore(%dma_wait3A_267 : memref<!tpu.dma_semaphore, #tpu.memory_space<semaphore_mem>>) src(%dma_wait3A_273 : memref<128x1024xf32, #tpu.memory_space<hbm>>) dst(%dma_wait3A_271 : memref<128x1024xf32, #tpu.memory_space<vmem_shared>>)
    %add3A_274 = arith.constant 384 : i32
    %add3A_275 = arith.addi %mul3A_0, %add3A_274 : i32
    %dma_start3A_276 = arith.constant 3 : i32
    %dma_start3A_277 = arith.constant 3 : i32
    %dma_start3A_278 = tpu.memref_slice %arg5[%dma_start3A_277] : memref<12x!tpu.dma_semaphore, #tpu.memory_space<semaphore_mem>> -> memref<1x!tpu.dma_semaphore, #tpu.memory_space<semaphore_mem>>
    %dma_start3A_279 = tpu.memref_squeeze %dma_start3A_278 : memref<1x!tpu.dma_semaphore, #tpu.memory_space<semaphore_mem>> -> memref<!tpu.dma_semaphore, #tpu.memory_space<semaphore_mem>>
    %dma_start3A_280 = arith.constant 0 : i32
    %dma_start3A_281 = tpu.memref_slice %arg2[%add3A_275, %dma_start3A_280] : memref<8192x1024xf32, #tpu.memory_space<hbm>> -> memref<128x1024xf32, #tpu.memory_space<hbm>>
    %dma_start3A_282 = arith.constant 0 : i32
    %dma_start3A_283 = arith.constant 0 : i32
    %dma_start3A_284 = tpu.memref_slice %arg3[%dma_start3A_276, %dma_start3A_282, %dma_start3A_283] : memref<12x128x1024xf32, #tpu.memory_space<vmem_shared>> -> memref<1x128x1024xf32, #tpu.memory_space<vmem_shared>>
    %dma_start3A_285 = tpu.memref_squeeze %dma_start3A_284 : memref<1x128x1024xf32, #tpu.memory_space<vmem_shared>> -> memref<128x1024xf32, #tpu.memory_space<vmem_shared>>
    tpu.enqueue_dma source(%dma_start3A_285 : memref<128x1024xf32, #tpu.memory_space<vmem_shared>>) target(%dma_start3A_281 : memref<128x1024xf32, #tpu.memory_space<hbm>>) target_semaphore(%dma_start3A_279 : memref<!tpu.dma_semaphore, #tpu.memory_space<semaphore_mem>>)
    %add3A_286 = arith.constant 256 : i32
    %add3A_287 = arith.addi %mul3A_0, %add3A_286 : i32
    %dma_wait3A_288 = arith.constant 2 : i32
    %dma_wait3A_289 = arith.constant 2 : i32
    %dma_wait3A_290 = tpu.memref_slice %arg5[%dma_wait3A_289] : memref<12x!tpu.dma_semaphore, #tpu.memory_space<semaphore_mem>> -> memref<1x!tpu.dma_semaphore, #tpu.memory_space<semaphore_mem>>
    %dma_wait3A_291 = tpu.memref_squeeze %dma_wait3A_290 : memref<1x!tpu.dma_semaphore, #tpu.memory_space<semaphore_mem>> -> memref<!tpu.dma_semaphore, #tpu.memory_space<semaphore_mem>>
    %dma_wait3A_292 = arith.constant 0 : i32
    %dma_wait3A_293 = tpu.memref_slice %arg2[%add3A_287, %dma_wait3A_292] : memref<8192x1024xf32, #tpu.memory_space<hbm>> -> memref<128x1024xf32, #tpu.memory_space<hbm>>
    %dma_wait3A_294 = arith.constant 0 : i32
    %dma_wait3A_295 = arith.constant 0 : i32
    %dma_wait3A_296 = tpu.memref_slice %arg3[%dma_wait3A_288, %dma_wait3A_294, %dma_wait3A_295] : memref<12x128x1024xf32, #tpu.memory_space<vmem_shared>> -> memref<1x128x1024xf32, #tpu.memory_space<vmem_shared>>
    %dma_wait3A_297 = tpu.memref_squeeze %dma_wait3A_296 : memref<1x128x1024xf32, #tpu.memory_space<vmem_shared>> -> memref<128x1024xf32, #tpu.memory_space<vmem_shared>>
    tpu.wait_dma2 semaphore(%dma_wait3A_291 : memref<!tpu.dma_semaphore, #tpu.memory_space<semaphore_mem>>) src(%dma_wait3A_297 : memref<128x1024xf32, #tpu.memory_space<vmem_shared>>) dst(%dma_wait3A_293 : memref<128x1024xf32, #tpu.memory_space<hbm>>)
    %add3A_298 = arith.constant 1792 : i32
    %add3A_299 = arith.addi %mul3A_0, %add3A_298 : i32
    %dma_start3A_300 = arith.constant 2 : i32
    %dma_start3A_301 = arith.constant 2 : i32
    %dma_start3A_302 = tpu.memref_slice %arg4[%dma_start3A_301] : memref<12x!tpu.dma_semaphore, #tpu.memory_space<semaphore_mem>> -> memref<1x!tpu.dma_semaphore, #tpu.memory_space<semaphore_mem>>
    %dma_start3A_303 = tpu.memref_squeeze %dma_start3A_302 : memref<1x!tpu.dma_semaphore, #tpu.memory_space<semaphore_mem>> -> memref<!tpu.dma_semaphore, #tpu.memory_space<semaphore_mem>>
    %dma_start3A_304 = arith.constant 0 : i32
    %dma_start3A_305 = arith.constant 0 : i32
    %dma_start3A_306 = tpu.memref_slice %arg3[%dma_start3A_300, %dma_start3A_304, %dma_start3A_305] : memref<12x128x1024xf32, #tpu.memory_space<vmem_shared>> -> memref<1x128x1024xf32, #tpu.memory_space<vmem_shared>>
    %dma_start3A_307 = tpu.memref_squeeze %dma_start3A_306 : memref<1x128x1024xf32, #tpu.memory_space<vmem_shared>> -> memref<128x1024xf32, #tpu.memory_space<vmem_shared>>
    %dma_start3A_308 = arith.constant 0 : i32
    %dma_start3A_309 = tpu.memref_slice %arg1[%add3A_299, %dma_start3A_308] : memref<8192x1024xf32, #tpu.memory_space<hbm>> -> memref<128x1024xf32, #tpu.memory_space<hbm>>
    tpu.enqueue_dma source(%dma_start3A_309 : memref<128x1024xf32, #tpu.memory_space<hbm>>) target(%dma_start3A_307 : memref<128x1024xf32, #tpu.memory_space<vmem_shared>>) target_semaphore(%dma_start3A_303 : memref<!tpu.dma_semaphore, #tpu.memory_space<semaphore_mem>>)
    %add3A_310 = arith.constant 512 : i32
    %add3A_311 = arith.addi %mul3A_0, %add3A_310 : i32
    %dma_wait3A_312 = arith.constant 4 : i32
    %dma_wait3A_313 = arith.constant 4 : i32
    %dma_wait3A_314 = tpu.memref_slice %arg4[%dma_wait3A_313] : memref<12x!tpu.dma_semaphore, #tpu.memory_space<semaphore_mem>> -> memref<1x!tpu.dma_semaphore, #tpu.memory_space<semaphore_mem>>
    %dma_wait3A_315 = tpu.memref_squeeze %dma_wait3A_314 : memref<1x!tpu.dma_semaphore, #tpu.memory_space<semaphore_mem>> -> memref<!tpu.dma_semaphore, #tpu.memory_space<semaphore_mem>>
    %dma_wait3A_316 = arith.constant 0 : i32
    %dma_wait3A_317 = arith.constant 0 : i32
    %dma_wait3A_318 = tpu.memref_slice %arg3[%dma_wait3A_312, %dma_wait3A_316, %dma_wait3A_317] : memref<12x128x1024xf32, #tpu.memory_space<vmem_shared>> -> memref<1x128x1024xf32, #tpu.memory_space<vmem_shared>>
    %dma_wait3A_319 = tpu.memref_squeeze %dma_wait3A_318 : memref<1x128x1024xf32, #tpu.memory_space<vmem_shared>> -> memref<128x1024xf32, #tpu.memory_space<vmem_shared>>
    %dma_wait3A_320 = arith.constant 0 : i32
    %dma_wait3A_321 = tpu.memref_slice %arg1[%add3A_311, %dma_wait3A_320] : memref<8192x1024xf32, #tpu.memory_space<hbm>> -> memref<128x1024xf32, #tpu.memory_space<hbm>>
    tpu.wait_dma2 semaphore(%dma_wait3A_315 : memref<!tpu.dma_semaphore, #tpu.memory_space<semaphore_mem>>) src(%dma_wait3A_321 : memref<128x1024xf32, #tpu.memory_space<hbm>>) dst(%dma_wait3A_319 : memref<128x1024xf32, #tpu.memory_space<vmem_shared>>)
    %add3A_322 = arith.constant 512 : i32
    %add3A_323 = arith.addi %mul3A_0, %add3A_322 : i32
    %dma_start3A_324 = arith.constant 4 : i32
    %dma_start3A_325 = arith.constant 4 : i32
    %dma_start3A_326 = tpu.memref_slice %arg5[%dma_start3A_325] : memref<12x!tpu.dma_semaphore, #tpu.memory_space<semaphore_mem>> -> memref<1x!tpu.dma_semaphore, #tpu.memory_space<semaphore_mem>>
    %dma_start3A_327 = tpu.memref_squeeze %dma_start3A_326 : memref<1x!tpu.dma_semaphore, #tpu.memory_space<semaphore_mem>> -> memref<!tpu.dma_semaphore, #tpu.memory_space<semaphore_mem>>
    %dma_start3A_328 = arith.constant 0 : i32
    %dma_start3A_329 = tpu.memref_slice %arg2[%add3A_323, %dma_start3A_328] : memref<8192x1024xf32, #tpu.memory_space<hbm>> -> memref<128x1024xf32, #tpu.memory_space<hbm>>
    %dma_start3A_330 = arith.constant 0 : i32
    %dma_start3A_331 = arith.constant 0 : i32
    %dma_start3A_332 = tpu.memref_slice %arg3[%dma_start3A_324, %dma_start3A_330, %dma_start3A_331] : memref<12x128x1024xf32, #tpu.memory_space<vmem_shared>> -> memref<1x128x1024xf32, #tpu.memory_space<vmem_shared>>
    %dma_start3A_333 = tpu.memref_squeeze %dma_start3A_332 : memref<1x128x1024xf32, #tpu.memory_space<vmem_shared>> -> memref<128x1024xf32, #tpu.memory_space<vmem_shared>>
    tpu.enqueue_dma source(%dma_start3A_333 : memref<128x1024xf32, #tpu.memory_space<vmem_shared>>) target(%dma_start3A_329 : memref<128x1024xf32, #tpu.memory_space<hbm>>) target_semaphore(%dma_start3A_327 : memref<!tpu.dma_semaphore, #tpu.memory_space<semaphore_mem>>)
    %add3A_334 = arith.constant 384 : i32
    %add3A_335 = arith.addi %mul3A_0, %add3A_334 : i32
    %dma_wait3A_336 = arith.constant 3 : i32
    %dma_wait3A_337 = arith.constant 3 : i32
    %dma_wait3A_338 = tpu.memref_slice %arg5[%dma_wait3A_337] : memref<12x!tpu.dma_semaphore, #tpu.memory_space<semaphore_mem>> -> memref<1x!tpu.dma_semaphore, #tpu.memory_space<semaphore_mem>>
    %dma_wait3A_339 = tpu.memref_squeeze %dma_wait3A_338 : memref<1x!tpu.dma_semaphore, #tpu.memory_space<semaphore_mem>> -> memref<!tpu.dma_semaphore, #tpu.memory_space<semaphore_mem>>
    %dma_wait3A_340 = arith.constant 0 : i32
    %dma_wait3A_341 = tpu.memref_slice %arg2[%add3A_335, %dma_wait3A_340] : memref<8192x1024xf32, #tpu.memory_space<hbm>> -> memref<128x1024xf32, #tpu.memory_space<hbm>>
    %dma_wait3A_342 = arith.constant 0 : i32
    %dma_wait3A_343 = arith.constant 0 : i32
    %dma_wait3A_344 = tpu.memref_slice %arg3[%dma_wait3A_336, %dma_wait3A_342, %dma_wait3A_343] : memref<12x128x1024xf32, #tpu.memory_space<vmem_shared>> -> memref<1x128x1024xf32, #tpu.memory_space<vmem_shared>>
    %dma_wait3A_345 = tpu.memref_squeeze %dma_wait3A_344 : memref<1x128x1024xf32, #tpu.memory_space<vmem_shared>> -> memref<128x1024xf32, #tpu.memory_space<vmem_shared>>
    tpu.wait_dma2 semaphore(%dma_wait3A_339 : memref<!tpu.dma_semaphore, #tpu.memory_space<semaphore_mem>>) src(%dma_wait3A_345 : memref<128x1024xf32, #tpu.memory_space<vmem_shared>>) dst(%dma_wait3A_341 : memref<128x1024xf32, #tpu.memory_space<hbm>>)
    %add3A_346 = arith.constant 1920 : i32
    %add3A_347 = arith.addi %mul3A_0, %add3A_346 : i32
    %dma_start3A_348 = arith.constant 3 : i32
    %dma_start3A_349 = arith.constant 3 : i32
    %dma_start3A_350 = tpu.memref_slice %arg4[%dma_start3A_349] : memref<12x!tpu.dma_semaphore, #tpu.memory_space<semaphore_mem>> -> memref<1x!tpu.dma_semaphore, #tpu.memory_space<semaphore_mem>>
    %dma_start3A_351 = tpu.memref_squeeze %dma_start3A_350 : memref<1x!tpu.dma_semaphore, #tpu.memory_space<semaphore_mem>> -> memref<!tpu.dma_semaphore, #tpu.memory_space<semaphore_mem>>
    %dma_start3A_352 = arith.constant 0 : i32
    %dma_start3A_353 = arith.constant 0 : i32
    %dma_start3A_354 = tpu.memref_slice %arg3[%dma_start3A_348, %dma_start3A_352, %dma_start3A_353] : memref<12x128x1024xf32, #tpu.memory_space<vmem_shared>> -> memref<1x128x1024xf32, #tpu.memory_space<vmem_shared>>
    %dma_start3A_355 = tpu.memref_squeeze %dma_start3A_354 : memref<1x128x1024xf32, #tpu.memory_space<vmem_shared>> -> memref<128x1024xf32, #tpu.memory_space<vmem_shared>>
    %dma_start3A_356 = arith.constant 0 : i32
    %dma_start3A_357 = tpu.memref_slice %arg1[%add3A_347, %dma_start3A_356] : memref<8192x1024xf32, #tpu.memory_space<hbm>> -> memref<128x1024xf32, #tpu.memory_space<hbm>>
    tpu.enqueue_dma source(%dma_start3A_357 : memref<128x1024xf32, #tpu.memory_space<hbm>>) target(%dma_start3A_355 : memref<128x1024xf32, #tpu.memory_space<vmem_shared>>) target_semaphore(%dma_start3A_351 : memref<!tpu.dma_semaphore, #tpu.memory_space<semaphore_mem>>)
    %add3A_358 = arith.constant 640 : i32
    %add3A_359 = arith.addi %mul3A_0, %add3A_358 : i32
    %dma_wait3A_360 = arith.constant 5 : i32
    %dma_wait3A_361 = arith.constant 5 : i32
    %dma_wait3A_362 = tpu.memref_slice %arg4[%dma_wait3A_361] : memref<12x!tpu.dma_semaphore, #tpu.memory_space<semaphore_mem>> -> memref<1x!tpu.dma_semaphore, #tpu.memory_space<semaphore_mem>>
    %dma_wait3A_363 = tpu.memref_squeeze %dma_wait3A_362 : memref<1x!tpu.dma_semaphore, #tpu.memory_space<semaphore_mem>> -> memref<!tpu.dma_semaphore, #tpu.memory_space<semaphore_mem>>
    %dma_wait3A_364 = arith.constant 0 : i32
    %dma_wait3A_365 = arith.constant 0 : i32
    %dma_wait3A_366 = tpu.memref_slice %arg3[%dma_wait3A_360, %dma_wait3A_364, %dma_wait3A_365] : memref<12x128x1024xf32, #tpu.memory_space<vmem_shared>> -> memref<1x128x1024xf32, #tpu.memory_space<vmem_shared>>
    %dma_wait3A_367 = tpu.memref_squeeze %dma_wait3A_366 : memref<1x128x1024xf32, #tpu.memory_space<vmem_shared>> -> memref<128x1024xf32, #tpu.memory_space<vmem_shared>>
    %dma_wait3A_368 = arith.constant 0 : i32
    %dma_wait3A_369 = tpu.memref_slice %arg1[%add3A_359, %dma_wait3A_368] : memref<8192x1024xf32, #tpu.memory_space<hbm>> -> memref<128x1024xf32, #tpu.memory_space<hbm>>
    tpu.wait_dma2 semaphore(%dma_wait3A_363 : memref<!tpu.dma_semaphore, #tpu.memory_space<semaphore_mem>>) src(%dma_wait3A_369 : memref<128x1024xf32, #tpu.memory_space<hbm>>) dst(%dma_wait3A_367 : memref<128x1024xf32, #tpu.memory_space<vmem_shared>>)
    %add3A_370 = arith.constant 640 : i32
    %add3A_371 = arith.addi %mul3A_0, %add3A_370 : i32
    %dma_start3A_372 = arith.constant 5 : i32
    %dma_start3A_373 = arith.constant 5 : i32
    %dma_start3A_374 = tpu.memref_slice %arg5[%dma_start3A_373] : memref<12x!tpu.dma_semaphore, #tpu.memory_space<semaphore_mem>> -> memref<1x!tpu.dma_semaphore, #tpu.memory_space<semaphore_mem>>
    %dma_start3A_375 = tpu.memref_squeeze %dma_start3A_374 : memref<1x!tpu.dma_semaphore, #tpu.memory_space<semaphore_mem>> -> memref<!tpu.dma_semaphore, #tpu.memory_space<semaphore_mem>>
    %dma_start3A_376 = arith.constant 0 : i32
    %dma_start3A_377 = tpu.memref_slice %arg2[%add3A_371, %dma_start3A_376] : memref<8192x1024xf32, #tpu.memory_space<hbm>> -> memref<128x1024xf32, #tpu.memory_space<hbm>>
    %dma_start3A_378 = arith.constant 0 : i32
    %dma_start3A_379 = arith.constant 0 : i32
    %dma_start3A_380 = tpu.memref_slice %arg3[%dma_start3A_372, %dma_start3A_378, %dma_start3A_379] : memref<12x128x1024xf32, #tpu.memory_space<vmem_shared>> -> memref<1x128x1024xf32, #tpu.memory_space<vmem_shared>>
    %dma_start3A_381 = tpu.memref_squeeze %dma_start3A_380 : memref<1x128x1024xf32, #tpu.memory_space<vmem_shared>> -> memref<128x1024xf32, #tpu.memory_space<vmem_shared>>
    tpu.enqueue_dma source(%dma_start3A_381 : memref<128x1024xf32, #tpu.memory_space<vmem_shared>>) target(%dma_start3A_377 : memref<128x1024xf32, #tpu.memory_space<hbm>>) target_semaphore(%dma_start3A_375 : memref<!tpu.dma_semaphore, #tpu.memory_space<semaphore_mem>>)
    %add3A_382 = arith.constant 512 : i32
    %add3A_383 = arith.addi %mul3A_0, %add3A_382 : i32
    %dma_wait3A_384 = arith.constant 4 : i32
    %dma_wait3A_385 = arith.constant 4 : i32
    %dma_wait3A_386 = tpu.memref_slice %arg5[%dma_wait3A_385] : memref<12x!tpu.dma_semaphore, #tpu.memory_space<semaphore_mem>> -> memref<1x!tpu.dma_semaphore, #tpu.memory_space<semaphore_mem>>
    %dma_wait3A_387 = tpu.memref_squeeze %dma_wait3A_386 : memref<1x!tpu.dma_semaphore, #tpu.memory_space<semaphore_mem>> -> memref<!tpu.dma_semaphore, #tpu.memory_space<semaphore_mem>>
    %dma_wait3A_388 = arith.constant 0 : i32
    %dma_wait3A_389 = tpu.memref_slice %arg2[%add3A_383, %dma_wait3A_388] : memref<8192x1024xf32, #tpu.memory_space<hbm>> -> memref<128x1024xf32, #tpu.memory_space<hbm>>
    %dma_wait3A_390 = arith.constant 0 : i32
    %dma_wait3A_391 = arith.constant 0 : i32
    %dma_wait3A_392 = tpu.memref_slice %arg3[%dma_wait3A_384, %dma_wait3A_390, %dma_wait3A_391] : memref<12x128x1024xf32, #tpu.memory_space<vmem_shared>> -> memref<1x128x1024xf32, #tpu.memory_space<vmem_shared>>
    %dma_wait3A_393 = tpu.memref_squeeze %dma_wait3A_392 : memref<1x128x1024xf32, #tpu.memory_space<vmem_shared>> -> memref<128x1024xf32, #tpu.memory_space<vmem_shared>>
    tpu.wait_dma2 semaphore(%dma_wait3A_387 : memref<!tpu.dma_semaphore, #tpu.memory_space<semaphore_mem>>) src(%dma_wait3A_393 : memref<128x1024xf32, #tpu.memory_space<vmem_shared>>) dst(%dma_wait3A_389 : memref<128x1024xf32, #tpu.memory_space<hbm>>)
    %add3A_394 = arith.constant 2048 : i32
    %add3A_395 = arith.addi %mul3A_0, %add3A_394 : i32
    %dma_start3A_396 = arith.constant 4 : i32
    %dma_start3A_397 = arith.constant 4 : i32
    %dma_start3A_398 = tpu.memref_slice %arg4[%dma_start3A_397] : memref<12x!tpu.dma_semaphore, #tpu.memory_space<semaphore_mem>> -> memref<1x!tpu.dma_semaphore, #tpu.memory_space<semaphore_mem>>
    %dma_start3A_399 = tpu.memref_squeeze %dma_start3A_398 : memref<1x!tpu.dma_semaphore, #tpu.memory_space<semaphore_mem>> -> memref<!tpu.dma_semaphore, #tpu.memory_space<semaphore_mem>>
    %dma_start3A_400 = arith.constant 0 : i32
    %dma_start3A_401 = arith.constant 0 : i32
    %dma_start3A_402 = tpu.memref_slice %arg3[%dma_start3A_396, %dma_start3A_400, %dma_start3A_401] : memref<12x128x1024xf32, #tpu.memory_space<vmem_shared>> -> memref<1x128x1024xf32, #tpu.memory_space<vmem_shared>>
    %dma_start3A_403 = tpu.memref_squeeze %dma_start3A_402 : memref<1x128x1024xf32, #tpu.memory_space<vmem_shared>> -> memref<128x1024xf32, #tpu.memory_space<vmem_shared>>
    %dma_start3A_404 = arith.constant 0 : i32
    %dma_start3A_405 = tpu.memref_slice %arg1[%add3A_395, %dma_start3A_404] : memref<8192x1024xf32, #tpu.memory_space<hbm>> -> memref<128x1024xf32, #tpu.memory_space<hbm>>
    tpu.enqueue_dma source(%dma_start3A_405 : memref<128x1024xf32, #tpu.memory_space<hbm>>) target(%dma_start3A_403 : memref<128x1024xf32, #tpu.memory_space<vmem_shared>>) target_semaphore(%dma_start3A_399 : memref<!tpu.dma_semaphore, #tpu.memory_space<semaphore_mem>>)
    %add3A_406 = arith.constant 768 : i32
    %add3A_407 = arith.addi %mul3A_0, %add3A_406 : i32
    %dma_wait3A_408 = arith.constant 6 : i32
    %dma_wait3A_409 = arith.constant 6 : i32
    %dma_wait3A_410 = tpu.memref_slice %arg4[%dma_wait3A_409] : memref<12x!tpu.dma_semaphore, #tpu.memory_space<semaphore_mem>> -> memref<1x!tpu.dma_semaphore, #tpu.memory_space<semaphore_mem>>
    %dma_wait3A_411 = tpu.memref_squeeze %dma_wait3A_410 : memref<1x!tpu.dma_semaphore, #tpu.memory_space<semaphore_mem>> -> memref<!tpu.dma_semaphore, #tpu.memory_space<semaphore_mem>>
    %dma_wait3A_412 = arith.constant 0 : i32
    %dma_wait3A_413 = arith.constant 0 : i32
    %dma_wait3A_414 = tpu.memref_slice %arg3[%dma_wait3A_408, %dma_wait3A_412, %dma_wait3A_413] : memref<12x128x1024xf32, #tpu.memory_space<vmem_shared>> -> memref<1x128x1024xf32, #tpu.memory_space<vmem_shared>>
    %dma_wait3A_415 = tpu.memref_squeeze %dma_wait3A_414 : memref<1x128x1024xf32, #tpu.memory_space<vmem_shared>> -> memref<128x1024xf32, #tpu.memory_space<vmem_shared>>
    %dma_wait3A_416 = arith.constant 0 : i32
    %dma_wait3A_417 = tpu.memref_slice %arg1[%add3A_407, %dma_wait3A_416] : memref<8192x1024xf32, #tpu.memory_space<hbm>> -> memref<128x1024xf32, #tpu.memory_space<hbm>>
    tpu.wait_dma2 semaphore(%dma_wait3A_411 : memref<!tpu.dma_semaphore, #tpu.memory_space<semaphore_mem>>) src(%dma_wait3A_417 : memref<128x1024xf32, #tpu.memory_space<hbm>>) dst(%dma_wait3A_415 : memref<128x1024xf32, #tpu.memory_space<vmem_shared>>)
    %add3A_418 = arith.constant 768 : i32
    %add3A_419 = arith.addi %mul3A_0, %add3A_418 : i32
    %dma_start3A_420 = arith.constant 6 : i32
    %dma_start3A_421 = arith.constant 6 : i32
    %dma_start3A_422 = tpu.memref_slice %arg5[%dma_start3A_421] : memref<12x!tpu.dma_semaphore, #tpu.memory_space<semaphore_mem>> -> memref<1x!tpu.dma_semaphore, #tpu.memory_space<semaphore_mem>>
    %dma_start3A_423 = tpu.memref_squeeze %dma_start3A_422 : memref<1x!tpu.dma_semaphore, #tpu.memory_space<semaphore_mem>> -> memref<!tpu.dma_semaphore, #tpu.memory_space<semaphore_mem>>
    %dma_start3A_424 = arith.constant 0 : i32
    %dma_start3A_425 = tpu.memref_slice %arg2[%add3A_419, %dma_start3A_424] : memref<8192x1024xf32, #tpu.memory_space<hbm>> -> memref<128x1024xf32, #tpu.memory_space<hbm>>
    %dma_start3A_426 = arith.constant 0 : i32
    %dma_start3A_427 = arith.constant 0 : i32
    %dma_start3A_428 = tpu.memref_slice %arg3[%dma_start3A_420, %dma_start3A_426, %dma_start3A_427] : memref<12x128x1024xf32, #tpu.memory_space<vmem_shared>> -> memref<1x128x1024xf32, #tpu.memory_space<vmem_shared>>
    %dma_start3A_429 = tpu.memref_squeeze %dma_start3A_428 : memref<1x128x1024xf32, #tpu.memory_space<vmem_shared>> -> memref<128x1024xf32, #tpu.memory_space<vmem_shared>>
    tpu.enqueue_dma source(%dma_start3A_429 : memref<128x1024xf32, #tpu.memory_space<vmem_shared>>) target(%dma_start3A_425 : memref<128x1024xf32, #tpu.memory_space<hbm>>) target_semaphore(%dma_start3A_423 : memref<!tpu.dma_semaphore, #tpu.memory_space<semaphore_mem>>)
    %add3A_430 = arith.constant 640 : i32
    %add3A_431 = arith.addi %mul3A_0, %add3A_430 : i32
    %dma_wait3A_432 = arith.constant 5 : i32
    %dma_wait3A_433 = arith.constant 5 : i32
    %dma_wait3A_434 = tpu.memref_slice %arg5[%dma_wait3A_433] : memref<12x!tpu.dma_semaphore, #tpu.memory_space<semaphore_mem>> -> memref<1x!tpu.dma_semaphore, #tpu.memory_space<semaphore_mem>>
    %dma_wait3A_435 = tpu.memref_squeeze %dma_wait3A_434 : memref<1x!tpu.dma_semaphore, #tpu.memory_space<semaphore_mem>> -> memref<!tpu.dma_semaphore, #tpu.memory_space<semaphore_mem>>
    %dma_wait3A_436 = arith.constant 0 : i32
    %dma_wait3A_437 = tpu.memref_slice %arg2[%add3A_431, %dma_wait3A_436] : memref<8192x1024xf32, #tpu.memory_space<hbm>> -> memref<128x1024xf32, #tpu.memory_space<hbm>>
    %dma_wait3A_438 = arith.constant 0 : i32
    %dma_wait3A_439 = arith.constant 0 : i32
    %dma_wait3A_440 = tpu.memref_slice %arg3[%dma_wait3A_432, %dma_wait3A_438, %dma_wait3A_439] : memref<12x128x1024xf32, #tpu.memory_space<vmem_shared>> -> memref<1x128x1024xf32, #tpu.memory_space<vmem_shared>>
    %dma_wait3A_441 = tpu.memref_squeeze %dma_wait3A_440 : memref<1x128x1024xf32, #tpu.memory_space<vmem_shared>> -> memref<128x1024xf32, #tpu.memory_space<vmem_shared>>
    tpu.wait_dma2 semaphore(%dma_wait3A_435 : memref<!tpu.dma_semaphore, #tpu.memory_space<semaphore_mem>>) src(%dma_wait3A_441 : memref<128x1024xf32, #tpu.memory_space<vmem_shared>>) dst(%dma_wait3A_437 : memref<128x1024xf32, #tpu.memory_space<hbm>>)
    %add3A_442 = arith.constant 2176 : i32
    %add3A_443 = arith.addi %mul3A_0, %add3A_442 : i32
    %dma_start3A_444 = arith.constant 5 : i32
    %dma_start3A_445 = arith.constant 5 : i32
    %dma_start3A_446 = tpu.memref_slice %arg4[%dma_start3A_445] : memref<12x!tpu.dma_semaphore, #tpu.memory_space<semaphore_mem>> -> memref<1x!tpu.dma_semaphore, #tpu.memory_space<semaphore_mem>>
    %dma_start3A_447 = tpu.memref_squeeze %dma_start3A_446 : memref<1x!tpu.dma_semaphore, #tpu.memory_space<semaphore_mem>> -> memref<!tpu.dma_semaphore, #tpu.memory_space<semaphore_mem>>
    %dma_start3A_448 = arith.constant 0 : i32
    %dma_start3A_449 = arith.constant 0 : i32
    %dma_start3A_450 = tpu.memref_slice %arg3[%dma_start3A_444, %dma_start3A_448, %dma_start3A_449] : memref<12x128x1024xf32, #tpu.memory_space<vmem_shared>> -> memref<1x128x1024xf32, #tpu.memory_space<vmem_shared>>
    %dma_start3A_451 = tpu.memref_squeeze %dma_start3A_450 : memref<1x128x1024xf32, #tpu.memory_space<vmem_shared>> -> memref<128x1024xf32, #tpu.memory_space<vmem_shared>>
    %dma_start3A_452 = arith.constant 0 : i32
    %dma_start3A_453 = tpu.memref_slice %arg1[%add3A_443, %dma_start3A_452] : memref<8192x1024xf32, #tpu.memory_space<hbm>> -> memref<128x1024xf32, #tpu.memory_space<hbm>>
    tpu.enqueue_dma source(%dma_start3A_453 : memref<128x1024xf32, #tpu.memory_space<hbm>>) target(%dma_start3A_451 : memref<128x1024xf32, #tpu.memory_space<vmem_shared>>) target_semaphore(%dma_start3A_447 : memref<!tpu.dma_semaphore, #tpu.memory_space<semaphore_mem>>)
    %add3A_454 = arith.constant 896 : i32
    %add3A_455 = arith.addi %mul3A_0, %add3A_454 : i32
    %dma_wait3A_456 = arith.constant 7 : i32
    %dma_wait3A_457 = arith.constant 7 : i32
    %dma_wait3A_458 = tpu.memref_slice %arg4[%dma_wait3A_457] : memref<12x!tpu.dma_semaphore, #tpu.memory_space<semaphore_mem>> -> memref<1x!tpu.dma_semaphore, #tpu.memory_space<semaphore_mem>>
    %dma_wait3A_459 = tpu.memref_squeeze %dma_wait3A_458 : memref<1x!tpu.dma_semaphore, #tpu.memory_space<semaphore_mem>> -> memref<!tpu.dma_semaphore, #tpu.memory_space<semaphore_mem>>
    %dma_wait3A_460 = arith.constant 0 : i32
    %dma_wait3A_461 = arith.constant 0 : i32
    %dma_wait3A_462 = tpu.memref_slice %arg3[%dma_wait3A_456, %dma_wait3A_460, %dma_wait3A_461] : memref<12x128x1024xf32, #tpu.memory_space<vmem_shared>> -> memref<1x128x1024xf32, #tpu.memory_space<vmem_shared>>
    %dma_wait3A_463 = tpu.memref_squeeze %dma_wait3A_462 : memref<1x128x1024xf32, #tpu.memory_space<vmem_shared>> -> memref<128x1024xf32, #tpu.memory_space<vmem_shared>>
    %dma_wait3A_464 = arith.constant 0 : i32
    %dma_wait3A_465 = tpu.memref_slice %arg1[%add3A_455, %dma_wait3A_464] : memref<8192x1024xf32, #tpu.memory_space<hbm>> -> memref<128x1024xf32, #tpu.memory_space<hbm>>
    tpu.wait_dma2 semaphore(%dma_wait3A_459 : memref<!tpu.dma_semaphore, #tpu.memory_space<semaphore_mem>>) src(%dma_wait3A_465 : memref<128x1024xf32, #tpu.memory_space<hbm>>) dst(%dma_wait3A_463 : memref<128x1024xf32, #tpu.memory_space<vmem_shared>>)
    %add3A_466 = arith.constant 896 : i32
    %add3A_467 = arith.addi %mul3A_0, %add3A_466 : i32
    %dma_start3A_468 = arith.constant 7 : i32
    %dma_start3A_469 = arith.constant 7 : i32
    %dma_start3A_470 = tpu.memref_slice %arg5[%dma_start3A_469] : memref<12x!tpu.dma_semaphore, #tpu.memory_space<semaphore_mem>> -> memref<1x!tpu.dma_semaphore, #tpu.memory_space<semaphore_mem>>
    %dma_start3A_471 = tpu.memref_squeeze %dma_start3A_470 : memref<1x!tpu.dma_semaphore, #tpu.memory_space<semaphore_mem>> -> memref<!tpu.dma_semaphore, #tpu.memory_space<semaphore_mem>>
    %dma_start3A_472 = arith.constant 0 : i32
    %dma_start3A_473 = tpu.memref_slice %arg2[%add3A_467, %dma_start3A_472] : memref<8192x1024xf32, #tpu.memory_space<hbm>> -> memref<128x1024xf32, #tpu.memory_space<hbm>>
    %dma_start3A_474 = arith.constant 0 : i32
    %dma_start3A_475 = arith.constant 0 : i32
    %dma_start3A_476 = tpu.memref_slice %arg3[%dma_start3A_468, %dma_start3A_474, %dma_start3A_475] : memref<12x128x1024xf32, #tpu.memory_space<vmem_shared>> -> memref<1x128x1024xf32, #tpu.memory_space<vmem_shared>>
    %dma_start3A_477 = tpu.memref_squeeze %dma_start3A_476 : memref<1x128x1024xf32, #tpu.memory_space<vmem_shared>> -> memref<128x1024xf32, #tpu.memory_space<vmem_shared>>
    tpu.enqueue_dma source(%dma_start3A_477 : memref<128x1024xf32, #tpu.memory_space<vmem_shared>>) target(%dma_start3A_473 : memref<128x1024xf32, #tpu.memory_space<hbm>>) target_semaphore(%dma_start3A_471 : memref<!tpu.dma_semaphore, #tpu.memory_space<semaphore_mem>>)
    %add3A_478 = arith.constant 768 : i32
    %add3A_479 = arith.addi %mul3A_0, %add3A_478 : i32
    %dma_wait3A_480 = arith.constant 6 : i32
    %dma_wait3A_481 = arith.constant 6 : i32
    %dma_wait3A_482 = tpu.memref_slice %arg5[%dma_wait3A_481] : memref<12x!tpu.dma_semaphore, #tpu.memory_space<semaphore_mem>> -> memref<1x!tpu.dma_semaphore, #tpu.memory_space<semaphore_mem>>
    %dma_wait3A_483 = tpu.memref_squeeze %dma_wait3A_482 : memref<1x!tpu.dma_semaphore, #tpu.memory_space<semaphore_mem>> -> memref<!tpu.dma_semaphore, #tpu.memory_space<semaphore_mem>>
    %dma_wait3A_484 = arith.constant 0 : i32
    %dma_wait3A_485 = tpu.memref_slice %arg2[%add3A_479, %dma_wait3A_484] : memref<8192x1024xf32, #tpu.memory_space<hbm>> -> memref<128x1024xf32, #tpu.memory_space<hbm>>
    %dma_wait3A_486 = arith.constant 0 : i32
    %dma_wait3A_487 = arith.constant 0 : i32
    %dma_wait3A_488 = tpu.memref_slice %arg3[%dma_wait3A_480, %dma_wait3A_486, %dma_wait3A_487] : memref<12x128x1024xf32, #tpu.memory_space<vmem_shared>> -> memref<1x128x1024xf32, #tpu.memory_space<vmem_shared>>
    %dma_wait3A_489 = tpu.memref_squeeze %dma_wait3A_488 : memref<1x128x1024xf32, #tpu.memory_space<vmem_shared>> -> memref<128x1024xf32, #tpu.memory_space<vmem_shared>>
    tpu.wait_dma2 semaphore(%dma_wait3A_483 : memref<!tpu.dma_semaphore, #tpu.memory_space<semaphore_mem>>) src(%dma_wait3A_489 : memref<128x1024xf32, #tpu.memory_space<vmem_shared>>) dst(%dma_wait3A_485 : memref<128x1024xf32, #tpu.memory_space<hbm>>)
    %add3A_490 = arith.constant 2304 : i32
    %add3A_491 = arith.addi %mul3A_0, %add3A_490 : i32
    %dma_start3A_492 = arith.constant 6 : i32
    %dma_start3A_493 = arith.constant 6 : i32
    %dma_start3A_494 = tpu.memref_slice %arg4[%dma_start3A_493] : memref<12x!tpu.dma_semaphore, #tpu.memory_space<semaphore_mem>> -> memref<1x!tpu.dma_semaphore, #tpu.memory_space<semaphore_mem>>
    %dma_start3A_495 = tpu.memref_squeeze %dma_start3A_494 : memref<1x!tpu.dma_semaphore, #tpu.memory_space<semaphore_mem>> -> memref<!tpu.dma_semaphore, #tpu.memory_space<semaphore_mem>>
    %dma_start3A_496 = arith.constant 0 : i32
    %dma_start3A_497 = arith.constant 0 : i32
    %dma_start3A_498 = tpu.memref_slice %arg3[%dma_start3A_492, %dma_start3A_496, %dma_start3A_497] : memref<12x128x1024xf32, #tpu.memory_space<vmem_shared>> -> memref<1x128x1024xf32, #tpu.memory_space<vmem_shared>>
    %dma_start3A_499 = tpu.memref_squeeze %dma_start3A_498 : memref<1x128x1024xf32, #tpu.memory_space<vmem_shared>> -> memref<128x1024xf32, #tpu.memory_space<vmem_shared>>
    %dma_start3A_500 = arith.constant 0 : i32
    %dma_start3A_501 = tpu.memref_slice %arg1[%add3A_491, %dma_start3A_500] : memref<8192x1024xf32, #tpu.memory_space<hbm>> -> memref<128x1024xf32, #tpu.memory_space<hbm>>
    tpu.enqueue_dma source(%dma_start3A_501 : memref<128x1024xf32, #tpu.memory_space<hbm>>) target(%dma_start3A_499 : memref<128x1024xf32, #tpu.memory_space<vmem_shared>>) target_semaphore(%dma_start3A_495 : memref<!tpu.dma_semaphore, #tpu.memory_space<semaphore_mem>>)
    %add3A_502 = arith.constant 1024 : i32
    %add3A_503 = arith.addi %mul3A_0, %add3A_502 : i32
    %dma_wait3A_504 = arith.constant 8 : i32
    %dma_wait3A_505 = arith.constant 8 : i32
    %dma_wait3A_506 = tpu.memref_slice %arg4[%dma_wait3A_505] : memref<12x!tpu.dma_semaphore, #tpu.memory_space<semaphore_mem>> -> memref<1x!tpu.dma_semaphore, #tpu.memory_space<semaphore_mem>>
    %dma_wait3A_507 = tpu.memref_squeeze %dma_wait3A_506 : memref<1x!tpu.dma_semaphore, #tpu.memory_space<semaphore_mem>> -> memref<!tpu.dma_semaphore, #tpu.memory_space<semaphore_mem>>
    %dma_wait3A_508 = arith.constant 0 : i32
    %dma_wait3A_509 = arith.constant 0 : i32
    %dma_wait3A_510 = tpu.memref_slice %arg3[%dma_wait3A_504, %dma_wait3A_508, %dma_wait3A_509] : memref<12x128x1024xf32, #tpu.memory_space<vmem_shared>> -> memref<1x128x1024xf32, #tpu.memory_space<vmem_shared>>
    %dma_wait3A_511 = tpu.memref_squeeze %dma_wait3A_510 : memref<1x128x1024xf32, #tpu.memory_space<vmem_shared>> -> memref<128x1024xf32, #tpu.memory_space<vmem_shared>>
    %dma_wait3A_512 = arith.constant 0 : i32
    %dma_wait3A_513 = tpu.memref_slice %arg1[%add3A_503, %dma_wait3A_512] : memref<8192x1024xf32, #tpu.memory_space<hbm>> -> memref<128x1024xf32, #tpu.memory_space<hbm>>
    tpu.wait_dma2 semaphore(%dma_wait3A_507 : memref<!tpu.dma_semaphore, #tpu.memory_space<semaphore_mem>>) src(%dma_wait3A_513 : memref<128x1024xf32, #tpu.memory_space<hbm>>) dst(%dma_wait3A_511 : memref<128x1024xf32, #tpu.memory_space<vmem_shared>>)
    %add3A_514 = arith.constant 1024 : i32
    %add3A_515 = arith.addi %mul3A_0, %add3A_514 : i32
    %dma_start3A_516 = arith.constant 8 : i32
    %dma_start3A_517 = arith.constant 8 : i32
    %dma_start3A_518 = tpu.memref_slice %arg5[%dma_start3A_517] : memref<12x!tpu.dma_semaphore, #tpu.memory_space<semaphore_mem>> -> memref<1x!tpu.dma_semaphore, #tpu.memory_space<semaphore_mem>>
    %dma_start3A_519 = tpu.memref_squeeze %dma_start3A_518 : memref<1x!tpu.dma_semaphore, #tpu.memory_space<semaphore_mem>> -> memref<!tpu.dma_semaphore, #tpu.memory_space<semaphore_mem>>
    %dma_start3A_520 = arith.constant 0 : i32
    %dma_start3A_521 = tpu.memref_slice %arg2[%add3A_515, %dma_start3A_520] : memref<8192x1024xf32, #tpu.memory_space<hbm>> -> memref<128x1024xf32, #tpu.memory_space<hbm>>
    %dma_start3A_522 = arith.constant 0 : i32
    %dma_start3A_523 = arith.constant 0 : i32
    %dma_start3A_524 = tpu.memref_slice %arg3[%dma_start3A_516, %dma_start3A_522, %dma_start3A_523] : memref<12x128x1024xf32, #tpu.memory_space<vmem_shared>> -> memref<1x128x1024xf32, #tpu.memory_space<vmem_shared>>
    %dma_start3A_525 = tpu.memref_squeeze %dma_start3A_524 : memref<1x128x1024xf32, #tpu.memory_space<vmem_shared>> -> memref<128x1024xf32, #tpu.memory_space<vmem_shared>>
    tpu.enqueue_dma source(%dma_start3A_525 : memref<128x1024xf32, #tpu.memory_space<vmem_shared>>) target(%dma_start3A_521 : memref<128x1024xf32, #tpu.memory_space<hbm>>) target_semaphore(%dma_start3A_519 : memref<!tpu.dma_semaphore, #tpu.memory_space<semaphore_mem>>)
    %add3A_526 = arith.constant 896 : i32
    %add3A_527 = arith.addi %mul3A_0, %add3A_526 : i32
    %dma_wait3A_528 = arith.constant 7 : i32
    %dma_wait3A_529 = arith.constant 7 : i32
    %dma_wait3A_530 = tpu.memref_slice %arg5[%dma_wait3A_529] : memref<12x!tpu.dma_semaphore, #tpu.memory_space<semaphore_mem>> -> memref<1x!tpu.dma_semaphore, #tpu.memory_space<semaphore_mem>>
    %dma_wait3A_531 = tpu.memref_squeeze %dma_wait3A_530 : memref<1x!tpu.dma_semaphore, #tpu.memory_space<semaphore_mem>> -> memref<!tpu.dma_semaphore, #tpu.memory_space<semaphore_mem>>
    %dma_wait3A_532 = arith.constant 0 : i32
    %dma_wait3A_533 = tpu.memref_slice %arg2[%add3A_527, %dma_wait3A_532] : memref<8192x1024xf32, #tpu.memory_space<hbm>> -> memref<128x1024xf32, #tpu.memory_space<hbm>>
    %dma_wait3A_534 = arith.constant 0 : i32
    %dma_wait3A_535 = arith.constant 0 : i32
    %dma_wait3A_536 = tpu.memref_slice %arg3[%dma_wait3A_528, %dma_wait3A_534, %dma_wait3A_535] : memref<12x128x1024xf32, #tpu.memory_space<vmem_shared>> -> memref<1x128x1024xf32, #tpu.memory_space<vmem_shared>>
    %dma_wait3A_537 = tpu.memref_squeeze %dma_wait3A_536 : memref<1x128x1024xf32, #tpu.memory_space<vmem_shared>> -> memref<128x1024xf32, #tpu.memory_space<vmem_shared>>
    tpu.wait_dma2 semaphore(%dma_wait3A_531 : memref<!tpu.dma_semaphore, #tpu.memory_space<semaphore_mem>>) src(%dma_wait3A_537 : memref<128x1024xf32, #tpu.memory_space<vmem_shared>>) dst(%dma_wait3A_533 : memref<128x1024xf32, #tpu.memory_space<hbm>>)
    %add3A_538 = arith.constant 2432 : i32
    %add3A_539 = arith.addi %mul3A_0, %add3A_538 : i32
    %dma_start3A_540 = arith.constant 7 : i32
    %dma_start3A_541 = arith.constant 7 : i32
    %dma_start3A_542 = tpu.memref_slice %arg4[%dma_start3A_541] : memref<12x!tpu.dma_semaphore, #tpu.memory_space<semaphore_mem>> -> memref<1x!tpu.dma_semaphore, #tpu.memory_space<semaphore_mem>>
    %dma_start3A_543 = tpu.memref_squeeze %dma_start3A_542 : memref<1x!tpu.dma_semaphore, #tpu.memory_space<semaphore_mem>> -> memref<!tpu.dma_semaphore, #tpu.memory_space<semaphore_mem>>
    %dma_start3A_544 = arith.constant 0 : i32
    %dma_start3A_545 = arith.constant 0 : i32
    %dma_start3A_546 = tpu.memref_slice %arg3[%dma_start3A_540, %dma_start3A_544, %dma_start3A_545] : memref<12x128x1024xf32, #tpu.memory_space<vmem_shared>> -> memref<1x128x1024xf32, #tpu.memory_space<vmem_shared>>
    %dma_start3A_547 = tpu.memref_squeeze %dma_start3A_546 : memref<1x128x1024xf32, #tpu.memory_space<vmem_shared>> -> memref<128x1024xf32, #tpu.memory_space<vmem_shared>>
    %dma_start3A_548 = arith.constant 0 : i32
    %dma_start3A_549 = tpu.memref_slice %arg1[%add3A_539, %dma_start3A_548] : memref<8192x1024xf32, #tpu.memory_space<hbm>> -> memref<128x1024xf32, #tpu.memory_space<hbm>>
    tpu.enqueue_dma source(%dma_start3A_549 : memref<128x1024xf32, #tpu.memory_space<hbm>>) target(%dma_start3A_547 : memref<128x1024xf32, #tpu.memory_space<vmem_shared>>) target_semaphore(%dma_start3A_543 : memref<!tpu.dma_semaphore, #tpu.memory_space<semaphore_mem>>)
    %add3A_550 = arith.constant 1152 : i32
    %add3A_551 = arith.addi %mul3A_0, %add3A_550 : i32
    %dma_wait3A_552 = arith.constant 9 : i32
    %dma_wait3A_553 = arith.constant 9 : i32
    %dma_wait3A_554 = tpu.memref_slice %arg4[%dma_wait3A_553] : memref<12x!tpu.dma_semaphore, #tpu.memory_space<semaphore_mem>> -> memref<1x!tpu.dma_semaphore, #tpu.memory_space<semaphore_mem>>
    %dma_wait3A_555 = tpu.memref_squeeze %dma_wait3A_554 : memref<1x!tpu.dma_semaphore, #tpu.memory_space<semaphore_mem>> -> memref<!tpu.dma_semaphore, #tpu.memory_space<semaphore_mem>>
    %dma_wait3A_556 = arith.constant 0 : i32
    %dma_wait3A_557 = arith.constant 0 : i32
    %dma_wait3A_558 = tpu.memref_slice %arg3[%dma_wait3A_552, %dma_wait3A_556, %dma_wait3A_557] : memref<12x128x1024xf32, #tpu.memory_space<vmem_shared>> -> memref<1x128x1024xf32, #tpu.memory_space<vmem_shared>>
    %dma_wait3A_559 = tpu.memref_squeeze %dma_wait3A_558 : memref<1x128x1024xf32, #tpu.memory_space<vmem_shared>> -> memref<128x1024xf32, #tpu.memory_space<vmem_shared>>
    %dma_wait3A_560 = arith.constant 0 : i32
    %dma_wait3A_561 = tpu.memref_slice %arg1[%add3A_551, %dma_wait3A_560] : memref<8192x1024xf32, #tpu.memory_space<hbm>> -> memref<128x1024xf32, #tpu.memory_space<hbm>>
    tpu.wait_dma2 semaphore(%dma_wait3A_555 : memref<!tpu.dma_semaphore, #tpu.memory_space<semaphore_mem>>) src(%dma_wait3A_561 : memref<128x1024xf32, #tpu.memory_space<hbm>>) dst(%dma_wait3A_559 : memref<128x1024xf32, #tpu.memory_space<vmem_shared>>)
    %add3A_562 = arith.constant 1152 : i32
    %add3A_563 = arith.addi %mul3A_0, %add3A_562 : i32
    %dma_start3A_564 = arith.constant 9 : i32
    %dma_start3A_565 = arith.constant 9 : i32
    %dma_start3A_566 = tpu.memref_slice %arg5[%dma_start3A_565] : memref<12x!tpu.dma_semaphore, #tpu.memory_space<semaphore_mem>> -> memref<1x!tpu.dma_semaphore, #tpu.memory_space<semaphore_mem>>
    %dma_start3A_567 = tpu.memref_squeeze %dma_start3A_566 : memref<1x!tpu.dma_semaphore, #tpu.memory_space<semaphore_mem>> -> memref<!tpu.dma_semaphore, #tpu.memory_space<semaphore_mem>>
    %dma_start3A_568 = arith.constant 0 : i32
    %dma_start3A_569 = tpu.memref_slice %arg2[%add3A_563, %dma_start3A_568] : memref<8192x1024xf32, #tpu.memory_space<hbm>> -> memref<128x1024xf32, #tpu.memory_space<hbm>>
    %dma_start3A_570 = arith.constant 0 : i32
    %dma_start3A_571 = arith.constant 0 : i32
    %dma_start3A_572 = tpu.memref_slice %arg3[%dma_start3A_564, %dma_start3A_570, %dma_start3A_571] : memref<12x128x1024xf32, #tpu.memory_space<vmem_shared>> -> memref<1x128x1024xf32, #tpu.memory_space<vmem_shared>>
    %dma_start3A_573 = tpu.memref_squeeze %dma_start3A_572 : memref<1x128x1024xf32, #tpu.memory_space<vmem_shared>> -> memref<128x1024xf32, #tpu.memory_space<vmem_shared>>
    tpu.enqueue_dma source(%dma_start3A_573 : memref<128x1024xf32, #tpu.memory_space<vmem_shared>>) target(%dma_start3A_569 : memref<128x1024xf32, #tpu.memory_space<hbm>>) target_semaphore(%dma_start3A_567 : memref<!tpu.dma_semaphore, #tpu.memory_space<semaphore_mem>>)
    %add3A_574 = arith.constant 1024 : i32
    %add3A_575 = arith.addi %mul3A_0, %add3A_574 : i32
    %dma_wait3A_576 = arith.constant 8 : i32
    %dma_wait3A_577 = arith.constant 8 : i32
    %dma_wait3A_578 = tpu.memref_slice %arg5[%dma_wait3A_577] : memref<12x!tpu.dma_semaphore, #tpu.memory_space<semaphore_mem>> -> memref<1x!tpu.dma_semaphore, #tpu.memory_space<semaphore_mem>>
    %dma_wait3A_579 = tpu.memref_squeeze %dma_wait3A_578 : memref<1x!tpu.dma_semaphore, #tpu.memory_space<semaphore_mem>> -> memref<!tpu.dma_semaphore, #tpu.memory_space<semaphore_mem>>
    %dma_wait3A_580 = arith.constant 0 : i32
    %dma_wait3A_581 = tpu.memref_slice %arg2[%add3A_575, %dma_wait3A_580] : memref<8192x1024xf32, #tpu.memory_space<hbm>> -> memref<128x1024xf32, #tpu.memory_space<hbm>>
    %dma_wait3A_582 = arith.constant 0 : i32
    %dma_wait3A_583 = arith.constant 0 : i32
    %dma_wait3A_584 = tpu.memref_slice %arg3[%dma_wait3A_576, %dma_wait3A_582, %dma_wait3A_583] : memref<12x128x1024xf32, #tpu.memory_space<vmem_shared>> -> memref<1x128x1024xf32, #tpu.memory_space<vmem_shared>>
    %dma_wait3A_585 = tpu.memref_squeeze %dma_wait3A_584 : memref<1x128x1024xf32, #tpu.memory_space<vmem_shared>> -> memref<128x1024xf32, #tpu.memory_space<vmem_shared>>
    tpu.wait_dma2 semaphore(%dma_wait3A_579 : memref<!tpu.dma_semaphore, #tpu.memory_space<semaphore_mem>>) src(%dma_wait3A_585 : memref<128x1024xf32, #tpu.memory_space<vmem_shared>>) dst(%dma_wait3A_581 : memref<128x1024xf32, #tpu.memory_space<hbm>>)
    %add3A_586 = arith.constant 2560 : i32
    %add3A_587 = arith.addi %mul3A_0, %add3A_586 : i32
    %dma_start3A_588 = arith.constant 8 : i32
    %dma_start3A_589 = arith.constant 8 : i32
    %dma_start3A_590 = tpu.memref_slice %arg4[%dma_start3A_589] : memref<12x!tpu.dma_semaphore, #tpu.memory_space<semaphore_mem>> -> memref<1x!tpu.dma_semaphore, #tpu.memory_space<semaphore_mem>>
    %dma_start3A_591 = tpu.memref_squeeze %dma_start3A_590 : memref<1x!tpu.dma_semaphore, #tpu.memory_space<semaphore_mem>> -> memref<!tpu.dma_semaphore, #tpu.memory_space<semaphore_mem>>
    %dma_start3A_592 = arith.constant 0 : i32
    %dma_start3A_593 = arith.constant 0 : i32
    %dma_start3A_594 = tpu.memref_slice %arg3[%dma_start3A_588, %dma_start3A_592, %dma_start3A_593] : memref<12x128x1024xf32, #tpu.memory_space<vmem_shared>> -> memref<1x128x1024xf32, #tpu.memory_space<vmem_shared>>
    %dma_start3A_595 = tpu.memref_squeeze %dma_start3A_594 : memref<1x128x1024xf32, #tpu.memory_space<vmem_shared>> -> memref<128x1024xf32, #tpu.memory_space<vmem_shared>>
    %dma_start3A_596 = arith.constant 0 : i32
    %dma_start3A_597 = tpu.memref_slice %arg1[%add3A_587, %dma_start3A_596] : memref<8192x1024xf32, #tpu.memory_space<hbm>> -> memref<128x1024xf32, #tpu.memory_space<hbm>>
    tpu.enqueue_dma source(%dma_start3A_597 : memref<128x1024xf32, #tpu.memory_space<hbm>>) target(%dma_start3A_595 : memref<128x1024xf32, #tpu.memory_space<vmem_shared>>) target_semaphore(%dma_start3A_591 : memref<!tpu.dma_semaphore, #tpu.memory_space<semaphore_mem>>)
    %add3A_598 = arith.constant 1280 : i32
    %add3A_599 = arith.addi %mul3A_0, %add3A_598 : i32
    %dma_wait3A_600 = arith.constant 10 : i32
    %dma_wait3A_601 = arith.constant 10 : i32
    %dma_wait3A_602 = tpu.memref_slice %arg4[%dma_wait3A_601] : memref<12x!tpu.dma_semaphore, #tpu.memory_space<semaphore_mem>> -> memref<1x!tpu.dma_semaphore, #tpu.memory_space<semaphore_mem>>
    %dma_wait3A_603 = tpu.memref_squeeze %dma_wait3A_602 : memref<1x!tpu.dma_semaphore, #tpu.memory_space<semaphore_mem>> -> memref<!tpu.dma_semaphore, #tpu.memory_space<semaphore_mem>>
    %dma_wait3A_604 = arith.constant 0 : i32
    %dma_wait3A_605 = arith.constant 0 : i32
    %dma_wait3A_606 = tpu.memref_slice %arg3[%dma_wait3A_600, %dma_wait3A_604, %dma_wait3A_605] : memref<12x128x1024xf32, #tpu.memory_space<vmem_shared>> -> memref<1x128x1024xf32, #tpu.memory_space<vmem_shared>>
    %dma_wait3A_607 = tpu.memref_squeeze %dma_wait3A_606 : memref<1x128x1024xf32, #tpu.memory_space<vmem_shared>> -> memref<128x1024xf32, #tpu.memory_space<vmem_shared>>
    %dma_wait3A_608 = arith.constant 0 : i32
    %dma_wait3A_609 = tpu.memref_slice %arg1[%add3A_599, %dma_wait3A_608] : memref<8192x1024xf32, #tpu.memory_space<hbm>> -> memref<128x1024xf32, #tpu.memory_space<hbm>>
    tpu.wait_dma2 semaphore(%dma_wait3A_603 : memref<!tpu.dma_semaphore, #tpu.memory_space<semaphore_mem>>) src(%dma_wait3A_609 : memref<128x1024xf32, #tpu.memory_space<hbm>>) dst(%dma_wait3A_607 : memref<128x1024xf32, #tpu.memory_space<vmem_shared>>)
    %add3A_610 = arith.constant 1280 : i32
    %add3A_611 = arith.addi %mul3A_0, %add3A_610 : i32
    %dma_start3A_612 = arith.constant 10 : i32
    %dma_start3A_613 = arith.constant 10 : i32
    %dma_start3A_614 = tpu.memref_slice %arg5[%dma_start3A_613] : memref<12x!tpu.dma_semaphore, #tpu.memory_space<semaphore_mem>> -> memref<1x!tpu.dma_semaphore, #tpu.memory_space<semaphore_mem>>
    %dma_start3A_615 = tpu.memref_squeeze %dma_start3A_614 : memref<1x!tpu.dma_semaphore, #tpu.memory_space<semaphore_mem>> -> memref<!tpu.dma_semaphore, #tpu.memory_space<semaphore_mem>>
    %dma_start3A_616 = arith.constant 0 : i32
    %dma_start3A_617 = tpu.memref_slice %arg2[%add3A_611, %dma_start3A_616] : memref<8192x1024xf32, #tpu.memory_space<hbm>> -> memref<128x1024xf32, #tpu.memory_space<hbm>>
    %dma_start3A_618 = arith.constant 0 : i32
    %dma_start3A_619 = arith.constant 0 : i32
    %dma_start3A_620 = tpu.memref_slice %arg3[%dma_start3A_612, %dma_start3A_618, %dma_start3A_619] : memref<12x128x1024xf32, #tpu.memory_space<vmem_shared>> -> memref<1x128x1024xf32, #tpu.memory_space<vmem_shared>>
    %dma_start3A_621 = tpu.memref_squeeze %dma_start3A_620 : memref<1x128x1024xf32, #tpu.memory_space<vmem_shared>> -> memref<128x1024xf32, #tpu.memory_space<vmem_shared>>
    tpu.enqueue_dma source(%dma_start3A_621 : memref<128x1024xf32, #tpu.memory_space<vmem_shared>>) target(%dma_start3A_617 : memref<128x1024xf32, #tpu.memory_space<hbm>>) target_semaphore(%dma_start3A_615 : memref<!tpu.dma_semaphore, #tpu.memory_space<semaphore_mem>>)
    %add3A_622 = arith.constant 1152 : i32
    %add3A_623 = arith.addi %mul3A_0, %add3A_622 : i32
    %dma_wait3A_624 = arith.constant 9 : i32
    %dma_wait3A_625 = arith.constant 9 : i32
    %dma_wait3A_626 = tpu.memref_slice %arg5[%dma_wait3A_625] : memref<12x!tpu.dma_semaphore, #tpu.memory_space<semaphore_mem>> -> memref<1x!tpu.dma_semaphore, #tpu.memory_space<semaphore_mem>>
    %dma_wait3A_627 = tpu.memref_squeeze %dma_wait3A_626 : memref<1x!tpu.dma_semaphore, #tpu.memory_space<semaphore_mem>> -> memref<!tpu.dma_semaphore, #tpu.memory_space<semaphore_mem>>
    %dma_wait3A_628 = arith.constant 0 : i32
    %dma_wait3A_629 = tpu.memref_slice %arg2[%add3A_623, %dma_wait3A_628] : memref<8192x1024xf32, #tpu.memory_space<hbm>> -> memref<128x1024xf32, #tpu.memory_space<hbm>>
    %dma_wait3A_630 = arith.constant 0 : i32
    %dma_wait3A_631 = arith.constant 0 : i32
    %dma_wait3A_632 = tpu.memref_slice %arg3[%dma_wait3A_624, %dma_wait3A_630, %dma_wait3A_631] : memref<12x128x1024xf32, #tpu.memory_space<vmem_shared>> -> memref<1x128x1024xf32, #tpu.memory_space<vmem_shared>>
    %dma_wait3A_633 = tpu.memref_squeeze %dma_wait3A_632 : memref<1x128x1024xf32, #tpu.memory_space<vmem_shared>> -> memref<128x1024xf32, #tpu.memory_space<vmem_shared>>
    tpu.wait_dma2 semaphore(%dma_wait3A_627 : memref<!tpu.dma_semaphore, #tpu.memory_space<semaphore_mem>>) src(%dma_wait3A_633 : memref<128x1024xf32, #tpu.memory_space<vmem_shared>>) dst(%dma_wait3A_629 : memref<128x1024xf32, #tpu.memory_space<hbm>>)
    %add3A_634 = arith.constant 2688 : i32
    %add3A_635 = arith.addi %mul3A_0, %add3A_634 : i32
    %dma_start3A_636 = arith.constant 9 : i32
    %dma_start3A_637 = arith.constant 9 : i32
    %dma_start3A_638 = tpu.memref_slice %arg4[%dma_start3A_637] : memref<12x!tpu.dma_semaphore, #tpu.memory_space<semaphore_mem>> -> memref<1x!tpu.dma_semaphore, #tpu.memory_space<semaphore_mem>>
    %dma_start3A_639 = tpu.memref_squeeze %dma_start3A_638 : memref<1x!tpu.dma_semaphore, #tpu.memory_space<semaphore_mem>> -> memref<!tpu.dma_semaphore, #tpu.memory_space<semaphore_mem>>
    %dma_start3A_640 = arith.constant 0 : i32
    %dma_start3A_641 = arith.constant 0 : i32
    %dma_start3A_642 = tpu.memref_slice %arg3[%dma_start3A_636, %dma_start3A_640, %dma_start3A_641] : memref<12x128x1024xf32, #tpu.memory_space<vmem_shared>> -> memref<1x128x1024xf32, #tpu.memory_space<vmem_shared>>
    %dma_start3A_643 = tpu.memref_squeeze %dma_start3A_642 : memref<1x128x1024xf32, #tpu.memory_space<vmem_shared>> -> memref<128x1024xf32, #tpu.memory_space<vmem_shared>>
    %dma_start3A_644 = arith.constant 0 : i32
    %dma_start3A_645 = tpu.memref_slice %arg1[%add3A_635, %dma_start3A_644] : memref<8192x1024xf32, #tpu.memory_space<hbm>> -> memref<128x1024xf32, #tpu.memory_space<hbm>>
    tpu.enqueue_dma source(%dma_start3A_645 : memref<128x1024xf32, #tpu.memory_space<hbm>>) target(%dma_start3A_643 : memref<128x1024xf32, #tpu.memory_space<vmem_shared>>) target_semaphore(%dma_start3A_639 : memref<!tpu.dma_semaphore, #tpu.memory_space<semaphore_mem>>)
    %add3A_646 = arith.constant 1408 : i32
    %add3A_647 = arith.addi %mul3A_0, %add3A_646 : i32
    %dma_wait3A_648 = arith.constant 11 : i32
    %dma_wait3A_649 = arith.constant 11 : i32
    %dma_wait3A_650 = tpu.memref_slice %arg4[%dma_wait3A_649] : memref<12x!tpu.dma_semaphore, #tpu.memory_space<semaphore_mem>> -> memref<1x!tpu.dma_semaphore, #tpu.memory_space<semaphore_mem>>
    %dma_wait3A_651 = tpu.memref_squeeze %dma_wait3A_650 : memref<1x!tpu.dma_semaphore, #tpu.memory_space<semaphore_mem>> -> memref<!tpu.dma_semaphore, #tpu.memory_space<semaphore_mem>>
    %dma_wait3A_652 = arith.constant 0 : i32
    %dma_wait3A_653 = arith.constant 0 : i32
    %dma_wait3A_654 = tpu.memref_slice %arg3[%dma_wait3A_648, %dma_wait3A_652, %dma_wait3A_653] : memref<12x128x1024xf32, #tpu.memory_space<vmem_shared>> -> memref<1x128x1024xf32, #tpu.memory_space<vmem_shared>>
    %dma_wait3A_655 = tpu.memref_squeeze %dma_wait3A_654 : memref<1x128x1024xf32, #tpu.memory_space<vmem_shared>> -> memref<128x1024xf32, #tpu.memory_space<vmem_shared>>
    %dma_wait3A_656 = arith.constant 0 : i32
    %dma_wait3A_657 = tpu.memref_slice %arg1[%add3A_647, %dma_wait3A_656] : memref<8192x1024xf32, #tpu.memory_space<hbm>> -> memref<128x1024xf32, #tpu.memory_space<hbm>>
    tpu.wait_dma2 semaphore(%dma_wait3A_651 : memref<!tpu.dma_semaphore, #tpu.memory_space<semaphore_mem>>) src(%dma_wait3A_657 : memref<128x1024xf32, #tpu.memory_space<hbm>>) dst(%dma_wait3A_655 : memref<128x1024xf32, #tpu.memory_space<vmem_shared>>)
    %add3A_658 = arith.constant 1408 : i32
    %add3A_659 = arith.addi %mul3A_0, %add3A_658 : i32
    %dma_start3A_660 = arith.constant 11 : i32
    %dma_start3A_661 = arith.constant 11 : i32
    %dma_start3A_662 = tpu.memref_slice %arg5[%dma_start3A_661] : memref<12x!tpu.dma_semaphore, #tpu.memory_space<semaphore_mem>> -> memref<1x!tpu.dma_semaphore, #tpu.memory_space<semaphore_mem>>
    %dma_start3A_663 = tpu.memref_squeeze %dma_start3A_662 : memref<1x!tpu.dma_semaphore, #tpu.memory_space<semaphore_mem>> -> memref<!tpu.dma_semaphore, #tpu.memory_space<semaphore_mem>>
    %dma_start3A_664 = arith.constant 0 : i32
    %dma_start3A_665 = tpu.memref_slice %arg2[%add3A_659, %dma_start3A_664] : memref<8192x1024xf32, #tpu.memory_space<hbm>> -> memref<128x1024xf32, #tpu.memory_space<hbm>>
    %dma_start3A_666 = arith.constant 0 : i32
    %dma_start3A_667 = arith.constant 0 : i32
    %dma_start3A_668 = tpu.memref_slice %arg3[%dma_start3A_660, %dma_start3A_666, %dma_start3A_667] : memref<12x128x1024xf32, #tpu.memory_space<vmem_shared>> -> memref<1x128x1024xf32, #tpu.memory_space<vmem_shared>>
    %dma_start3A_669 = tpu.memref_squeeze %dma_start3A_668 : memref<1x128x1024xf32, #tpu.memory_space<vmem_shared>> -> memref<128x1024xf32, #tpu.memory_space<vmem_shared>>
    tpu.enqueue_dma source(%dma_start3A_669 : memref<128x1024xf32, #tpu.memory_space<vmem_shared>>) target(%dma_start3A_665 : memref<128x1024xf32, #tpu.memory_space<hbm>>) target_semaphore(%dma_start3A_663 : memref<!tpu.dma_semaphore, #tpu.memory_space<semaphore_mem>>)
    %add3A_670 = arith.constant 1280 : i32
    %add3A_671 = arith.addi %mul3A_0, %add3A_670 : i32
    %dma_wait3A_672 = arith.constant 10 : i32
    %dma_wait3A_673 = arith.constant 10 : i32
    %dma_wait3A_674 = tpu.memref_slice %arg5[%dma_wait3A_673] : memref<12x!tpu.dma_semaphore, #tpu.memory_space<semaphore_mem>> -> memref<1x!tpu.dma_semaphore, #tpu.memory_space<semaphore_mem>>
    %dma_wait3A_675 = tpu.memref_squeeze %dma_wait3A_674 : memref<1x!tpu.dma_semaphore, #tpu.memory_space<semaphore_mem>> -> memref<!tpu.dma_semaphore, #tpu.memory_space<semaphore_mem>>
    %dma_wait3A_676 = arith.constant 0 : i32
    %dma_wait3A_677 = tpu.memref_slice %arg2[%add3A_671, %dma_wait3A_676] : memref<8192x1024xf32, #tpu.memory_space<hbm>> -> memref<128x1024xf32, #tpu.memory_space<hbm>>
    %dma_wait3A_678 = arith.constant 0 : i32
    %dma_wait3A_679 = arith.constant 0 : i32
    %dma_wait3A_680 = tpu.memref_slice %arg3[%dma_wait3A_672, %dma_wait3A_678, %dma_wait3A_679] : memref<12x128x1024xf32, #tpu.memory_space<vmem_shared>> -> memref<1x128x1024xf32, #tpu.memory_space<vmem_shared>>
    %dma_wait3A_681 = tpu.memref_squeeze %dma_wait3A_680 : memref<1x128x1024xf32, #tpu.memory_space<vmem_shared>> -> memref<128x1024xf32, #tpu.memory_space<vmem_shared>>
    tpu.wait_dma2 semaphore(%dma_wait3A_675 : memref<!tpu.dma_semaphore, #tpu.memory_space<semaphore_mem>>) src(%dma_wait3A_681 : memref<128x1024xf32, #tpu.memory_space<vmem_shared>>) dst(%dma_wait3A_677 : memref<128x1024xf32, #tpu.memory_space<hbm>>)
    %add3A_682 = arith.constant 2816 : i32
    %add3A_683 = arith.addi %mul3A_0, %add3A_682 : i32
    %dma_start3A_684 = arith.constant 10 : i32
    %dma_start3A_685 = arith.constant 10 : i32
    %dma_start3A_686 = tpu.memref_slice %arg4[%dma_start3A_685] : memref<12x!tpu.dma_semaphore, #tpu.memory_space<semaphore_mem>> -> memref<1x!tpu.dma_semaphore, #tpu.memory_space<semaphore_mem>>
    %dma_start3A_687 = tpu.memref_squeeze %dma_start3A_686 : memref<1x!tpu.dma_semaphore, #tpu.memory_space<semaphore_mem>> -> memref<!tpu.dma_semaphore, #tpu.memory_space<semaphore_mem>>
    %dma_start3A_688 = arith.constant 0 : i32
    %dma_start3A_689 = arith.constant 0 : i32
    %dma_start3A_690 = tpu.memref_slice %arg3[%dma_start3A_684, %dma_start3A_688, %dma_start3A_689] : memref<12x128x1024xf32, #tpu.memory_space<vmem_shared>> -> memref<1x128x1024xf32, #tpu.memory_space<vmem_shared>>
    %dma_start3A_691 = tpu.memref_squeeze %dma_start3A_690 : memref<1x128x1024xf32, #tpu.memory_space<vmem_shared>> -> memref<128x1024xf32, #tpu.memory_space<vmem_shared>>
    %dma_start3A_692 = arith.constant 0 : i32
    %dma_start3A_693 = tpu.memref_slice %arg1[%add3A_683, %dma_start3A_692] : memref<8192x1024xf32, #tpu.memory_space<hbm>> -> memref<128x1024xf32, #tpu.memory_space<hbm>>
    tpu.enqueue_dma source(%dma_start3A_693 : memref<128x1024xf32, #tpu.memory_space<hbm>>) target(%dma_start3A_691 : memref<128x1024xf32, #tpu.memory_space<vmem_shared>>) target_semaphore(%dma_start3A_687 : memref<!tpu.dma_semaphore, #tpu.memory_space<semaphore_mem>>)
    %add3A_694 = arith.constant 1536 : i32
    %add3A_695 = arith.addi %mul3A_0, %add3A_694 : i32
    %dma_wait3A_696 = arith.constant 0 : i32
    %dma_wait3A_697 = arith.constant 0 : i32
    %dma_wait3A_698 = tpu.memref_slice %arg4[%dma_wait3A_697] : memref<12x!tpu.dma_semaphore, #tpu.memory_space<semaphore_mem>> -> memref<1x!tpu.dma_semaphore, #tpu.memory_space<semaphore_mem>>
    %dma_wait3A_699 = tpu.memref_squeeze %dma_wait3A_698 : memref<1x!tpu.dma_semaphore, #tpu.memory_space<semaphore_mem>> -> memref<!tpu.dma_semaphore, #tpu.memory_space<semaphore_mem>>
    %dma_wait3A_700 = arith.constant 0 : i32
    %dma_wait3A_701 = arith.constant 0 : i32
    %dma_wait3A_702 = tpu.memref_slice %arg3[%dma_wait3A_696, %dma_wait3A_700, %dma_wait3A_701] : memref<12x128x1024xf32, #tpu.memory_space<vmem_shared>> -> memref<1x128x1024xf32, #tpu.memory_space<vmem_shared>>
    %dma_wait3A_703 = tpu.memref_squeeze %dma_wait3A_702 : memref<1x128x1024xf32, #tpu.memory_space<vmem_shared>> -> memref<128x1024xf32, #tpu.memory_space<vmem_shared>>
    %dma_wait3A_704 = arith.constant 0 : i32
    %dma_wait3A_705 = tpu.memref_slice %arg1[%add3A_695, %dma_wait3A_704] : memref<8192x1024xf32, #tpu.memory_space<hbm>> -> memref<128x1024xf32, #tpu.memory_space<hbm>>
    tpu.wait_dma2 semaphore(%dma_wait3A_699 : memref<!tpu.dma_semaphore, #tpu.memory_space<semaphore_mem>>) src(%dma_wait3A_705 : memref<128x1024xf32, #tpu.memory_space<hbm>>) dst(%dma_wait3A_703 : memref<128x1024xf32, #tpu.memory_space<vmem_shared>>)
    %add3A_706 = arith.constant 1536 : i32
    %add3A_707 = arith.addi %mul3A_0, %add3A_706 : i32
    %dma_start3A_708 = arith.constant 0 : i32
    %dma_start3A_709 = arith.constant 0 : i32
    %dma_start3A_710 = tpu.memref_slice %arg5[%dma_start3A_709] : memref<12x!tpu.dma_semaphore, #tpu.memory_space<semaphore_mem>> -> memref<1x!tpu.dma_semaphore, #tpu.memory_space<semaphore_mem>>
    %dma_start3A_711 = tpu.memref_squeeze %dma_start3A_710 : memref<1x!tpu.dma_semaphore, #tpu.memory_space<semaphore_mem>> -> memref<!tpu.dma_semaphore, #tpu.memory_space<semaphore_mem>>
    %dma_start3A_712 = arith.constant 0 : i32
    %dma_start3A_713 = tpu.memref_slice %arg2[%add3A_707, %dma_start3A_712] : memref<8192x1024xf32, #tpu.memory_space<hbm>> -> memref<128x1024xf32, #tpu.memory_space<hbm>>
    %dma_start3A_714 = arith.constant 0 : i32
    %dma_start3A_715 = arith.constant 0 : i32
    %dma_start3A_716 = tpu.memref_slice %arg3[%dma_start3A_708, %dma_start3A_714, %dma_start3A_715] : memref<12x128x1024xf32, #tpu.memory_space<vmem_shared>> -> memref<1x128x1024xf32, #tpu.memory_space<vmem_shared>>
    %dma_start3A_717 = tpu.memref_squeeze %dma_start3A_716 : memref<1x128x1024xf32, #tpu.memory_space<vmem_shared>> -> memref<128x1024xf32, #tpu.memory_space<vmem_shared>>
    tpu.enqueue_dma source(%dma_start3A_717 : memref<128x1024xf32, #tpu.memory_space<vmem_shared>>) target(%dma_start3A_713 : memref<128x1024xf32, #tpu.memory_space<hbm>>) target_semaphore(%dma_start3A_711 : memref<!tpu.dma_semaphore, #tpu.memory_space<semaphore_mem>>)
    %add3A_718 = arith.constant 1408 : i32
    %add3A_719 = arith.addi %mul3A_0, %add3A_718 : i32
    %dma_wait3A_720 = arith.constant 11 : i32
    %dma_wait3A_721 = arith.constant 11 : i32
    %dma_wait3A_722 = tpu.memref_slice %arg5[%dma_wait3A_721] : memref<12x!tpu.dma_semaphore, #tpu.memory_space<semaphore_mem>> -> memref<1x!tpu.dma_semaphore, #tpu.memory_space<semaphore_mem>>
    %dma_wait3A_723 = tpu.memref_squeeze %dma_wait3A_722 : memref<1x!tpu.dma_semaphore, #tpu.memory_space<semaphore_mem>> -> memref<!tpu.dma_semaphore, #tpu.memory_space<semaphore_mem>>
    %dma_wait3A_724 = arith.constant 0 : i32
    %dma_wait3A_725 = tpu.memref_slice %arg2[%add3A_719, %dma_wait3A_724] : memref<8192x1024xf32, #tpu.memory_space<hbm>> -> memref<128x1024xf32, #tpu.memory_space<hbm>>
    %dma_wait3A_726 = arith.constant 0 : i32
    %dma_wait3A_727 = arith.constant 0 : i32
    %dma_wait3A_728 = tpu.memref_slice %arg3[%dma_wait3A_720, %dma_wait3A_726, %dma_wait3A_727] : memref<12x128x1024xf32, #tpu.memory_space<vmem_shared>> -> memref<1x128x1024xf32, #tpu.memory_space<vmem_shared>>
    %dma_wait3A_729 = tpu.memref_squeeze %dma_wait3A_728 : memref<1x128x1024xf32, #tpu.memory_space<vmem_shared>> -> memref<128x1024xf32, #tpu.memory_space<vmem_shared>>
    tpu.wait_dma2 semaphore(%dma_wait3A_723 : memref<!tpu.dma_semaphore, #tpu.memory_space<semaphore_mem>>) src(%dma_wait3A_729 : memref<128x1024xf32, #tpu.memory_space<vmem_shared>>) dst(%dma_wait3A_725 : memref<128x1024xf32, #tpu.memory_space<hbm>>)
    %add3A_730 = arith.constant 2944 : i32
    %add3A_731 = arith.addi %mul3A_0, %add3A_730 : i32
    %dma_start3A_732 = arith.constant 11 : i32
    %dma_start3A_733 = arith.constant 11 : i32
    %dma_start3A_734 = tpu.memref_slice %arg4[%dma_start3A_733] : memref<12x!tpu.dma_semaphore, #tpu.memory_space<semaphore_mem>> -> memref<1x!tpu.dma_semaphore, #tpu.memory_space<semaphore_mem>>
    %dma_start3A_735 = tpu.memref_squeeze %dma_start3A_734 : memref<1x!tpu.dma_semaphore, #tpu.memory_space<semaphore_mem>> -> memref<!tpu.dma_semaphore, #tpu.memory_space<semaphore_mem>>
    %dma_start3A_736 = arith.constant 0 : i32
    %dma_start3A_737 = arith.constant 0 : i32
    %dma_start3A_738 = tpu.memref_slice %arg3[%dma_start3A_732, %dma_start3A_736, %dma_start3A_737] : memref<12x128x1024xf32, #tpu.memory_space<vmem_shared>> -> memref<1x128x1024xf32, #tpu.memory_space<vmem_shared>>
    %dma_start3A_739 = tpu.memref_squeeze %dma_start3A_738 : memref<1x128x1024xf32, #tpu.memory_space<vmem_shared>> -> memref<128x1024xf32, #tpu.memory_space<vmem_shared>>
    %dma_start3A_740 = arith.constant 0 : i32
    %dma_start3A_741 = tpu.memref_slice %arg1[%add3A_731, %dma_start3A_740] : memref<8192x1024xf32, #tpu.memory_space<hbm>> -> memref<128x1024xf32, #tpu.memory_space<hbm>>
    tpu.enqueue_dma source(%dma_start3A_741 : memref<128x1024xf32, #tpu.memory_space<hbm>>) target(%dma_start3A_739 : memref<128x1024xf32, #tpu.memory_space<vmem_shared>>) target_semaphore(%dma_start3A_735 : memref<!tpu.dma_semaphore, #tpu.memory_space<semaphore_mem>>)
    %add3A_742 = arith.constant 1664 : i32
    %add3A_743 = arith.addi %mul3A_0, %add3A_742 : i32
    %dma_wait3A_744 = arith.constant 1 : i32
    %dma_wait3A_745 = arith.constant 1 : i32
    %dma_wait3A_746 = tpu.memref_slice %arg4[%dma_wait3A_745] : memref<12x!tpu.dma_semaphore, #tpu.memory_space<semaphore_mem>> -> memref<1x!tpu.dma_semaphore, #tpu.memory_space<semaphore_mem>>
    %dma_wait3A_747 = tpu.memref_squeeze %dma_wait3A_746 : memref<1x!tpu.dma_semaphore, #tpu.memory_space<semaphore_mem>> -> memref<!tpu.dma_semaphore, #tpu.memory_space<semaphore_mem>>
    %dma_wait3A_748 = arith.constant 0 : i32
    %dma_wait3A_749 = arith.constant 0 : i32
    %dma_wait3A_750 = tpu.memref_slice %arg3[%dma_wait3A_744, %dma_wait3A_748, %dma_wait3A_749] : memref<12x128x1024xf32, #tpu.memory_space<vmem_shared>> -> memref<1x128x1024xf32, #tpu.memory_space<vmem_shared>>
    %dma_wait3A_751 = tpu.memref_squeeze %dma_wait3A_750 : memref<1x128x1024xf32, #tpu.memory_space<vmem_shared>> -> memref<128x1024xf32, #tpu.memory_space<vmem_shared>>
    %dma_wait3A_752 = arith.constant 0 : i32
    %dma_wait3A_753 = tpu.memref_slice %arg1[%add3A_743, %dma_wait3A_752] : memref<8192x1024xf32, #tpu.memory_space<hbm>> -> memref<128x1024xf32, #tpu.memory_space<hbm>>
    tpu.wait_dma2 semaphore(%dma_wait3A_747 : memref<!tpu.dma_semaphore, #tpu.memory_space<semaphore_mem>>) src(%dma_wait3A_753 : memref<128x1024xf32, #tpu.memory_space<hbm>>) dst(%dma_wait3A_751 : memref<128x1024xf32, #tpu.memory_space<vmem_shared>>)
    %add3A_754 = arith.constant 1664 : i32
    %add3A_755 = arith.addi %mul3A_0, %add3A_754 : i32
    %dma_start3A_756 = arith.constant 1 : i32
    %dma_start3A_757 = arith.constant 1 : i32
    %dma_start3A_758 = tpu.memref_slice %arg5[%dma_start3A_757] : memref<12x!tpu.dma_semaphore, #tpu.memory_space<semaphore_mem>> -> memref<1x!tpu.dma_semaphore, #tpu.memory_space<semaphore_mem>>
    %dma_start3A_759 = tpu.memref_squeeze %dma_start3A_758 : memref<1x!tpu.dma_semaphore, #tpu.memory_space<semaphore_mem>> -> memref<!tpu.dma_semaphore, #tpu.memory_space<semaphore_mem>>
    %dma_start3A_760 = arith.constant 0 : i32
    %dma_start3A_761 = tpu.memref_slice %arg2[%add3A_755, %dma_start3A_760] : memref<8192x1024xf32, #tpu.memory_space<hbm>> -> memref<128x1024xf32, #tpu.memory_space<hbm>>
    %dma_start3A_762 = arith.constant 0 : i32
    %dma_start3A_763 = arith.constant 0 : i32
    %dma_start3A_764 = tpu.memref_slice %arg3[%dma_start3A_756, %dma_start3A_762, %dma_start3A_763] : memref<12x128x1024xf32, #tpu.memory_space<vmem_shared>> -> memref<1x128x1024xf32, #tpu.memory_space<vmem_shared>>
    %dma_start3A_765 = tpu.memref_squeeze %dma_start3A_764 : memref<1x128x1024xf32, #tpu.memory_space<vmem_shared>> -> memref<128x1024xf32, #tpu.memory_space<vmem_shared>>
    tpu.enqueue_dma source(%dma_start3A_765 : memref<128x1024xf32, #tpu.memory_space<vmem_shared>>) target(%dma_start3A_761 : memref<128x1024xf32, #tpu.memory_space<hbm>>) target_semaphore(%dma_start3A_759 : memref<!tpu.dma_semaphore, #tpu.memory_space<semaphore_mem>>)
    %add3A_766 = arith.constant 1536 : i32
    %add3A_767 = arith.addi %mul3A_0, %add3A_766 : i32
    %dma_wait3A_768 = arith.constant 0 : i32
    %dma_wait3A_769 = arith.constant 0 : i32
    %dma_wait3A_770 = tpu.memref_slice %arg5[%dma_wait3A_769] : memref<12x!tpu.dma_semaphore, #tpu.memory_space<semaphore_mem>> -> memref<1x!tpu.dma_semaphore, #tpu.memory_space<semaphore_mem>>
    %dma_wait3A_771 = tpu.memref_squeeze %dma_wait3A_770 : memref<1x!tpu.dma_semaphore, #tpu.memory_space<semaphore_mem>> -> memref<!tpu.dma_semaphore, #tpu.memory_space<semaphore_mem>>
    %dma_wait3A_772 = arith.constant 0 : i32
    %dma_wait3A_773 = tpu.memref_slice %arg2[%add3A_767, %dma_wait3A_772] : memref<8192x1024xf32, #tpu.memory_space<hbm>> -> memref<128x1024xf32, #tpu.memory_space<hbm>>
    %dma_wait3A_774 = arith.constant 0 : i32
    %dma_wait3A_775 = arith.constant 0 : i32
    %dma_wait3A_776 = tpu.memref_slice %arg3[%dma_wait3A_768, %dma_wait3A_774, %dma_wait3A_775] : memref<12x128x1024xf32, #tpu.memory_space<vmem_shared>> -> memref<1x128x1024xf32, #tpu.memory_space<vmem_shared>>
    %dma_wait3A_777 = tpu.memref_squeeze %dma_wait3A_776 : memref<1x128x1024xf32, #tpu.memory_space<vmem_shared>> -> memref<128x1024xf32, #tpu.memory_space<vmem_shared>>
    tpu.wait_dma2 semaphore(%dma_wait3A_771 : memref<!tpu.dma_semaphore, #tpu.memory_space<semaphore_mem>>) src(%dma_wait3A_777 : memref<128x1024xf32, #tpu.memory_space<vmem_shared>>) dst(%dma_wait3A_773 : memref<128x1024xf32, #tpu.memory_space<hbm>>)
    %add3A_778 = arith.constant 3072 : i32
    %add3A_779 = arith.addi %mul3A_0, %add3A_778 : i32
    %dma_start3A_780 = arith.constant 0 : i32
    %dma_start3A_781 = arith.constant 0 : i32
    %dma_start3A_782 = tpu.memref_slice %arg4[%dma_start3A_781] : memref<12x!tpu.dma_semaphore, #tpu.memory_space<semaphore_mem>> -> memref<1x!tpu.dma_semaphore, #tpu.memory_space<semaphore_mem>>
    %dma_start3A_783 = tpu.memref_squeeze %dma_start3A_782 : memref<1x!tpu.dma_semaphore, #tpu.memory_space<semaphore_mem>> -> memref<!tpu.dma_semaphore, #tpu.memory_space<semaphore_mem>>
    %dma_start3A_784 = arith.constant 0 : i32
    %dma_start3A_785 = arith.constant 0 : i32
    %dma_start3A_786 = tpu.memref_slice %arg3[%dma_start3A_780, %dma_start3A_784, %dma_start3A_785] : memref<12x128x1024xf32, #tpu.memory_space<vmem_shared>> -> memref<1x128x1024xf32, #tpu.memory_space<vmem_shared>>
    %dma_start3A_787 = tpu.memref_squeeze %dma_start3A_786 : memref<1x128x1024xf32, #tpu.memory_space<vmem_shared>> -> memref<128x1024xf32, #tpu.memory_space<vmem_shared>>
    %dma_start3A_788 = arith.constant 0 : i32
    %dma_start3A_789 = tpu.memref_slice %arg1[%add3A_779, %dma_start3A_788] : memref<8192x1024xf32, #tpu.memory_space<hbm>> -> memref<128x1024xf32, #tpu.memory_space<hbm>>
    tpu.enqueue_dma source(%dma_start3A_789 : memref<128x1024xf32, #tpu.memory_space<hbm>>) target(%dma_start3A_787 : memref<128x1024xf32, #tpu.memory_space<vmem_shared>>) target_semaphore(%dma_start3A_783 : memref<!tpu.dma_semaphore, #tpu.memory_space<semaphore_mem>>)
    %add3A_790 = arith.constant 1792 : i32
    %add3A_791 = arith.addi %mul3A_0, %add3A_790 : i32
    %dma_wait3A_792 = arith.constant 2 : i32
    %dma_wait3A_793 = arith.constant 2 : i32
    %dma_wait3A_794 = tpu.memref_slice %arg4[%dma_wait3A_793] : memref<12x!tpu.dma_semaphore, #tpu.memory_space<semaphore_mem>> -> memref<1x!tpu.dma_semaphore, #tpu.memory_space<semaphore_mem>>
    %dma_wait3A_795 = tpu.memref_squeeze %dma_wait3A_794 : memref<1x!tpu.dma_semaphore, #tpu.memory_space<semaphore_mem>> -> memref<!tpu.dma_semaphore, #tpu.memory_space<semaphore_mem>>
    %dma_wait3A_796 = arith.constant 0 : i32
    %dma_wait3A_797 = arith.constant 0 : i32
    %dma_wait3A_798 = tpu.memref_slice %arg3[%dma_wait3A_792, %dma_wait3A_796, %dma_wait3A_797] : memref<12x128x1024xf32, #tpu.memory_space<vmem_shared>> -> memref<1x128x1024xf32, #tpu.memory_space<vmem_shared>>
    %dma_wait3A_799 = tpu.memref_squeeze %dma_wait3A_798 : memref<1x128x1024xf32, #tpu.memory_space<vmem_shared>> -> memref<128x1024xf32, #tpu.memory_space<vmem_shared>>
    %dma_wait3A_800 = arith.constant 0 : i32
    %dma_wait3A_801 = tpu.memref_slice %arg1[%add3A_791, %dma_wait3A_800] : memref<8192x1024xf32, #tpu.memory_space<hbm>> -> memref<128x1024xf32, #tpu.memory_space<hbm>>
    tpu.wait_dma2 semaphore(%dma_wait3A_795 : memref<!tpu.dma_semaphore, #tpu.memory_space<semaphore_mem>>) src(%dma_wait3A_801 : memref<128x1024xf32, #tpu.memory_space<hbm>>) dst(%dma_wait3A_799 : memref<128x1024xf32, #tpu.memory_space<vmem_shared>>)
    %add3A_802 = arith.constant 1792 : i32
    %add3A_803 = arith.addi %mul3A_0, %add3A_802 : i32
    %dma_start3A_804 = arith.constant 2 : i32
    %dma_start3A_805 = arith.constant 2 : i32
    %dma_start3A_806 = tpu.memref_slice %arg5[%dma_start3A_805] : memref<12x!tpu.dma_semaphore, #tpu.memory_space<semaphore_mem>> -> memref<1x!tpu.dma_semaphore, #tpu.memory_space<semaphore_mem>>
    %dma_start3A_807 = tpu.memref_squeeze %dma_start3A_806 : memref<1x!tpu.dma_semaphore, #tpu.memory_space<semaphore_mem>> -> memref<!tpu.dma_semaphore, #tpu.memory_space<semaphore_mem>>
    %dma_start3A_808 = arith.constant 0 : i32
    %dma_start3A_809 = tpu.memref_slice %arg2[%add3A_803, %dma_start3A_808] : memref<8192x1024xf32, #tpu.memory_space<hbm>> -> memref<128x1024xf32, #tpu.memory_space<hbm>>
    %dma_start3A_810 = arith.constant 0 : i32
    %dma_start3A_811 = arith.constant 0 : i32
    %dma_start3A_812 = tpu.memref_slice %arg3[%dma_start3A_804, %dma_start3A_810, %dma_start3A_811] : memref<12x128x1024xf32, #tpu.memory_space<vmem_shared>> -> memref<1x128x1024xf32, #tpu.memory_space<vmem_shared>>
    %dma_start3A_813 = tpu.memref_squeeze %dma_start3A_812 : memref<1x128x1024xf32, #tpu.memory_space<vmem_shared>> -> memref<128x1024xf32, #tpu.memory_space<vmem_shared>>
    tpu.enqueue_dma source(%dma_start3A_813 : memref<128x1024xf32, #tpu.memory_space<vmem_shared>>) target(%dma_start3A_809 : memref<128x1024xf32, #tpu.memory_space<hbm>>) target_semaphore(%dma_start3A_807 : memref<!tpu.dma_semaphore, #tpu.memory_space<semaphore_mem>>)
    %add3A_814 = arith.constant 1664 : i32
    %add3A_815 = arith.addi %mul3A_0, %add3A_814 : i32
    %dma_wait3A_816 = arith.constant 1 : i32
    %dma_wait3A_817 = arith.constant 1 : i32
    %dma_wait3A_818 = tpu.memref_slice %arg5[%dma_wait3A_817] : memref<12x!tpu.dma_semaphore, #tpu.memory_space<semaphore_mem>> -> memref<1x!tpu.dma_semaphore, #tpu.memory_space<semaphore_mem>>
    %dma_wait3A_819 = tpu.memref_squeeze %dma_wait3A_818 : memref<1x!tpu.dma_semaphore, #tpu.memory_space<semaphore_mem>> -> memref<!tpu.dma_semaphore, #tpu.memory_space<semaphore_mem>>
    %dma_wait3A_820 = arith.constant 0 : i32
    %dma_wait3A_821 = tpu.memref_slice %arg2[%add3A_815, %dma_wait3A_820] : memref<8192x1024xf32, #tpu.memory_space<hbm>> -> memref<128x1024xf32, #tpu.memory_space<hbm>>
    %dma_wait3A_822 = arith.constant 0 : i32
    %dma_wait3A_823 = arith.constant 0 : i32
    %dma_wait3A_824 = tpu.memref_slice %arg3[%dma_wait3A_816, %dma_wait3A_822, %dma_wait3A_823] : memref<12x128x1024xf32, #tpu.memory_space<vmem_shared>> -> memref<1x128x1024xf32, #tpu.memory_space<vmem_shared>>
    %dma_wait3A_825 = tpu.memref_squeeze %dma_wait3A_824 : memref<1x128x1024xf32, #tpu.memory_space<vmem_shared>> -> memref<128x1024xf32, #tpu.memory_space<vmem_shared>>
    tpu.wait_dma2 semaphore(%dma_wait3A_819 : memref<!tpu.dma_semaphore, #tpu.memory_space<semaphore_mem>>) src(%dma_wait3A_825 : memref<128x1024xf32, #tpu.memory_space<vmem_shared>>) dst(%dma_wait3A_821 : memref<128x1024xf32, #tpu.memory_space<hbm>>)
    %add3A_826 = arith.constant 3200 : i32
    %add3A_827 = arith.addi %mul3A_0, %add3A_826 : i32
    %dma_start3A_828 = arith.constant 1 : i32
    %dma_start3A_829 = arith.constant 1 : i32
    %dma_start3A_830 = tpu.memref_slice %arg4[%dma_start3A_829] : memref<12x!tpu.dma_semaphore, #tpu.memory_space<semaphore_mem>> -> memref<1x!tpu.dma_semaphore, #tpu.memory_space<semaphore_mem>>
    %dma_start3A_831 = tpu.memref_squeeze %dma_start3A_830 : memref<1x!tpu.dma_semaphore, #tpu.memory_space<semaphore_mem>> -> memref<!tpu.dma_semaphore, #tpu.memory_space<semaphore_mem>>
    %dma_start3A_832 = arith.constant 0 : i32
    %dma_start3A_833 = arith.constant 0 : i32
    %dma_start3A_834 = tpu.memref_slice %arg3[%dma_start3A_828, %dma_start3A_832, %dma_start3A_833] : memref<12x128x1024xf32, #tpu.memory_space<vmem_shared>> -> memref<1x128x1024xf32, #tpu.memory_space<vmem_shared>>
    %dma_start3A_835 = tpu.memref_squeeze %dma_start3A_834 : memref<1x128x1024xf32, #tpu.memory_space<vmem_shared>> -> memref<128x1024xf32, #tpu.memory_space<vmem_shared>>
    %dma_start3A_836 = arith.constant 0 : i32
    %dma_start3A_837 = tpu.memref_slice %arg1[%add3A_827, %dma_start3A_836] : memref<8192x1024xf32, #tpu.memory_space<hbm>> -> memref<128x1024xf32, #tpu.memory_space<hbm>>
    tpu.enqueue_dma source(%dma_start3A_837 : memref<128x1024xf32, #tpu.memory_space<hbm>>) target(%dma_start3A_835 : memref<128x1024xf32, #tpu.memory_space<vmem_shared>>) target_semaphore(%dma_start3A_831 : memref<!tpu.dma_semaphore, #tpu.memory_space<semaphore_mem>>)
    %add3A_838 = arith.constant 1920 : i32
    %add3A_839 = arith.addi %mul3A_0, %add3A_838 : i32
    %dma_wait3A_840 = arith.constant 3 : i32
    %dma_wait3A_841 = arith.constant 3 : i32
    %dma_wait3A_842 = tpu.memref_slice %arg4[%dma_wait3A_841] : memref<12x!tpu.dma_semaphore, #tpu.memory_space<semaphore_mem>> -> memref<1x!tpu.dma_semaphore, #tpu.memory_space<semaphore_mem>>
    %dma_wait3A_843 = tpu.memref_squeeze %dma_wait3A_842 : memref<1x!tpu.dma_semaphore, #tpu.memory_space<semaphore_mem>> -> memref<!tpu.dma_semaphore, #tpu.memory_space<semaphore_mem>>
    %dma_wait3A_844 = arith.constant 0 : i32
    %dma_wait3A_845 = arith.constant 0 : i32
    %dma_wait3A_846 = tpu.memref_slice %arg3[%dma_wait3A_840, %dma_wait3A_844, %dma_wait3A_845] : memref<12x128x1024xf32, #tpu.memory_space<vmem_shared>> -> memref<1x128x1024xf32, #tpu.memory_space<vmem_shared>>
    %dma_wait3A_847 = tpu.memref_squeeze %dma_wait3A_846 : memref<1x128x1024xf32, #tpu.memory_space<vmem_shared>> -> memref<128x1024xf32, #tpu.memory_space<vmem_shared>>
    %dma_wait3A_848 = arith.constant 0 : i32
    %dma_wait3A_849 = tpu.memref_slice %arg1[%add3A_839, %dma_wait3A_848] : memref<8192x1024xf32, #tpu.memory_space<hbm>> -> memref<128x1024xf32, #tpu.memory_space<hbm>>
    tpu.wait_dma2 semaphore(%dma_wait3A_843 : memref<!tpu.dma_semaphore, #tpu.memory_space<semaphore_mem>>) src(%dma_wait3A_849 : memref<128x1024xf32, #tpu.memory_space<hbm>>) dst(%dma_wait3A_847 : memref<128x1024xf32, #tpu.memory_space<vmem_shared>>)
    %add3A_850 = arith.constant 1920 : i32
    %add3A_851 = arith.addi %mul3A_0, %add3A_850 : i32
    %dma_start3A_852 = arith.constant 3 : i32
    %dma_start3A_853 = arith.constant 3 : i32
    %dma_start3A_854 = tpu.memref_slice %arg5[%dma_start3A_853] : memref<12x!tpu.dma_semaphore, #tpu.memory_space<semaphore_mem>> -> memref<1x!tpu.dma_semaphore, #tpu.memory_space<semaphore_mem>>
    %dma_start3A_855 = tpu.memref_squeeze %dma_start3A_854 : memref<1x!tpu.dma_semaphore, #tpu.memory_space<semaphore_mem>> -> memref<!tpu.dma_semaphore, #tpu.memory_space<semaphore_mem>>
    %dma_start3A_856 = arith.constant 0 : i32
    %dma_start3A_857 = tpu.memref_slice %arg2[%add3A_851, %dma_start3A_856] : memref<8192x1024xf32, #tpu.memory_space<hbm>> -> memref<128x1024xf32, #tpu.memory_space<hbm>>
    %dma_start3A_858 = arith.constant 0 : i32
    %dma_start3A_859 = arith.constant 0 : i32
    %dma_start3A_860 = tpu.memref_slice %arg3[%dma_start3A_852, %dma_start3A_858, %dma_start3A_859] : memref<12x128x1024xf32, #tpu.memory_space<vmem_shared>> -> memref<1x128x1024xf32, #tpu.memory_space<vmem_shared>>
    %dma_start3A_861 = tpu.memref_squeeze %dma_start3A_860 : memref<1x128x1024xf32, #tpu.memory_space<vmem_shared>> -> memref<128x1024xf32, #tpu.memory_space<vmem_shared>>
    tpu.enqueue_dma source(%dma_start3A_861 : memref<128x1024xf32, #tpu.memory_space<vmem_shared>>) target(%dma_start3A_857 : memref<128x1024xf32, #tpu.memory_space<hbm>>) target_semaphore(%dma_start3A_855 : memref<!tpu.dma_semaphore, #tpu.memory_space<semaphore_mem>>)
    %add3A_862 = arith.constant 1792 : i32
    %add3A_863 = arith.addi %mul3A_0, %add3A_862 : i32
    %dma_wait3A_864 = arith.constant 2 : i32
    %dma_wait3A_865 = arith.constant 2 : i32
    %dma_wait3A_866 = tpu.memref_slice %arg5[%dma_wait3A_865] : memref<12x!tpu.dma_semaphore, #tpu.memory_space<semaphore_mem>> -> memref<1x!tpu.dma_semaphore, #tpu.memory_space<semaphore_mem>>
    %dma_wait3A_867 = tpu.memref_squeeze %dma_wait3A_866 : memref<1x!tpu.dma_semaphore, #tpu.memory_space<semaphore_mem>> -> memref<!tpu.dma_semaphore, #tpu.memory_space<semaphore_mem>>
    %dma_wait3A_868 = arith.constant 0 : i32
    %dma_wait3A_869 = tpu.memref_slice %arg2[%add3A_863, %dma_wait3A_868] : memref<8192x1024xf32, #tpu.memory_space<hbm>> -> memref<128x1024xf32, #tpu.memory_space<hbm>>
    %dma_wait3A_870 = arith.constant 0 : i32
    %dma_wait3A_871 = arith.constant 0 : i32
    %dma_wait3A_872 = tpu.memref_slice %arg3[%dma_wait3A_864, %dma_wait3A_870, %dma_wait3A_871] : memref<12x128x1024xf32, #tpu.memory_space<vmem_shared>> -> memref<1x128x1024xf32, #tpu.memory_space<vmem_shared>>
    %dma_wait3A_873 = tpu.memref_squeeze %dma_wait3A_872 : memref<1x128x1024xf32, #tpu.memory_space<vmem_shared>> -> memref<128x1024xf32, #tpu.memory_space<vmem_shared>>
    tpu.wait_dma2 semaphore(%dma_wait3A_867 : memref<!tpu.dma_semaphore, #tpu.memory_space<semaphore_mem>>) src(%dma_wait3A_873 : memref<128x1024xf32, #tpu.memory_space<vmem_shared>>) dst(%dma_wait3A_869 : memref<128x1024xf32, #tpu.memory_space<hbm>>)
    %add3A_874 = arith.constant 3328 : i32
    %add3A_875 = arith.addi %mul3A_0, %add3A_874 : i32
    %dma_start3A_876 = arith.constant 2 : i32
    %dma_start3A_877 = arith.constant 2 : i32
    %dma_start3A_878 = tpu.memref_slice %arg4[%dma_start3A_877] : memref<12x!tpu.dma_semaphore, #tpu.memory_space<semaphore_mem>> -> memref<1x!tpu.dma_semaphore, #tpu.memory_space<semaphore_mem>>
    %dma_start3A_879 = tpu.memref_squeeze %dma_start3A_878 : memref<1x!tpu.dma_semaphore, #tpu.memory_space<semaphore_mem>> -> memref<!tpu.dma_semaphore, #tpu.memory_space<semaphore_mem>>
    %dma_start3A_880 = arith.constant 0 : i32
    %dma_start3A_881 = arith.constant 0 : i32
    %dma_start3A_882 = tpu.memref_slice %arg3[%dma_start3A_876, %dma_start3A_880, %dma_start3A_881] : memref<12x128x1024xf32, #tpu.memory_space<vmem_shared>> -> memref<1x128x1024xf32, #tpu.memory_space<vmem_shared>>
    %dma_start3A_883 = tpu.memref_squeeze %dma_start3A_882 : memref<1x128x1024xf32, #tpu.memory_space<vmem_shared>> -> memref<128x1024xf32, #tpu.memory_space<vmem_shared>>
    %dma_start3A_884 = arith.constant 0 : i32
    %dma_start3A_885 = tpu.memref_slice %arg1[%add3A_875, %dma_start3A_884] : memref<8192x1024xf32, #tpu.memory_space<hbm>> -> memref<128x1024xf32, #tpu.memory_space<hbm>>
    tpu.enqueue_dma source(%dma_start3A_885 : memref<128x1024xf32, #tpu.memory_space<hbm>>) target(%dma_start3A_883 : memref<128x1024xf32, #tpu.memory_space<vmem_shared>>) target_semaphore(%dma_start3A_879 : memref<!tpu.dma_semaphore, #tpu.memory_space<semaphore_mem>>)
    %add3A_886 = arith.constant 2048 : i32
    %add3A_887 = arith.addi %mul3A_0, %add3A_886 : i32
    %dma_wait3A_888 = arith.constant 4 : i32
    %dma_wait3A_889 = arith.constant 4 : i32
    %dma_wait3A_890 = tpu.memref_slice %arg4[%dma_wait3A_889] : memref<12x!tpu.dma_semaphore, #tpu.memory_space<semaphore_mem>> -> memref<1x!tpu.dma_semaphore, #tpu.memory_space<semaphore_mem>>
    %dma_wait3A_891 = tpu.memref_squeeze %dma_wait3A_890 : memref<1x!tpu.dma_semaphore, #tpu.memory_space<semaphore_mem>> -> memref<!tpu.dma_semaphore, #tpu.memory_space<semaphore_mem>>
    %dma_wait3A_892 = arith.constant 0 : i32
    %dma_wait3A_893 = arith.constant 0 : i32
    %dma_wait3A_894 = tpu.memref_slice %arg3[%dma_wait3A_888, %dma_wait3A_892, %dma_wait3A_893] : memref<12x128x1024xf32, #tpu.memory_space<vmem_shared>> -> memref<1x128x1024xf32, #tpu.memory_space<vmem_shared>>
    %dma_wait3A_895 = tpu.memref_squeeze %dma_wait3A_894 : memref<1x128x1024xf32, #tpu.memory_space<vmem_shared>> -> memref<128x1024xf32, #tpu.memory_space<vmem_shared>>
    %dma_wait3A_896 = arith.constant 0 : i32
    %dma_wait3A_897 = tpu.memref_slice %arg1[%add3A_887, %dma_wait3A_896] : memref<8192x1024xf32, #tpu.memory_space<hbm>> -> memref<128x1024xf32, #tpu.memory_space<hbm>>
    tpu.wait_dma2 semaphore(%dma_wait3A_891 : memref<!tpu.dma_semaphore, #tpu.memory_space<semaphore_mem>>) src(%dma_wait3A_897 : memref<128x1024xf32, #tpu.memory_space<hbm>>) dst(%dma_wait3A_895 : memref<128x1024xf32, #tpu.memory_space<vmem_shared>>)
    %add3A_898 = arith.constant 2048 : i32
    %add3A_899 = arith.addi %mul3A_0, %add3A_898 : i32
    %dma_start3A_900 = arith.constant 4 : i32
    %dma_start3A_901 = arith.constant 4 : i32
    %dma_start3A_902 = tpu.memref_slice %arg5[%dma_start3A_901] : memref<12x!tpu.dma_semaphore, #tpu.memory_space<semaphore_mem>> -> memref<1x!tpu.dma_semaphore, #tpu.memory_space<semaphore_mem>>
    %dma_start3A_903 = tpu.memref_squeeze %dma_start3A_902 : memref<1x!tpu.dma_semaphore, #tpu.memory_space<semaphore_mem>> -> memref<!tpu.dma_semaphore, #tpu.memory_space<semaphore_mem>>
    %dma_start3A_904 = arith.constant 0 : i32
    %dma_start3A_905 = tpu.memref_slice %arg2[%add3A_899, %dma_start3A_904] : memref<8192x1024xf32, #tpu.memory_space<hbm>> -> memref<128x1024xf32, #tpu.memory_space<hbm>>
    %dma_start3A_906 = arith.constant 0 : i32
    %dma_start3A_907 = arith.constant 0 : i32
    %dma_start3A_908 = tpu.memref_slice %arg3[%dma_start3A_900, %dma_start3A_906, %dma_start3A_907] : memref<12x128x1024xf32, #tpu.memory_space<vmem_shared>> -> memref<1x128x1024xf32, #tpu.memory_space<vmem_shared>>
    %dma_start3A_909 = tpu.memref_squeeze %dma_start3A_908 : memref<1x128x1024xf32, #tpu.memory_space<vmem_shared>> -> memref<128x1024xf32, #tpu.memory_space<vmem_shared>>
    tpu.enqueue_dma source(%dma_start3A_909 : memref<128x1024xf32, #tpu.memory_space<vmem_shared>>) target(%dma_start3A_905 : memref<128x1024xf32, #tpu.memory_space<hbm>>) target_semaphore(%dma_start3A_903 : memref<!tpu.dma_semaphore, #tpu.memory_space<semaphore_mem>>)
    %add3A_910 = arith.constant 1920 : i32
    %add3A_911 = arith.addi %mul3A_0, %add3A_910 : i32
    %dma_wait3A_912 = arith.constant 3 : i32
    %dma_wait3A_913 = arith.constant 3 : i32
    %dma_wait3A_914 = tpu.memref_slice %arg5[%dma_wait3A_913] : memref<12x!tpu.dma_semaphore, #tpu.memory_space<semaphore_mem>> -> memref<1x!tpu.dma_semaphore, #tpu.memory_space<semaphore_mem>>
    %dma_wait3A_915 = tpu.memref_squeeze %dma_wait3A_914 : memref<1x!tpu.dma_semaphore, #tpu.memory_space<semaphore_mem>> -> memref<!tpu.dma_semaphore, #tpu.memory_space<semaphore_mem>>
    %dma_wait3A_916 = arith.constant 0 : i32
    %dma_wait3A_917 = tpu.memref_slice %arg2[%add3A_911, %dma_wait3A_916] : memref<8192x1024xf32, #tpu.memory_space<hbm>> -> memref<128x1024xf32, #tpu.memory_space<hbm>>
    %dma_wait3A_918 = arith.constant 0 : i32
    %dma_wait3A_919 = arith.constant 0 : i32
    %dma_wait3A_920 = tpu.memref_slice %arg3[%dma_wait3A_912, %dma_wait3A_918, %dma_wait3A_919] : memref<12x128x1024xf32, #tpu.memory_space<vmem_shared>> -> memref<1x128x1024xf32, #tpu.memory_space<vmem_shared>>
    %dma_wait3A_921 = tpu.memref_squeeze %dma_wait3A_920 : memref<1x128x1024xf32, #tpu.memory_space<vmem_shared>> -> memref<128x1024xf32, #tpu.memory_space<vmem_shared>>
    tpu.wait_dma2 semaphore(%dma_wait3A_915 : memref<!tpu.dma_semaphore, #tpu.memory_space<semaphore_mem>>) src(%dma_wait3A_921 : memref<128x1024xf32, #tpu.memory_space<vmem_shared>>) dst(%dma_wait3A_917 : memref<128x1024xf32, #tpu.memory_space<hbm>>)
    %add3A_922 = arith.constant 3456 : i32
    %add3A_923 = arith.addi %mul3A_0, %add3A_922 : i32
    %dma_start3A_924 = arith.constant 3 : i32
    %dma_start3A_925 = arith.constant 3 : i32
    %dma_start3A_926 = tpu.memref_slice %arg4[%dma_start3A_925] : memref<12x!tpu.dma_semaphore, #tpu.memory_space<semaphore_mem>> -> memref<1x!tpu.dma_semaphore, #tpu.memory_space<semaphore_mem>>
    %dma_start3A_927 = tpu.memref_squeeze %dma_start3A_926 : memref<1x!tpu.dma_semaphore, #tpu.memory_space<semaphore_mem>> -> memref<!tpu.dma_semaphore, #tpu.memory_space<semaphore_mem>>
    %dma_start3A_928 = arith.constant 0 : i32
    %dma_start3A_929 = arith.constant 0 : i32
    %dma_start3A_930 = tpu.memref_slice %arg3[%dma_start3A_924, %dma_start3A_928, %dma_start3A_929] : memref<12x128x1024xf32, #tpu.memory_space<vmem_shared>> -> memref<1x128x1024xf32, #tpu.memory_space<vmem_shared>>
    %dma_start3A_931 = tpu.memref_squeeze %dma_start3A_930 : memref<1x128x1024xf32, #tpu.memory_space<vmem_shared>> -> memref<128x1024xf32, #tpu.memory_space<vmem_shared>>
    %dma_start3A_932 = arith.constant 0 : i32
    %dma_start3A_933 = tpu.memref_slice %arg1[%add3A_923, %dma_start3A_932] : memref<8192x1024xf32, #tpu.memory_space<hbm>> -> memref<128x1024xf32, #tpu.memory_space<hbm>>
    tpu.enqueue_dma source(%dma_start3A_933 : memref<128x1024xf32, #tpu.memory_space<hbm>>) target(%dma_start3A_931 : memref<128x1024xf32, #tpu.memory_space<vmem_shared>>) target_semaphore(%dma_start3A_927 : memref<!tpu.dma_semaphore, #tpu.memory_space<semaphore_mem>>)
    %add3A_934 = arith.constant 2176 : i32
    %add3A_935 = arith.addi %mul3A_0, %add3A_934 : i32
    %dma_wait3A_936 = arith.constant 5 : i32
    %dma_wait3A_937 = arith.constant 5 : i32
    %dma_wait3A_938 = tpu.memref_slice %arg4[%dma_wait3A_937] : memref<12x!tpu.dma_semaphore, #tpu.memory_space<semaphore_mem>> -> memref<1x!tpu.dma_semaphore, #tpu.memory_space<semaphore_mem>>
    %dma_wait3A_939 = tpu.memref_squeeze %dma_wait3A_938 : memref<1x!tpu.dma_semaphore, #tpu.memory_space<semaphore_mem>> -> memref<!tpu.dma_semaphore, #tpu.memory_space<semaphore_mem>>
    %dma_wait3A_940 = arith.constant 0 : i32
    %dma_wait3A_941 = arith.constant 0 : i32
    %dma_wait3A_942 = tpu.memref_slice %arg3[%dma_wait3A_936, %dma_wait3A_940, %dma_wait3A_941] : memref<12x128x1024xf32, #tpu.memory_space<vmem_shared>> -> memref<1x128x1024xf32, #tpu.memory_space<vmem_shared>>
    %dma_wait3A_943 = tpu.memref_squeeze %dma_wait3A_942 : memref<1x128x1024xf32, #tpu.memory_space<vmem_shared>> -> memref<128x1024xf32, #tpu.memory_space<vmem_shared>>
    %dma_wait3A_944 = arith.constant 0 : i32
    %dma_wait3A_945 = tpu.memref_slice %arg1[%add3A_935, %dma_wait3A_944] : memref<8192x1024xf32, #tpu.memory_space<hbm>> -> memref<128x1024xf32, #tpu.memory_space<hbm>>
    tpu.wait_dma2 semaphore(%dma_wait3A_939 : memref<!tpu.dma_semaphore, #tpu.memory_space<semaphore_mem>>) src(%dma_wait3A_945 : memref<128x1024xf32, #tpu.memory_space<hbm>>) dst(%dma_wait3A_943 : memref<128x1024xf32, #tpu.memory_space<vmem_shared>>)
    %add3A_946 = arith.constant 2176 : i32
    %add3A_947 = arith.addi %mul3A_0, %add3A_946 : i32
    %dma_start3A_948 = arith.constant 5 : i32
    %dma_start3A_949 = arith.constant 5 : i32
    %dma_start3A_950 = tpu.memref_slice %arg5[%dma_start3A_949] : memref<12x!tpu.dma_semaphore, #tpu.memory_space<semaphore_mem>> -> memref<1x!tpu.dma_semaphore, #tpu.memory_space<semaphore_mem>>
    %dma_start3A_951 = tpu.memref_squeeze %dma_start3A_950 : memref<1x!tpu.dma_semaphore, #tpu.memory_space<semaphore_mem>> -> memref<!tpu.dma_semaphore, #tpu.memory_space<semaphore_mem>>
    %dma_start3A_952 = arith.constant 0 : i32
    %dma_start3A_953 = tpu.memref_slice %arg2[%add3A_947, %dma_start3A_952] : memref<8192x1024xf32, #tpu.memory_space<hbm>> -> memref<128x1024xf32, #tpu.memory_space<hbm>>
    %dma_start3A_954 = arith.constant 0 : i32
    %dma_start3A_955 = arith.constant 0 : i32
    %dma_start3A_956 = tpu.memref_slice %arg3[%dma_start3A_948, %dma_start3A_954, %dma_start3A_955] : memref<12x128x1024xf32, #tpu.memory_space<vmem_shared>> -> memref<1x128x1024xf32, #tpu.memory_space<vmem_shared>>
    %dma_start3A_957 = tpu.memref_squeeze %dma_start3A_956 : memref<1x128x1024xf32, #tpu.memory_space<vmem_shared>> -> memref<128x1024xf32, #tpu.memory_space<vmem_shared>>
    tpu.enqueue_dma source(%dma_start3A_957 : memref<128x1024xf32, #tpu.memory_space<vmem_shared>>) target(%dma_start3A_953 : memref<128x1024xf32, #tpu.memory_space<hbm>>) target_semaphore(%dma_start3A_951 : memref<!tpu.dma_semaphore, #tpu.memory_space<semaphore_mem>>)
    %add3A_958 = arith.constant 2048 : i32
    %add3A_959 = arith.addi %mul3A_0, %add3A_958 : i32
    %dma_wait3A_960 = arith.constant 4 : i32
    %dma_wait3A_961 = arith.constant 4 : i32
    %dma_wait3A_962 = tpu.memref_slice %arg5[%dma_wait3A_961] : memref<12x!tpu.dma_semaphore, #tpu.memory_space<semaphore_mem>> -> memref<1x!tpu.dma_semaphore, #tpu.memory_space<semaphore_mem>>
    %dma_wait3A_963 = tpu.memref_squeeze %dma_wait3A_962 : memref<1x!tpu.dma_semaphore, #tpu.memory_space<semaphore_mem>> -> memref<!tpu.dma_semaphore, #tpu.memory_space<semaphore_mem>>
    %dma_wait3A_964 = arith.constant 0 : i32
    %dma_wait3A_965 = tpu.memref_slice %arg2[%add3A_959, %dma_wait3A_964] : memref<8192x1024xf32, #tpu.memory_space<hbm>> -> memref<128x1024xf32, #tpu.memory_space<hbm>>
    %dma_wait3A_966 = arith.constant 0 : i32
    %dma_wait3A_967 = arith.constant 0 : i32
    %dma_wait3A_968 = tpu.memref_slice %arg3[%dma_wait3A_960, %dma_wait3A_966, %dma_wait3A_967] : memref<12x128x1024xf32, #tpu.memory_space<vmem_shared>> -> memref<1x128x1024xf32, #tpu.memory_space<vmem_shared>>
    %dma_wait3A_969 = tpu.memref_squeeze %dma_wait3A_968 : memref<1x128x1024xf32, #tpu.memory_space<vmem_shared>> -> memref<128x1024xf32, #tpu.memory_space<vmem_shared>>
    tpu.wait_dma2 semaphore(%dma_wait3A_963 : memref<!tpu.dma_semaphore, #tpu.memory_space<semaphore_mem>>) src(%dma_wait3A_969 : memref<128x1024xf32, #tpu.memory_space<vmem_shared>>) dst(%dma_wait3A_965 : memref<128x1024xf32, #tpu.memory_space<hbm>>)
    %add3A_970 = arith.constant 3584 : i32
    %add3A_971 = arith.addi %mul3A_0, %add3A_970 : i32
    %dma_start3A_972 = arith.constant 4 : i32
    %dma_start3A_973 = arith.constant 4 : i32
    %dma_start3A_974 = tpu.memref_slice %arg4[%dma_start3A_973] : memref<12x!tpu.dma_semaphore, #tpu.memory_space<semaphore_mem>> -> memref<1x!tpu.dma_semaphore, #tpu.memory_space<semaphore_mem>>
    %dma_start3A_975 = tpu.memref_squeeze %dma_start3A_974 : memref<1x!tpu.dma_semaphore, #tpu.memory_space<semaphore_mem>> -> memref<!tpu.dma_semaphore, #tpu.memory_space<semaphore_mem>>
    %dma_start3A_976 = arith.constant 0 : i32
    %dma_start3A_977 = arith.constant 0 : i32
    %dma_start3A_978 = tpu.memref_slice %arg3[%dma_start3A_972, %dma_start3A_976, %dma_start3A_977] : memref<12x128x1024xf32, #tpu.memory_space<vmem_shared>> -> memref<1x128x1024xf32, #tpu.memory_space<vmem_shared>>
    %dma_start3A_979 = tpu.memref_squeeze %dma_start3A_978 : memref<1x128x1024xf32, #tpu.memory_space<vmem_shared>> -> memref<128x1024xf32, #tpu.memory_space<vmem_shared>>
    %dma_start3A_980 = arith.constant 0 : i32
    %dma_start3A_981 = tpu.memref_slice %arg1[%add3A_971, %dma_start3A_980] : memref<8192x1024xf32, #tpu.memory_space<hbm>> -> memref<128x1024xf32, #tpu.memory_space<hbm>>
    tpu.enqueue_dma source(%dma_start3A_981 : memref<128x1024xf32, #tpu.memory_space<hbm>>) target(%dma_start3A_979 : memref<128x1024xf32, #tpu.memory_space<vmem_shared>>) target_semaphore(%dma_start3A_975 : memref<!tpu.dma_semaphore, #tpu.memory_space<semaphore_mem>>)
    %add3A_982 = arith.constant 2304 : i32
    %add3A_983 = arith.addi %mul3A_0, %add3A_982 : i32
    %dma_wait3A_984 = arith.constant 6 : i32
    %dma_wait3A_985 = arith.constant 6 : i32
    %dma_wait3A_986 = tpu.memref_slice %arg4[%dma_wait3A_985] : memref<12x!tpu.dma_semaphore, #tpu.memory_space<semaphore_mem>> -> memref<1x!tpu.dma_semaphore, #tpu.memory_space<semaphore_mem>>
    %dma_wait3A_987 = tpu.memref_squeeze %dma_wait3A_986 : memref<1x!tpu.dma_semaphore, #tpu.memory_space<semaphore_mem>> -> memref<!tpu.dma_semaphore, #tpu.memory_space<semaphore_mem>>
    %dma_wait3A_988 = arith.constant 0 : i32
    %dma_wait3A_989 = arith.constant 0 : i32
    %dma_wait3A_990 = tpu.memref_slice %arg3[%dma_wait3A_984, %dma_wait3A_988, %dma_wait3A_989] : memref<12x128x1024xf32, #tpu.memory_space<vmem_shared>> -> memref<1x128x1024xf32, #tpu.memory_space<vmem_shared>>
    %dma_wait3A_991 = tpu.memref_squeeze %dma_wait3A_990 : memref<1x128x1024xf32, #tpu.memory_space<vmem_shared>> -> memref<128x1024xf32, #tpu.memory_space<vmem_shared>>
    %dma_wait3A_992 = arith.constant 0 : i32
    %dma_wait3A_993 = tpu.memref_slice %arg1[%add3A_983, %dma_wait3A_992] : memref<8192x1024xf32, #tpu.memory_space<hbm>> -> memref<128x1024xf32, #tpu.memory_space<hbm>>
    tpu.wait_dma2 semaphore(%dma_wait3A_987 : memref<!tpu.dma_semaphore, #tpu.memory_space<semaphore_mem>>) src(%dma_wait3A_993 : memref<128x1024xf32, #tpu.memory_space<hbm>>) dst(%dma_wait3A_991 : memref<128x1024xf32, #tpu.memory_space<vmem_shared>>)
    %add3A_994 = arith.constant 2304 : i32
    %add3A_995 = arith.addi %mul3A_0, %add3A_994 : i32
    %dma_start3A_996 = arith.constant 6 : i32
    %dma_start3A_997 = arith.constant 6 : i32
    %dma_start3A_998 = tpu.memref_slice %arg5[%dma_start3A_997] : memref<12x!tpu.dma_semaphore, #tpu.memory_space<semaphore_mem>> -> memref<1x!tpu.dma_semaphore, #tpu.memory_space<semaphore_mem>>
    %dma_start3A_999 = tpu.memref_squeeze %dma_start3A_998 : memref<1x!tpu.dma_semaphore, #tpu.memory_space<semaphore_mem>> -> memref<!tpu.dma_semaphore, #tpu.memory_space<semaphore_mem>>
    %dma_start3A_1000 = arith.constant 0 : i32
    %dma_start3A_1001 = tpu.memref_slice %arg2[%add3A_995, %dma_start3A_1000] : memref<8192x1024xf32, #tpu.memory_space<hbm>> -> memref<128x1024xf32, #tpu.memory_space<hbm>>
    %dma_start3A_1002 = arith.constant 0 : i32
    %dma_start3A_1003 = arith.constant 0 : i32
    %dma_start3A_1004 = tpu.memref_slice %arg3[%dma_start3A_996, %dma_start3A_1002, %dma_start3A_1003] : memref<12x128x1024xf32, #tpu.memory_space<vmem_shared>> -> memref<1x128x1024xf32, #tpu.memory_space<vmem_shared>>
    %dma_start3A_1005 = tpu.memref_squeeze %dma_start3A_1004 : memref<1x128x1024xf32, #tpu.memory_space<vmem_shared>> -> memref<128x1024xf32, #tpu.memory_space<vmem_shared>>
    tpu.enqueue_dma source(%dma_start3A_1005 : memref<128x1024xf32, #tpu.memory_space<vmem_shared>>) target(%dma_start3A_1001 : memref<128x1024xf32, #tpu.memory_space<hbm>>) target_semaphore(%dma_start3A_999 : memref<!tpu.dma_semaphore, #tpu.memory_space<semaphore_mem>>)
    %add3A_1006 = arith.constant 2176 : i32
    %add3A_1007 = arith.addi %mul3A_0, %add3A_1006 : i32
    %dma_wait3A_1008 = arith.constant 5 : i32
    %dma_wait3A_1009 = arith.constant 5 : i32
    %dma_wait3A_1010 = tpu.memref_slice %arg5[%dma_wait3A_1009] : memref<12x!tpu.dma_semaphore, #tpu.memory_space<semaphore_mem>> -> memref<1x!tpu.dma_semaphore, #tpu.memory_space<semaphore_mem>>
    %dma_wait3A_1011 = tpu.memref_squeeze %dma_wait3A_1010 : memref<1x!tpu.dma_semaphore, #tpu.memory_space<semaphore_mem>> -> memref<!tpu.dma_semaphore, #tpu.memory_space<semaphore_mem>>
    %dma_wait3A_1012 = arith.constant 0 : i32
    %dma_wait3A_1013 = tpu.memref_slice %arg2[%add3A_1007, %dma_wait3A_1012] : memref<8192x1024xf32, #tpu.memory_space<hbm>> -> memref<128x1024xf32, #tpu.memory_space<hbm>>
    %dma_wait3A_1014 = arith.constant 0 : i32
    %dma_wait3A_1015 = arith.constant 0 : i32
    %dma_wait3A_1016 = tpu.memref_slice %arg3[%dma_wait3A_1008, %dma_wait3A_1014, %dma_wait3A_1015] : memref<12x128x1024xf32, #tpu.memory_space<vmem_shared>> -> memref<1x128x1024xf32, #tpu.memory_space<vmem_shared>>
    %dma_wait3A_1017 = tpu.memref_squeeze %dma_wait3A_1016 : memref<1x128x1024xf32, #tpu.memory_space<vmem_shared>> -> memref<128x1024xf32, #tpu.memory_space<vmem_shared>>
    tpu.wait_dma2 semaphore(%dma_wait3A_1011 : memref<!tpu.dma_semaphore, #tpu.memory_space<semaphore_mem>>) src(%dma_wait3A_1017 : memref<128x1024xf32, #tpu.memory_space<vmem_shared>>) dst(%dma_wait3A_1013 : memref<128x1024xf32, #tpu.memory_space<hbm>>)
    %add3A_1018 = arith.constant 3712 : i32
    %add3A_1019 = arith.addi %mul3A_0, %add3A_1018 : i32
    %dma_start3A_1020 = arith.constant 5 : i32
    %dma_start3A_1021 = arith.constant 5 : i32
    %dma_start3A_1022 = tpu.memref_slice %arg4[%dma_start3A_1021] : memref<12x!tpu.dma_semaphore, #tpu.memory_space<semaphore_mem>> -> memref<1x!tpu.dma_semaphore, #tpu.memory_space<semaphore_mem>>
    %dma_start3A_1023 = tpu.memref_squeeze %dma_start3A_1022 : memref<1x!tpu.dma_semaphore, #tpu.memory_space<semaphore_mem>> -> memref<!tpu.dma_semaphore, #tpu.memory_space<semaphore_mem>>
    %dma_start3A_1024 = arith.constant 0 : i32
    %dma_start3A_1025 = arith.constant 0 : i32
    %dma_start3A_1026 = tpu.memref_slice %arg3[%dma_start3A_1020, %dma_start3A_1024, %dma_start3A_1025] : memref<12x128x1024xf32, #tpu.memory_space<vmem_shared>> -> memref<1x128x1024xf32, #tpu.memory_space<vmem_shared>>
    %dma_start3A_1027 = tpu.memref_squeeze %dma_start3A_1026 : memref<1x128x1024xf32, #tpu.memory_space<vmem_shared>> -> memref<128x1024xf32, #tpu.memory_space<vmem_shared>>
    %dma_start3A_1028 = arith.constant 0 : i32
    %dma_start3A_1029 = tpu.memref_slice %arg1[%add3A_1019, %dma_start3A_1028] : memref<8192x1024xf32, #tpu.memory_space<hbm>> -> memref<128x1024xf32, #tpu.memory_space<hbm>>
    tpu.enqueue_dma source(%dma_start3A_1029 : memref<128x1024xf32, #tpu.memory_space<hbm>>) target(%dma_start3A_1027 : memref<128x1024xf32, #tpu.memory_space<vmem_shared>>) target_semaphore(%dma_start3A_1023 : memref<!tpu.dma_semaphore, #tpu.memory_space<semaphore_mem>>)
    %add3A_1030 = arith.constant 2432 : i32
    %add3A_1031 = arith.addi %mul3A_0, %add3A_1030 : i32
    %dma_wait3A_1032 = arith.constant 7 : i32
    %dma_wait3A_1033 = arith.constant 7 : i32
    %dma_wait3A_1034 = tpu.memref_slice %arg4[%dma_wait3A_1033] : memref<12x!tpu.dma_semaphore, #tpu.memory_space<semaphore_mem>> -> memref<1x!tpu.dma_semaphore, #tpu.memory_space<semaphore_mem>>
    %dma_wait3A_1035 = tpu.memref_squeeze %dma_wait3A_1034 : memref<1x!tpu.dma_semaphore, #tpu.memory_space<semaphore_mem>> -> memref<!tpu.dma_semaphore, #tpu.memory_space<semaphore_mem>>
    %dma_wait3A_1036 = arith.constant 0 : i32
    %dma_wait3A_1037 = arith.constant 0 : i32
    %dma_wait3A_1038 = tpu.memref_slice %arg3[%dma_wait3A_1032, %dma_wait3A_1036, %dma_wait3A_1037] : memref<12x128x1024xf32, #tpu.memory_space<vmem_shared>> -> memref<1x128x1024xf32, #tpu.memory_space<vmem_shared>>
    %dma_wait3A_1039 = tpu.memref_squeeze %dma_wait3A_1038 : memref<1x128x1024xf32, #tpu.memory_space<vmem_shared>> -> memref<128x1024xf32, #tpu.memory_space<vmem_shared>>
    %dma_wait3A_1040 = arith.constant 0 : i32
    %dma_wait3A_1041 = tpu.memref_slice %arg1[%add3A_1031, %dma_wait3A_1040] : memref<8192x1024xf32, #tpu.memory_space<hbm>> -> memref<128x1024xf32, #tpu.memory_space<hbm>>
    tpu.wait_dma2 semaphore(%dma_wait3A_1035 : memref<!tpu.dma_semaphore, #tpu.memory_space<semaphore_mem>>) src(%dma_wait3A_1041 : memref<128x1024xf32, #tpu.memory_space<hbm>>) dst(%dma_wait3A_1039 : memref<128x1024xf32, #tpu.memory_space<vmem_shared>>)
    %add3A_1042 = arith.constant 2432 : i32
    %add3A_1043 = arith.addi %mul3A_0, %add3A_1042 : i32
    %dma_start3A_1044 = arith.constant 7 : i32
    %dma_start3A_1045 = arith.constant 7 : i32
    %dma_start3A_1046 = tpu.memref_slice %arg5[%dma_start3A_1045] : memref<12x!tpu.dma_semaphore, #tpu.memory_space<semaphore_mem>> -> memref<1x!tpu.dma_semaphore, #tpu.memory_space<semaphore_mem>>
    %dma_start3A_1047 = tpu.memref_squeeze %dma_start3A_1046 : memref<1x!tpu.dma_semaphore, #tpu.memory_space<semaphore_mem>> -> memref<!tpu.dma_semaphore, #tpu.memory_space<semaphore_mem>>
    %dma_start3A_1048 = arith.constant 0 : i32
    %dma_start3A_1049 = tpu.memref_slice %arg2[%add3A_1043, %dma_start3A_1048] : memref<8192x1024xf32, #tpu.memory_space<hbm>> -> memref<128x1024xf32, #tpu.memory_space<hbm>>
    %dma_start3A_1050 = arith.constant 0 : i32
    %dma_start3A_1051 = arith.constant 0 : i32
    %dma_start3A_1052 = tpu.memref_slice %arg3[%dma_start3A_1044, %dma_start3A_1050, %dma_start3A_1051] : memref<12x128x1024xf32, #tpu.memory_space<vmem_shared>> -> memref<1x128x1024xf32, #tpu.memory_space<vmem_shared>>
    %dma_start3A_1053 = tpu.memref_squeeze %dma_start3A_1052 : memref<1x128x1024xf32, #tpu.memory_space<vmem_shared>> -> memref<128x1024xf32, #tpu.memory_space<vmem_shared>>
    tpu.enqueue_dma source(%dma_start3A_1053 : memref<128x1024xf32, #tpu.memory_space<vmem_shared>>) target(%dma_start3A_1049 : memref<128x1024xf32, #tpu.memory_space<hbm>>) target_semaphore(%dma_start3A_1047 : memref<!tpu.dma_semaphore, #tpu.memory_space<semaphore_mem>>)
    %add3A_1054 = arith.constant 2304 : i32
    %add3A_1055 = arith.addi %mul3A_0, %add3A_1054 : i32
    %dma_wait3A_1056 = arith.constant 6 : i32
    %dma_wait3A_1057 = arith.constant 6 : i32
    %dma_wait3A_1058 = tpu.memref_slice %arg5[%dma_wait3A_1057] : memref<12x!tpu.dma_semaphore, #tpu.memory_space<semaphore_mem>> -> memref<1x!tpu.dma_semaphore, #tpu.memory_space<semaphore_mem>>
    %dma_wait3A_1059 = tpu.memref_squeeze %dma_wait3A_1058 : memref<1x!tpu.dma_semaphore, #tpu.memory_space<semaphore_mem>> -> memref<!tpu.dma_semaphore, #tpu.memory_space<semaphore_mem>>
    %dma_wait3A_1060 = arith.constant 0 : i32
    %dma_wait3A_1061 = tpu.memref_slice %arg2[%add3A_1055, %dma_wait3A_1060] : memref<8192x1024xf32, #tpu.memory_space<hbm>> -> memref<128x1024xf32, #tpu.memory_space<hbm>>
    %dma_wait3A_1062 = arith.constant 0 : i32
    %dma_wait3A_1063 = arith.constant 0 : i32
    %dma_wait3A_1064 = tpu.memref_slice %arg3[%dma_wait3A_1056, %dma_wait3A_1062, %dma_wait3A_1063] : memref<12x128x1024xf32, #tpu.memory_space<vmem_shared>> -> memref<1x128x1024xf32, #tpu.memory_space<vmem_shared>>
    %dma_wait3A_1065 = tpu.memref_squeeze %dma_wait3A_1064 : memref<1x128x1024xf32, #tpu.memory_space<vmem_shared>> -> memref<128x1024xf32, #tpu.memory_space<vmem_shared>>
    tpu.wait_dma2 semaphore(%dma_wait3A_1059 : memref<!tpu.dma_semaphore, #tpu.memory_space<semaphore_mem>>) src(%dma_wait3A_1065 : memref<128x1024xf32, #tpu.memory_space<vmem_shared>>) dst(%dma_wait3A_1061 : memref<128x1024xf32, #tpu.memory_space<hbm>>)
    %add3A_1066 = arith.constant 3840 : i32
    %add3A_1067 = arith.addi %mul3A_0, %add3A_1066 : i32
    %dma_start3A_1068 = arith.constant 6 : i32
    %dma_start3A_1069 = arith.constant 6 : i32
    %dma_start3A_1070 = tpu.memref_slice %arg4[%dma_start3A_1069] : memref<12x!tpu.dma_semaphore, #tpu.memory_space<semaphore_mem>> -> memref<1x!tpu.dma_semaphore, #tpu.memory_space<semaphore_mem>>
    %dma_start3A_1071 = tpu.memref_squeeze %dma_start3A_1070 : memref<1x!tpu.dma_semaphore, #tpu.memory_space<semaphore_mem>> -> memref<!tpu.dma_semaphore, #tpu.memory_space<semaphore_mem>>
    %dma_start3A_1072 = arith.constant 0 : i32
    %dma_start3A_1073 = arith.constant 0 : i32
    %dma_start3A_1074 = tpu.memref_slice %arg3[%dma_start3A_1068, %dma_start3A_1072, %dma_start3A_1073] : memref<12x128x1024xf32, #tpu.memory_space<vmem_shared>> -> memref<1x128x1024xf32, #tpu.memory_space<vmem_shared>>
    %dma_start3A_1075 = tpu.memref_squeeze %dma_start3A_1074 : memref<1x128x1024xf32, #tpu.memory_space<vmem_shared>> -> memref<128x1024xf32, #tpu.memory_space<vmem_shared>>
    %dma_start3A_1076 = arith.constant 0 : i32
    %dma_start3A_1077 = tpu.memref_slice %arg1[%add3A_1067, %dma_start3A_1076] : memref<8192x1024xf32, #tpu.memory_space<hbm>> -> memref<128x1024xf32, #tpu.memory_space<hbm>>
    tpu.enqueue_dma source(%dma_start3A_1077 : memref<128x1024xf32, #tpu.memory_space<hbm>>) target(%dma_start3A_1075 : memref<128x1024xf32, #tpu.memory_space<vmem_shared>>) target_semaphore(%dma_start3A_1071 : memref<!tpu.dma_semaphore, #tpu.memory_space<semaphore_mem>>)
    %add3A_1078 = arith.constant 2560 : i32
    %add3A_1079 = arith.addi %mul3A_0, %add3A_1078 : i32
    %dma_wait3A_1080 = arith.constant 8 : i32
    %dma_wait3A_1081 = arith.constant 8 : i32
    %dma_wait3A_1082 = tpu.memref_slice %arg4[%dma_wait3A_1081] : memref<12x!tpu.dma_semaphore, #tpu.memory_space<semaphore_mem>> -> memref<1x!tpu.dma_semaphore, #tpu.memory_space<semaphore_mem>>
    %dma_wait3A_1083 = tpu.memref_squeeze %dma_wait3A_1082 : memref<1x!tpu.dma_semaphore, #tpu.memory_space<semaphore_mem>> -> memref<!tpu.dma_semaphore, #tpu.memory_space<semaphore_mem>>
    %dma_wait3A_1084 = arith.constant 0 : i32
    %dma_wait3A_1085 = arith.constant 0 : i32
    %dma_wait3A_1086 = tpu.memref_slice %arg3[%dma_wait3A_1080, %dma_wait3A_1084, %dma_wait3A_1085] : memref<12x128x1024xf32, #tpu.memory_space<vmem_shared>> -> memref<1x128x1024xf32, #tpu.memory_space<vmem_shared>>
    %dma_wait3A_1087 = tpu.memref_squeeze %dma_wait3A_1086 : memref<1x128x1024xf32, #tpu.memory_space<vmem_shared>> -> memref<128x1024xf32, #tpu.memory_space<vmem_shared>>
    %dma_wait3A_1088 = arith.constant 0 : i32
    %dma_wait3A_1089 = tpu.memref_slice %arg1[%add3A_1079, %dma_wait3A_1088] : memref<8192x1024xf32, #tpu.memory_space<hbm>> -> memref<128x1024xf32, #tpu.memory_space<hbm>>
    tpu.wait_dma2 semaphore(%dma_wait3A_1083 : memref<!tpu.dma_semaphore, #tpu.memory_space<semaphore_mem>>) src(%dma_wait3A_1089 : memref<128x1024xf32, #tpu.memory_space<hbm>>) dst(%dma_wait3A_1087 : memref<128x1024xf32, #tpu.memory_space<vmem_shared>>)
    %add3A_1090 = arith.constant 2560 : i32
    %add3A_1091 = arith.addi %mul3A_0, %add3A_1090 : i32
    %dma_start3A_1092 = arith.constant 8 : i32
    %dma_start3A_1093 = arith.constant 8 : i32
    %dma_start3A_1094 = tpu.memref_slice %arg5[%dma_start3A_1093] : memref<12x!tpu.dma_semaphore, #tpu.memory_space<semaphore_mem>> -> memref<1x!tpu.dma_semaphore, #tpu.memory_space<semaphore_mem>>
    %dma_start3A_1095 = tpu.memref_squeeze %dma_start3A_1094 : memref<1x!tpu.dma_semaphore, #tpu.memory_space<semaphore_mem>> -> memref<!tpu.dma_semaphore, #tpu.memory_space<semaphore_mem>>
    %dma_start3A_1096 = arith.constant 0 : i32
    %dma_start3A_1097 = tpu.memref_slice %arg2[%add3A_1091, %dma_start3A_1096] : memref<8192x1024xf32, #tpu.memory_space<hbm>> -> memref<128x1024xf32, #tpu.memory_space<hbm>>
    %dma_start3A_1098 = arith.constant 0 : i32
    %dma_start3A_1099 = arith.constant 0 : i32
    %dma_start3A_1100 = tpu.memref_slice %arg3[%dma_start3A_1092, %dma_start3A_1098, %dma_start3A_1099] : memref<12x128x1024xf32, #tpu.memory_space<vmem_shared>> -> memref<1x128x1024xf32, #tpu.memory_space<vmem_shared>>
    %dma_start3A_1101 = tpu.memref_squeeze %dma_start3A_1100 : memref<1x128x1024xf32, #tpu.memory_space<vmem_shared>> -> memref<128x1024xf32, #tpu.memory_space<vmem_shared>>
    tpu.enqueue_dma source(%dma_start3A_1101 : memref<128x1024xf32, #tpu.memory_space<vmem_shared>>) target(%dma_start3A_1097 : memref<128x1024xf32, #tpu.memory_space<hbm>>) target_semaphore(%dma_start3A_1095 : memref<!tpu.dma_semaphore, #tpu.memory_space<semaphore_mem>>)
    %add3A_1102 = arith.constant 2432 : i32
    %add3A_1103 = arith.addi %mul3A_0, %add3A_1102 : i32
    %dma_wait3A_1104 = arith.constant 7 : i32
    %dma_wait3A_1105 = arith.constant 7 : i32
    %dma_wait3A_1106 = tpu.memref_slice %arg5[%dma_wait3A_1105] : memref<12x!tpu.dma_semaphore, #tpu.memory_space<semaphore_mem>> -> memref<1x!tpu.dma_semaphore, #tpu.memory_space<semaphore_mem>>
    %dma_wait3A_1107 = tpu.memref_squeeze %dma_wait3A_1106 : memref<1x!tpu.dma_semaphore, #tpu.memory_space<semaphore_mem>> -> memref<!tpu.dma_semaphore, #tpu.memory_space<semaphore_mem>>
    %dma_wait3A_1108 = arith.constant 0 : i32
    %dma_wait3A_1109 = tpu.memref_slice %arg2[%add3A_1103, %dma_wait3A_1108] : memref<8192x1024xf32, #tpu.memory_space<hbm>> -> memref<128x1024xf32, #tpu.memory_space<hbm>>
    %dma_wait3A_1110 = arith.constant 0 : i32
    %dma_wait3A_1111 = arith.constant 0 : i32
    %dma_wait3A_1112 = tpu.memref_slice %arg3[%dma_wait3A_1104, %dma_wait3A_1110, %dma_wait3A_1111] : memref<12x128x1024xf32, #tpu.memory_space<vmem_shared>> -> memref<1x128x1024xf32, #tpu.memory_space<vmem_shared>>
    %dma_wait3A_1113 = tpu.memref_squeeze %dma_wait3A_1112 : memref<1x128x1024xf32, #tpu.memory_space<vmem_shared>> -> memref<128x1024xf32, #tpu.memory_space<vmem_shared>>
    tpu.wait_dma2 semaphore(%dma_wait3A_1107 : memref<!tpu.dma_semaphore, #tpu.memory_space<semaphore_mem>>) src(%dma_wait3A_1113 : memref<128x1024xf32, #tpu.memory_space<vmem_shared>>) dst(%dma_wait3A_1109 : memref<128x1024xf32, #tpu.memory_space<hbm>>)
    %add3A_1114 = arith.constant 3968 : i32
    %add3A_1115 = arith.addi %mul3A_0, %add3A_1114 : i32
    %dma_start3A_1116 = arith.constant 7 : i32
    %dma_start3A_1117 = arith.constant 7 : i32
    %dma_start3A_1118 = tpu.memref_slice %arg4[%dma_start3A_1117] : memref<12x!tpu.dma_semaphore, #tpu.memory_space<semaphore_mem>> -> memref<1x!tpu.dma_semaphore, #tpu.memory_space<semaphore_mem>>
    %dma_start3A_1119 = tpu.memref_squeeze %dma_start3A_1118 : memref<1x!tpu.dma_semaphore, #tpu.memory_space<semaphore_mem>> -> memref<!tpu.dma_semaphore, #tpu.memory_space<semaphore_mem>>
    %dma_start3A_1120 = arith.constant 0 : i32
    %dma_start3A_1121 = arith.constant 0 : i32
    %dma_start3A_1122 = tpu.memref_slice %arg3[%dma_start3A_1116, %dma_start3A_1120, %dma_start3A_1121] : memref<12x128x1024xf32, #tpu.memory_space<vmem_shared>> -> memref<1x128x1024xf32, #tpu.memory_space<vmem_shared>>
    %dma_start3A_1123 = tpu.memref_squeeze %dma_start3A_1122 : memref<1x128x1024xf32, #tpu.memory_space<vmem_shared>> -> memref<128x1024xf32, #tpu.memory_space<vmem_shared>>
    %dma_start3A_1124 = arith.constant 0 : i32
    %dma_start3A_1125 = tpu.memref_slice %arg1[%add3A_1115, %dma_start3A_1124] : memref<8192x1024xf32, #tpu.memory_space<hbm>> -> memref<128x1024xf32, #tpu.memory_space<hbm>>
    tpu.enqueue_dma source(%dma_start3A_1125 : memref<128x1024xf32, #tpu.memory_space<hbm>>) target(%dma_start3A_1123 : memref<128x1024xf32, #tpu.memory_space<vmem_shared>>) target_semaphore(%dma_start3A_1119 : memref<!tpu.dma_semaphore, #tpu.memory_space<semaphore_mem>>)
    %add3A_1126 = arith.constant 2688 : i32
    %add3A_1127 = arith.addi %mul3A_0, %add3A_1126 : i32
    %dma_wait3A_1128 = arith.constant 9 : i32
    %dma_wait3A_1129 = arith.constant 9 : i32
    %dma_wait3A_1130 = tpu.memref_slice %arg4[%dma_wait3A_1129] : memref<12x!tpu.dma_semaphore, #tpu.memory_space<semaphore_mem>> -> memref<1x!tpu.dma_semaphore, #tpu.memory_space<semaphore_mem>>
    %dma_wait3A_1131 = tpu.memref_squeeze %dma_wait3A_1130 : memref<1x!tpu.dma_semaphore, #tpu.memory_space<semaphore_mem>> -> memref<!tpu.dma_semaphore, #tpu.memory_space<semaphore_mem>>
    %dma_wait3A_1132 = arith.constant 0 : i32
    %dma_wait3A_1133 = arith.constant 0 : i32
    %dma_wait3A_1134 = tpu.memref_slice %arg3[%dma_wait3A_1128, %dma_wait3A_1132, %dma_wait3A_1133] : memref<12x128x1024xf32, #tpu.memory_space<vmem_shared>> -> memref<1x128x1024xf32, #tpu.memory_space<vmem_shared>>
    %dma_wait3A_1135 = tpu.memref_squeeze %dma_wait3A_1134 : memref<1x128x1024xf32, #tpu.memory_space<vmem_shared>> -> memref<128x1024xf32, #tpu.memory_space<vmem_shared>>
    %dma_wait3A_1136 = arith.constant 0 : i32
    %dma_wait3A_1137 = tpu.memref_slice %arg1[%add3A_1127, %dma_wait3A_1136] : memref<8192x1024xf32, #tpu.memory_space<hbm>> -> memref<128x1024xf32, #tpu.memory_space<hbm>>
    tpu.wait_dma2 semaphore(%dma_wait3A_1131 : memref<!tpu.dma_semaphore, #tpu.memory_space<semaphore_mem>>) src(%dma_wait3A_1137 : memref<128x1024xf32, #tpu.memory_space<hbm>>) dst(%dma_wait3A_1135 : memref<128x1024xf32, #tpu.memory_space<vmem_shared>>)
    %add3A_1138 = arith.constant 2688 : i32
    %add3A_1139 = arith.addi %mul3A_0, %add3A_1138 : i32
    %dma_start3A_1140 = arith.constant 9 : i32
    %dma_start3A_1141 = arith.constant 9 : i32
    %dma_start3A_1142 = tpu.memref_slice %arg5[%dma_start3A_1141] : memref<12x!tpu.dma_semaphore, #tpu.memory_space<semaphore_mem>> -> memref<1x!tpu.dma_semaphore, #tpu.memory_space<semaphore_mem>>
    %dma_start3A_1143 = tpu.memref_squeeze %dma_start3A_1142 : memref<1x!tpu.dma_semaphore, #tpu.memory_space<semaphore_mem>> -> memref<!tpu.dma_semaphore, #tpu.memory_space<semaphore_mem>>
    %dma_start3A_1144 = arith.constant 0 : i32
    %dma_start3A_1145 = tpu.memref_slice %arg2[%add3A_1139, %dma_start3A_1144] : memref<8192x1024xf32, #tpu.memory_space<hbm>> -> memref<128x1024xf32, #tpu.memory_space<hbm>>
    %dma_start3A_1146 = arith.constant 0 : i32
    %dma_start3A_1147 = arith.constant 0 : i32
    %dma_start3A_1148 = tpu.memref_slice %arg3[%dma_start3A_1140, %dma_start3A_1146, %dma_start3A_1147] : memref<12x128x1024xf32, #tpu.memory_space<vmem_shared>> -> memref<1x128x1024xf32, #tpu.memory_space<vmem_shared>>
    %dma_start3A_1149 = tpu.memref_squeeze %dma_start3A_1148 : memref<1x128x1024xf32, #tpu.memory_space<vmem_shared>> -> memref<128x1024xf32, #tpu.memory_space<vmem_shared>>
    tpu.enqueue_dma source(%dma_start3A_1149 : memref<128x1024xf32, #tpu.memory_space<vmem_shared>>) target(%dma_start3A_1145 : memref<128x1024xf32, #tpu.memory_space<hbm>>) target_semaphore(%dma_start3A_1143 : memref<!tpu.dma_semaphore, #tpu.memory_space<semaphore_mem>>)
    %add3A_1150 = arith.constant 2816 : i32
    %add3A_1151 = arith.addi %mul3A_0, %add3A_1150 : i32
    %dma_wait3A_1152 = arith.constant 10 : i32
    %dma_wait3A_1153 = arith.constant 10 : i32
    %dma_wait3A_1154 = tpu.memref_slice %arg4[%dma_wait3A_1153] : memref<12x!tpu.dma_semaphore, #tpu.memory_space<semaphore_mem>> -> memref<1x!tpu.dma_semaphore, #tpu.memory_space<semaphore_mem>>
    %dma_wait3A_1155 = tpu.memref_squeeze %dma_wait3A_1154 : memref<1x!tpu.dma_semaphore, #tpu.memory_space<semaphore_mem>> -> memref<!tpu.dma_semaphore, #tpu.memory_space<semaphore_mem>>
    %dma_wait3A_1156 = arith.constant 0 : i32
    %dma_wait3A_1157 = arith.constant 0 : i32
    %dma_wait3A_1158 = tpu.memref_slice %arg3[%dma_wait3A_1152, %dma_wait3A_1156, %dma_wait3A_1157] : memref<12x128x1024xf32, #tpu.memory_space<vmem_shared>> -> memref<1x128x1024xf32, #tpu.memory_space<vmem_shared>>
    %dma_wait3A_1159 = tpu.memref_squeeze %dma_wait3A_1158 : memref<1x128x1024xf32, #tpu.memory_space<vmem_shared>> -> memref<128x1024xf32, #tpu.memory_space<vmem_shared>>
    %dma_wait3A_1160 = arith.constant 0 : i32
    %dma_wait3A_1161 = tpu.memref_slice %arg1[%add3A_1151, %dma_wait3A_1160] : memref<8192x1024xf32, #tpu.memory_space<hbm>> -> memref<128x1024xf32, #tpu.memory_space<hbm>>
    tpu.wait_dma2 semaphore(%dma_wait3A_1155 : memref<!tpu.dma_semaphore, #tpu.memory_space<semaphore_mem>>) src(%dma_wait3A_1161 : memref<128x1024xf32, #tpu.memory_space<hbm>>) dst(%dma_wait3A_1159 : memref<128x1024xf32, #tpu.memory_space<vmem_shared>>)
    %add3A_1162 = arith.constant 2816 : i32
    %add3A_1163 = arith.addi %mul3A_0, %add3A_1162 : i32
    %dma_start3A_1164 = arith.constant 10 : i32
    %dma_start3A_1165 = arith.constant 10 : i32
    %dma_start3A_1166 = tpu.memref_slice %arg5[%dma_start3A_1165] : memref<12x!tpu.dma_semaphore, #tpu.memory_space<semaphore_mem>> -> memref<1x!tpu.dma_semaphore, #tpu.memory_space<semaphore_mem>>
    %dma_start3A_1167 = tpu.memref_squeeze %dma_start3A_1166 : memref<1x!tpu.dma_semaphore, #tpu.memory_space<semaphore_mem>> -> memref<!tpu.dma_semaphore, #tpu.memory_space<semaphore_mem>>
    %dma_start3A_1168 = arith.constant 0 : i32
    %dma_start3A_1169 = tpu.memref_slice %arg2[%add3A_1163, %dma_start3A_1168] : memref<8192x1024xf32, #tpu.memory_space<hbm>> -> memref<128x1024xf32, #tpu.memory_space<hbm>>
    %dma_start3A_1170 = arith.constant 0 : i32
    %dma_start3A_1171 = arith.constant 0 : i32
    %dma_start3A_1172 = tpu.memref_slice %arg3[%dma_start3A_1164, %dma_start3A_1170, %dma_start3A_1171] : memref<12x128x1024xf32, #tpu.memory_space<vmem_shared>> -> memref<1x128x1024xf32, #tpu.memory_space<vmem_shared>>
    %dma_start3A_1173 = tpu.memref_squeeze %dma_start3A_1172 : memref<1x128x1024xf32, #tpu.memory_space<vmem_shared>> -> memref<128x1024xf32, #tpu.memory_space<vmem_shared>>
    tpu.enqueue_dma source(%dma_start3A_1173 : memref<128x1024xf32, #tpu.memory_space<vmem_shared>>) target(%dma_start3A_1169 : memref<128x1024xf32, #tpu.memory_space<hbm>>) target_semaphore(%dma_start3A_1167 : memref<!tpu.dma_semaphore, #tpu.memory_space<semaphore_mem>>)
    %add3A_1174 = arith.constant 2944 : i32
    %add3A_1175 = arith.addi %mul3A_0, %add3A_1174 : i32
    %dma_wait3A_1176 = arith.constant 11 : i32
    %dma_wait3A_1177 = arith.constant 11 : i32
    %dma_wait3A_1178 = tpu.memref_slice %arg4[%dma_wait3A_1177] : memref<12x!tpu.dma_semaphore, #tpu.memory_space<semaphore_mem>> -> memref<1x!tpu.dma_semaphore, #tpu.memory_space<semaphore_mem>>
    %dma_wait3A_1179 = tpu.memref_squeeze %dma_wait3A_1178 : memref<1x!tpu.dma_semaphore, #tpu.memory_space<semaphore_mem>> -> memref<!tpu.dma_semaphore, #tpu.memory_space<semaphore_mem>>
    %dma_wait3A_1180 = arith.constant 0 : i32
    %dma_wait3A_1181 = arith.constant 0 : i32
    %dma_wait3A_1182 = tpu.memref_slice %arg3[%dma_wait3A_1176, %dma_wait3A_1180, %dma_wait3A_1181] : memref<12x128x1024xf32, #tpu.memory_space<vmem_shared>> -> memref<1x128x1024xf32, #tpu.memory_space<vmem_shared>>
    %dma_wait3A_1183 = tpu.memref_squeeze %dma_wait3A_1182 : memref<1x128x1024xf32, #tpu.memory_space<vmem_shared>> -> memref<128x1024xf32, #tpu.memory_space<vmem_shared>>
    %dma_wait3A_1184 = arith.constant 0 : i32
    %dma_wait3A_1185 = tpu.memref_slice %arg1[%add3A_1175, %dma_wait3A_1184] : memref<8192x1024xf32, #tpu.memory_space<hbm>> -> memref<128x1024xf32, #tpu.memory_space<hbm>>
    tpu.wait_dma2 semaphore(%dma_wait3A_1179 : memref<!tpu.dma_semaphore, #tpu.memory_space<semaphore_mem>>) src(%dma_wait3A_1185 : memref<128x1024xf32, #tpu.memory_space<hbm>>) dst(%dma_wait3A_1183 : memref<128x1024xf32, #tpu.memory_space<vmem_shared>>)
    %add3A_1186 = arith.constant 2944 : i32
    %add3A_1187 = arith.addi %mul3A_0, %add3A_1186 : i32
    %dma_start3A_1188 = arith.constant 11 : i32
    %dma_start3A_1189 = arith.constant 11 : i32
    %dma_start3A_1190 = tpu.memref_slice %arg5[%dma_start3A_1189] : memref<12x!tpu.dma_semaphore, #tpu.memory_space<semaphore_mem>> -> memref<1x!tpu.dma_semaphore, #tpu.memory_space<semaphore_mem>>
    %dma_start3A_1191 = tpu.memref_squeeze %dma_start3A_1190 : memref<1x!tpu.dma_semaphore, #tpu.memory_space<semaphore_mem>> -> memref<!tpu.dma_semaphore, #tpu.memory_space<semaphore_mem>>
    %dma_start3A_1192 = arith.constant 0 : i32
    %dma_start3A_1193 = tpu.memref_slice %arg2[%add3A_1187, %dma_start3A_1192] : memref<8192x1024xf32, #tpu.memory_space<hbm>> -> memref<128x1024xf32, #tpu.memory_space<hbm>>
    %dma_start3A_1194 = arith.constant 0 : i32
    %dma_start3A_1195 = arith.constant 0 : i32
    %dma_start3A_1196 = tpu.memref_slice %arg3[%dma_start3A_1188, %dma_start3A_1194, %dma_start3A_1195] : memref<12x128x1024xf32, #tpu.memory_space<vmem_shared>> -> memref<1x128x1024xf32, #tpu.memory_space<vmem_shared>>
    %dma_start3A_1197 = tpu.memref_squeeze %dma_start3A_1196 : memref<1x128x1024xf32, #tpu.memory_space<vmem_shared>> -> memref<128x1024xf32, #tpu.memory_space<vmem_shared>>
    tpu.enqueue_dma source(%dma_start3A_1197 : memref<128x1024xf32, #tpu.memory_space<vmem_shared>>) target(%dma_start3A_1193 : memref<128x1024xf32, #tpu.memory_space<hbm>>) target_semaphore(%dma_start3A_1191 : memref<!tpu.dma_semaphore, #tpu.memory_space<semaphore_mem>>)
    %add3A_1198 = arith.constant 3072 : i32
    %add3A_1199 = arith.addi %mul3A_0, %add3A_1198 : i32
    %dma_wait3A_1200 = arith.constant 0 : i32
    %dma_wait3A_1201 = arith.constant 0 : i32
    %dma_wait3A_1202 = tpu.memref_slice %arg4[%dma_wait3A_1201] : memref<12x!tpu.dma_semaphore, #tpu.memory_space<semaphore_mem>> -> memref<1x!tpu.dma_semaphore, #tpu.memory_space<semaphore_mem>>
    %dma_wait3A_1203 = tpu.memref_squeeze %dma_wait3A_1202 : memref<1x!tpu.dma_semaphore, #tpu.memory_space<semaphore_mem>> -> memref<!tpu.dma_semaphore, #tpu.memory_space<semaphore_mem>>
    %dma_wait3A_1204 = arith.constant 0 : i32
    %dma_wait3A_1205 = arith.constant 0 : i32
    %dma_wait3A_1206 = tpu.memref_slice %arg3[%dma_wait3A_1200, %dma_wait3A_1204, %dma_wait3A_1205] : memref<12x128x1024xf32, #tpu.memory_space<vmem_shared>> -> memref<1x128x1024xf32, #tpu.memory_space<vmem_shared>>
    %dma_wait3A_1207 = tpu.memref_squeeze %dma_wait3A_1206 : memref<1x128x1024xf32, #tpu.memory_space<vmem_shared>> -> memref<128x1024xf32, #tpu.memory_space<vmem_shared>>
    %dma_wait3A_1208 = arith.constant 0 : i32
    %dma_wait3A_1209 = tpu.memref_slice %arg1[%add3A_1199, %dma_wait3A_1208] : memref<8192x1024xf32, #tpu.memory_space<hbm>> -> memref<128x1024xf32, #tpu.memory_space<hbm>>
    tpu.wait_dma2 semaphore(%dma_wait3A_1203 : memref<!tpu.dma_semaphore, #tpu.memory_space<semaphore_mem>>) src(%dma_wait3A_1209 : memref<128x1024xf32, #tpu.memory_space<hbm>>) dst(%dma_wait3A_1207 : memref<128x1024xf32, #tpu.memory_space<vmem_shared>>)
    %add3A_1210 = arith.constant 3072 : i32
    %add3A_1211 = arith.addi %mul3A_0, %add3A_1210 : i32
    %dma_start3A_1212 = arith.constant 0 : i32
    %dma_start3A_1213 = arith.constant 0 : i32
    %dma_start3A_1214 = tpu.memref_slice %arg5[%dma_start3A_1213] : memref<12x!tpu.dma_semaphore, #tpu.memory_space<semaphore_mem>> -> memref<1x!tpu.dma_semaphore, #tpu.memory_space<semaphore_mem>>
    %dma_start3A_1215 = tpu.memref_squeeze %dma_start3A_1214 : memref<1x!tpu.dma_semaphore, #tpu.memory_space<semaphore_mem>> -> memref<!tpu.dma_semaphore, #tpu.memory_space<semaphore_mem>>
    %dma_start3A_1216 = arith.constant 0 : i32
    %dma_start3A_1217 = tpu.memref_slice %arg2[%add3A_1211, %dma_start3A_1216] : memref<8192x1024xf32, #tpu.memory_space<hbm>> -> memref<128x1024xf32, #tpu.memory_space<hbm>>
    %dma_start3A_1218 = arith.constant 0 : i32
    %dma_start3A_1219 = arith.constant 0 : i32
    %dma_start3A_1220 = tpu.memref_slice %arg3[%dma_start3A_1212, %dma_start3A_1218, %dma_start3A_1219] : memref<12x128x1024xf32, #tpu.memory_space<vmem_shared>> -> memref<1x128x1024xf32, #tpu.memory_space<vmem_shared>>
    %dma_start3A_1221 = tpu.memref_squeeze %dma_start3A_1220 : memref<1x128x1024xf32, #tpu.memory_space<vmem_shared>> -> memref<128x1024xf32, #tpu.memory_space<vmem_shared>>
    tpu.enqueue_dma source(%dma_start3A_1221 : memref<128x1024xf32, #tpu.memory_space<vmem_shared>>) target(%dma_start3A_1217 : memref<128x1024xf32, #tpu.memory_space<hbm>>) target_semaphore(%dma_start3A_1215 : memref<!tpu.dma_semaphore, #tpu.memory_space<semaphore_mem>>)
    %add3A_1222 = arith.constant 3200 : i32
    %add3A_1223 = arith.addi %mul3A_0, %add3A_1222 : i32
    %dma_wait3A_1224 = arith.constant 1 : i32
    %dma_wait3A_1225 = arith.constant 1 : i32
    %dma_wait3A_1226 = tpu.memref_slice %arg4[%dma_wait3A_1225] : memref<12x!tpu.dma_semaphore, #tpu.memory_space<semaphore_mem>> -> memref<1x!tpu.dma_semaphore, #tpu.memory_space<semaphore_mem>>
    %dma_wait3A_1227 = tpu.memref_squeeze %dma_wait3A_1226 : memref<1x!tpu.dma_semaphore, #tpu.memory_space<semaphore_mem>> -> memref<!tpu.dma_semaphore, #tpu.memory_space<semaphore_mem>>
    %dma_wait3A_1228 = arith.constant 0 : i32
    %dma_wait3A_1229 = arith.constant 0 : i32
    %dma_wait3A_1230 = tpu.memref_slice %arg3[%dma_wait3A_1224, %dma_wait3A_1228, %dma_wait3A_1229] : memref<12x128x1024xf32, #tpu.memory_space<vmem_shared>> -> memref<1x128x1024xf32, #tpu.memory_space<vmem_shared>>
    %dma_wait3A_1231 = tpu.memref_squeeze %dma_wait3A_1230 : memref<1x128x1024xf32, #tpu.memory_space<vmem_shared>> -> memref<128x1024xf32, #tpu.memory_space<vmem_shared>>
    %dma_wait3A_1232 = arith.constant 0 : i32
    %dma_wait3A_1233 = tpu.memref_slice %arg1[%add3A_1223, %dma_wait3A_1232] : memref<8192x1024xf32, #tpu.memory_space<hbm>> -> memref<128x1024xf32, #tpu.memory_space<hbm>>
    tpu.wait_dma2 semaphore(%dma_wait3A_1227 : memref<!tpu.dma_semaphore, #tpu.memory_space<semaphore_mem>>) src(%dma_wait3A_1233 : memref<128x1024xf32, #tpu.memory_space<hbm>>) dst(%dma_wait3A_1231 : memref<128x1024xf32, #tpu.memory_space<vmem_shared>>)
    %add3A_1234 = arith.constant 3200 : i32
    %add3A_1235 = arith.addi %mul3A_0, %add3A_1234 : i32
    %dma_start3A_1236 = arith.constant 1 : i32
    %dma_start3A_1237 = arith.constant 1 : i32
    %dma_start3A_1238 = tpu.memref_slice %arg5[%dma_start3A_1237] : memref<12x!tpu.dma_semaphore, #tpu.memory_space<semaphore_mem>> -> memref<1x!tpu.dma_semaphore, #tpu.memory_space<semaphore_mem>>
    %dma_start3A_1239 = tpu.memref_squeeze %dma_start3A_1238 : memref<1x!tpu.dma_semaphore, #tpu.memory_space<semaphore_mem>> -> memref<!tpu.dma_semaphore, #tpu.memory_space<semaphore_mem>>
    %dma_start3A_1240 = arith.constant 0 : i32
    %dma_start3A_1241 = tpu.memref_slice %arg2[%add3A_1235, %dma_start3A_1240] : memref<8192x1024xf32, #tpu.memory_space<hbm>> -> memref<128x1024xf32, #tpu.memory_space<hbm>>
    %dma_start3A_1242 = arith.constant 0 : i32
    %dma_start3A_1243 = arith.constant 0 : i32
    %dma_start3A_1244 = tpu.memref_slice %arg3[%dma_start3A_1236, %dma_start3A_1242, %dma_start3A_1243] : memref<12x128x1024xf32, #tpu.memory_space<vmem_shared>> -> memref<1x128x1024xf32, #tpu.memory_space<vmem_shared>>
    %dma_start3A_1245 = tpu.memref_squeeze %dma_start3A_1244 : memref<1x128x1024xf32, #tpu.memory_space<vmem_shared>> -> memref<128x1024xf32, #tpu.memory_space<vmem_shared>>
    tpu.enqueue_dma source(%dma_start3A_1245 : memref<128x1024xf32, #tpu.memory_space<vmem_shared>>) target(%dma_start3A_1241 : memref<128x1024xf32, #tpu.memory_space<hbm>>) target_semaphore(%dma_start3A_1239 : memref<!tpu.dma_semaphore, #tpu.memory_space<semaphore_mem>>)
    %add3A_1246 = arith.constant 3328 : i32
    %add3A_1247 = arith.addi %mul3A_0, %add3A_1246 : i32
    %dma_wait3A_1248 = arith.constant 2 : i32
    %dma_wait3A_1249 = arith.constant 2 : i32
    %dma_wait3A_1250 = tpu.memref_slice %arg4[%dma_wait3A_1249] : memref<12x!tpu.dma_semaphore, #tpu.memory_space<semaphore_mem>> -> memref<1x!tpu.dma_semaphore, #tpu.memory_space<semaphore_mem>>
    %dma_wait3A_1251 = tpu.memref_squeeze %dma_wait3A_1250 : memref<1x!tpu.dma_semaphore, #tpu.memory_space<semaphore_mem>> -> memref<!tpu.dma_semaphore, #tpu.memory_space<semaphore_mem>>
    %dma_wait3A_1252 = arith.constant 0 : i32
    %dma_wait3A_1253 = arith.constant 0 : i32
    %dma_wait3A_1254 = tpu.memref_slice %arg3[%dma_wait3A_1248, %dma_wait3A_1252, %dma_wait3A_1253] : memref<12x128x1024xf32, #tpu.memory_space<vmem_shared>> -> memref<1x128x1024xf32, #tpu.memory_space<vmem_shared>>
    %dma_wait3A_1255 = tpu.memref_squeeze %dma_wait3A_1254 : memref<1x128x1024xf32, #tpu.memory_space<vmem_shared>> -> memref<128x1024xf32, #tpu.memory_space<vmem_shared>>
    %dma_wait3A_1256 = arith.constant 0 : i32
    %dma_wait3A_1257 = tpu.memref_slice %arg1[%add3A_1247, %dma_wait3A_1256] : memref<8192x1024xf32, #tpu.memory_space<hbm>> -> memref<128x1024xf32, #tpu.memory_space<hbm>>
    tpu.wait_dma2 semaphore(%dma_wait3A_1251 : memref<!tpu.dma_semaphore, #tpu.memory_space<semaphore_mem>>) src(%dma_wait3A_1257 : memref<128x1024xf32, #tpu.memory_space<hbm>>) dst(%dma_wait3A_1255 : memref<128x1024xf32, #tpu.memory_space<vmem_shared>>)
    %add3A_1258 = arith.constant 3328 : i32
    %add3A_1259 = arith.addi %mul3A_0, %add3A_1258 : i32
    %dma_start3A_1260 = arith.constant 2 : i32
    %dma_start3A_1261 = arith.constant 2 : i32
    %dma_start3A_1262 = tpu.memref_slice %arg5[%dma_start3A_1261] : memref<12x!tpu.dma_semaphore, #tpu.memory_space<semaphore_mem>> -> memref<1x!tpu.dma_semaphore, #tpu.memory_space<semaphore_mem>>
    %dma_start3A_1263 = tpu.memref_squeeze %dma_start3A_1262 : memref<1x!tpu.dma_semaphore, #tpu.memory_space<semaphore_mem>> -> memref<!tpu.dma_semaphore, #tpu.memory_space<semaphore_mem>>
    %dma_start3A_1264 = arith.constant 0 : i32
    %dma_start3A_1265 = tpu.memref_slice %arg2[%add3A_1259, %dma_start3A_1264] : memref<8192x1024xf32, #tpu.memory_space<hbm>> -> memref<128x1024xf32, #tpu.memory_space<hbm>>
    %dma_start3A_1266 = arith.constant 0 : i32
    %dma_start3A_1267 = arith.constant 0 : i32
    %dma_start3A_1268 = tpu.memref_slice %arg3[%dma_start3A_1260, %dma_start3A_1266, %dma_start3A_1267] : memref<12x128x1024xf32, #tpu.memory_space<vmem_shared>> -> memref<1x128x1024xf32, #tpu.memory_space<vmem_shared>>
    %dma_start3A_1269 = tpu.memref_squeeze %dma_start3A_1268 : memref<1x128x1024xf32, #tpu.memory_space<vmem_shared>> -> memref<128x1024xf32, #tpu.memory_space<vmem_shared>>
    tpu.enqueue_dma source(%dma_start3A_1269 : memref<128x1024xf32, #tpu.memory_space<vmem_shared>>) target(%dma_start3A_1265 : memref<128x1024xf32, #tpu.memory_space<hbm>>) target_semaphore(%dma_start3A_1263 : memref<!tpu.dma_semaphore, #tpu.memory_space<semaphore_mem>>)
    %add3A_1270 = arith.constant 3456 : i32
    %add3A_1271 = arith.addi %mul3A_0, %add3A_1270 : i32
    %dma_wait3A_1272 = arith.constant 3 : i32
    %dma_wait3A_1273 = arith.constant 3 : i32
    %dma_wait3A_1274 = tpu.memref_slice %arg4[%dma_wait3A_1273] : memref<12x!tpu.dma_semaphore, #tpu.memory_space<semaphore_mem>> -> memref<1x!tpu.dma_semaphore, #tpu.memory_space<semaphore_mem>>
    %dma_wait3A_1275 = tpu.memref_squeeze %dma_wait3A_1274 : memref<1x!tpu.dma_semaphore, #tpu.memory_space<semaphore_mem>> -> memref<!tpu.dma_semaphore, #tpu.memory_space<semaphore_mem>>
    %dma_wait3A_1276 = arith.constant 0 : i32
    %dma_wait3A_1277 = arith.constant 0 : i32
    %dma_wait3A_1278 = tpu.memref_slice %arg3[%dma_wait3A_1272, %dma_wait3A_1276, %dma_wait3A_1277] : memref<12x128x1024xf32, #tpu.memory_space<vmem_shared>> -> memref<1x128x1024xf32, #tpu.memory_space<vmem_shared>>
    %dma_wait3A_1279 = tpu.memref_squeeze %dma_wait3A_1278 : memref<1x128x1024xf32, #tpu.memory_space<vmem_shared>> -> memref<128x1024xf32, #tpu.memory_space<vmem_shared>>
    %dma_wait3A_1280 = arith.constant 0 : i32
    %dma_wait3A_1281 = tpu.memref_slice %arg1[%add3A_1271, %dma_wait3A_1280] : memref<8192x1024xf32, #tpu.memory_space<hbm>> -> memref<128x1024xf32, #tpu.memory_space<hbm>>
    tpu.wait_dma2 semaphore(%dma_wait3A_1275 : memref<!tpu.dma_semaphore, #tpu.memory_space<semaphore_mem>>) src(%dma_wait3A_1281 : memref<128x1024xf32, #tpu.memory_space<hbm>>) dst(%dma_wait3A_1279 : memref<128x1024xf32, #tpu.memory_space<vmem_shared>>)
    %add3A_1282 = arith.constant 3456 : i32
    %add3A_1283 = arith.addi %mul3A_0, %add3A_1282 : i32
    %dma_start3A_1284 = arith.constant 3 : i32
    %dma_start3A_1285 = arith.constant 3 : i32
    %dma_start3A_1286 = tpu.memref_slice %arg5[%dma_start3A_1285] : memref<12x!tpu.dma_semaphore, #tpu.memory_space<semaphore_mem>> -> memref<1x!tpu.dma_semaphore, #tpu.memory_space<semaphore_mem>>
    %dma_start3A_1287 = tpu.memref_squeeze %dma_start3A_1286 : memref<1x!tpu.dma_semaphore, #tpu.memory_space<semaphore_mem>> -> memref<!tpu.dma_semaphore, #tpu.memory_space<semaphore_mem>>
    %dma_start3A_1288 = arith.constant 0 : i32
    %dma_start3A_1289 = tpu.memref_slice %arg2[%add3A_1283, %dma_start3A_1288] : memref<8192x1024xf32, #tpu.memory_space<hbm>> -> memref<128x1024xf32, #tpu.memory_space<hbm>>
    %dma_start3A_1290 = arith.constant 0 : i32
    %dma_start3A_1291 = arith.constant 0 : i32
    %dma_start3A_1292 = tpu.memref_slice %arg3[%dma_start3A_1284, %dma_start3A_1290, %dma_start3A_1291] : memref<12x128x1024xf32, #tpu.memory_space<vmem_shared>> -> memref<1x128x1024xf32, #tpu.memory_space<vmem_shared>>
    %dma_start3A_1293 = tpu.memref_squeeze %dma_start3A_1292 : memref<1x128x1024xf32, #tpu.memory_space<vmem_shared>> -> memref<128x1024xf32, #tpu.memory_space<vmem_shared>>
    tpu.enqueue_dma source(%dma_start3A_1293 : memref<128x1024xf32, #tpu.memory_space<vmem_shared>>) target(%dma_start3A_1289 : memref<128x1024xf32, #tpu.memory_space<hbm>>) target_semaphore(%dma_start3A_1287 : memref<!tpu.dma_semaphore, #tpu.memory_space<semaphore_mem>>)
    %add3A_1294 = arith.constant 3584 : i32
    %add3A_1295 = arith.addi %mul3A_0, %add3A_1294 : i32
    %dma_wait3A_1296 = arith.constant 4 : i32
    %dma_wait3A_1297 = arith.constant 4 : i32
    %dma_wait3A_1298 = tpu.memref_slice %arg4[%dma_wait3A_1297] : memref<12x!tpu.dma_semaphore, #tpu.memory_space<semaphore_mem>> -> memref<1x!tpu.dma_semaphore, #tpu.memory_space<semaphore_mem>>
    %dma_wait3A_1299 = tpu.memref_squeeze %dma_wait3A_1298 : memref<1x!tpu.dma_semaphore, #tpu.memory_space<semaphore_mem>> -> memref<!tpu.dma_semaphore, #tpu.memory_space<semaphore_mem>>
    %dma_wait3A_1300 = arith.constant 0 : i32
    %dma_wait3A_1301 = arith.constant 0 : i32
    %dma_wait3A_1302 = tpu.memref_slice %arg3[%dma_wait3A_1296, %dma_wait3A_1300, %dma_wait3A_1301] : memref<12x128x1024xf32, #tpu.memory_space<vmem_shared>> -> memref<1x128x1024xf32, #tpu.memory_space<vmem_shared>>
    %dma_wait3A_1303 = tpu.memref_squeeze %dma_wait3A_1302 : memref<1x128x1024xf32, #tpu.memory_space<vmem_shared>> -> memref<128x1024xf32, #tpu.memory_space<vmem_shared>>
    %dma_wait3A_1304 = arith.constant 0 : i32
    %dma_wait3A_1305 = tpu.memref_slice %arg1[%add3A_1295, %dma_wait3A_1304] : memref<8192x1024xf32, #tpu.memory_space<hbm>> -> memref<128x1024xf32, #tpu.memory_space<hbm>>
    tpu.wait_dma2 semaphore(%dma_wait3A_1299 : memref<!tpu.dma_semaphore, #tpu.memory_space<semaphore_mem>>) src(%dma_wait3A_1305 : memref<128x1024xf32, #tpu.memory_space<hbm>>) dst(%dma_wait3A_1303 : memref<128x1024xf32, #tpu.memory_space<vmem_shared>>)
    %add3A_1306 = arith.constant 3584 : i32
    %add3A_1307 = arith.addi %mul3A_0, %add3A_1306 : i32
    %dma_start3A_1308 = arith.constant 4 : i32
    %dma_start3A_1309 = arith.constant 4 : i32
    %dma_start3A_1310 = tpu.memref_slice %arg5[%dma_start3A_1309] : memref<12x!tpu.dma_semaphore, #tpu.memory_space<semaphore_mem>> -> memref<1x!tpu.dma_semaphore, #tpu.memory_space<semaphore_mem>>
    %dma_start3A_1311 = tpu.memref_squeeze %dma_start3A_1310 : memref<1x!tpu.dma_semaphore, #tpu.memory_space<semaphore_mem>> -> memref<!tpu.dma_semaphore, #tpu.memory_space<semaphore_mem>>
    %dma_start3A_1312 = arith.constant 0 : i32
    %dma_start3A_1313 = tpu.memref_slice %arg2[%add3A_1307, %dma_start3A_1312] : memref<8192x1024xf32, #tpu.memory_space<hbm>> -> memref<128x1024xf32, #tpu.memory_space<hbm>>
    %dma_start3A_1314 = arith.constant 0 : i32
    %dma_start3A_1315 = arith.constant 0 : i32
    %dma_start3A_1316 = tpu.memref_slice %arg3[%dma_start3A_1308, %dma_start3A_1314, %dma_start3A_1315] : memref<12x128x1024xf32, #tpu.memory_space<vmem_shared>> -> memref<1x128x1024xf32, #tpu.memory_space<vmem_shared>>
    %dma_start3A_1317 = tpu.memref_squeeze %dma_start3A_1316 : memref<1x128x1024xf32, #tpu.memory_space<vmem_shared>> -> memref<128x1024xf32, #tpu.memory_space<vmem_shared>>
    tpu.enqueue_dma source(%dma_start3A_1317 : memref<128x1024xf32, #tpu.memory_space<vmem_shared>>) target(%dma_start3A_1313 : memref<128x1024xf32, #tpu.memory_space<hbm>>) target_semaphore(%dma_start3A_1311 : memref<!tpu.dma_semaphore, #tpu.memory_space<semaphore_mem>>)
    %add3A_1318 = arith.constant 3712 : i32
    %add3A_1319 = arith.addi %mul3A_0, %add3A_1318 : i32
    %dma_wait3A_1320 = arith.constant 5 : i32
    %dma_wait3A_1321 = arith.constant 5 : i32
    %dma_wait3A_1322 = tpu.memref_slice %arg4[%dma_wait3A_1321] : memref<12x!tpu.dma_semaphore, #tpu.memory_space<semaphore_mem>> -> memref<1x!tpu.dma_semaphore, #tpu.memory_space<semaphore_mem>>
    %dma_wait3A_1323 = tpu.memref_squeeze %dma_wait3A_1322 : memref<1x!tpu.dma_semaphore, #tpu.memory_space<semaphore_mem>> -> memref<!tpu.dma_semaphore, #tpu.memory_space<semaphore_mem>>
    %dma_wait3A_1324 = arith.constant 0 : i32
    %dma_wait3A_1325 = arith.constant 0 : i32
    %dma_wait3A_1326 = tpu.memref_slice %arg3[%dma_wait3A_1320, %dma_wait3A_1324, %dma_wait3A_1325] : memref<12x128x1024xf32, #tpu.memory_space<vmem_shared>> -> memref<1x128x1024xf32, #tpu.memory_space<vmem_shared>>
    %dma_wait3A_1327 = tpu.memref_squeeze %dma_wait3A_1326 : memref<1x128x1024xf32, #tpu.memory_space<vmem_shared>> -> memref<128x1024xf32, #tpu.memory_space<vmem_shared>>
    %dma_wait3A_1328 = arith.constant 0 : i32
    %dma_wait3A_1329 = tpu.memref_slice %arg1[%add3A_1319, %dma_wait3A_1328] : memref<8192x1024xf32, #tpu.memory_space<hbm>> -> memref<128x1024xf32, #tpu.memory_space<hbm>>
    tpu.wait_dma2 semaphore(%dma_wait3A_1323 : memref<!tpu.dma_semaphore, #tpu.memory_space<semaphore_mem>>) src(%dma_wait3A_1329 : memref<128x1024xf32, #tpu.memory_space<hbm>>) dst(%dma_wait3A_1327 : memref<128x1024xf32, #tpu.memory_space<vmem_shared>>)
    %add3A_1330 = arith.constant 3712 : i32
    %add3A_1331 = arith.addi %mul3A_0, %add3A_1330 : i32
    %dma_start3A_1332 = arith.constant 5 : i32
    %dma_start3A_1333 = arith.constant 5 : i32
    %dma_start3A_1334 = tpu.memref_slice %arg5[%dma_start3A_1333] : memref<12x!tpu.dma_semaphore, #tpu.memory_space<semaphore_mem>> -> memref<1x!tpu.dma_semaphore, #tpu.memory_space<semaphore_mem>>
    %dma_start3A_1335 = tpu.memref_squeeze %dma_start3A_1334 : memref<1x!tpu.dma_semaphore, #tpu.memory_space<semaphore_mem>> -> memref<!tpu.dma_semaphore, #tpu.memory_space<semaphore_mem>>
    %dma_start3A_1336 = arith.constant 0 : i32
    %dma_start3A_1337 = tpu.memref_slice %arg2[%add3A_1331, %dma_start3A_1336] : memref<8192x1024xf32, #tpu.memory_space<hbm>> -> memref<128x1024xf32, #tpu.memory_space<hbm>>
    %dma_start3A_1338 = arith.constant 0 : i32
    %dma_start3A_1339 = arith.constant 0 : i32
    %dma_start3A_1340 = tpu.memref_slice %arg3[%dma_start3A_1332, %dma_start3A_1338, %dma_start3A_1339] : memref<12x128x1024xf32, #tpu.memory_space<vmem_shared>> -> memref<1x128x1024xf32, #tpu.memory_space<vmem_shared>>
    %dma_start3A_1341 = tpu.memref_squeeze %dma_start3A_1340 : memref<1x128x1024xf32, #tpu.memory_space<vmem_shared>> -> memref<128x1024xf32, #tpu.memory_space<vmem_shared>>
    tpu.enqueue_dma source(%dma_start3A_1341 : memref<128x1024xf32, #tpu.memory_space<vmem_shared>>) target(%dma_start3A_1337 : memref<128x1024xf32, #tpu.memory_space<hbm>>) target_semaphore(%dma_start3A_1335 : memref<!tpu.dma_semaphore, #tpu.memory_space<semaphore_mem>>)
    %add3A_1342 = arith.constant 3840 : i32
    %add3A_1343 = arith.addi %mul3A_0, %add3A_1342 : i32
    %dma_wait3A_1344 = arith.constant 6 : i32
    %dma_wait3A_1345 = arith.constant 6 : i32
    %dma_wait3A_1346 = tpu.memref_slice %arg4[%dma_wait3A_1345] : memref<12x!tpu.dma_semaphore, #tpu.memory_space<semaphore_mem>> -> memref<1x!tpu.dma_semaphore, #tpu.memory_space<semaphore_mem>>
    %dma_wait3A_1347 = tpu.memref_squeeze %dma_wait3A_1346 : memref<1x!tpu.dma_semaphore, #tpu.memory_space<semaphore_mem>> -> memref<!tpu.dma_semaphore, #tpu.memory_space<semaphore_mem>>
    %dma_wait3A_1348 = arith.constant 0 : i32
    %dma_wait3A_1349 = arith.constant 0 : i32
    %dma_wait3A_1350 = tpu.memref_slice %arg3[%dma_wait3A_1344, %dma_wait3A_1348, %dma_wait3A_1349] : memref<12x128x1024xf32, #tpu.memory_space<vmem_shared>> -> memref<1x128x1024xf32, #tpu.memory_space<vmem_shared>>
    %dma_wait3A_1351 = tpu.memref_squeeze %dma_wait3A_1350 : memref<1x128x1024xf32, #tpu.memory_space<vmem_shared>> -> memref<128x1024xf32, #tpu.memory_space<vmem_shared>>
    %dma_wait3A_1352 = arith.constant 0 : i32
    %dma_wait3A_1353 = tpu.memref_slice %arg1[%add3A_1343, %dma_wait3A_1352] : memref<8192x1024xf32, #tpu.memory_space<hbm>> -> memref<128x1024xf32, #tpu.memory_space<hbm>>
    tpu.wait_dma2 semaphore(%dma_wait3A_1347 : memref<!tpu.dma_semaphore, #tpu.memory_space<semaphore_mem>>) src(%dma_wait3A_1353 : memref<128x1024xf32, #tpu.memory_space<hbm>>) dst(%dma_wait3A_1351 : memref<128x1024xf32, #tpu.memory_space<vmem_shared>>)
    %add3A_1354 = arith.constant 3840 : i32
    %add3A_1355 = arith.addi %mul3A_0, %add3A_1354 : i32
    %dma_start3A_1356 = arith.constant 6 : i32
    %dma_start3A_1357 = arith.constant 6 : i32
    %dma_start3A_1358 = tpu.memref_slice %arg5[%dma_start3A_1357] : memref<12x!tpu.dma_semaphore, #tpu.memory_space<semaphore_mem>> -> memref<1x!tpu.dma_semaphore, #tpu.memory_space<semaphore_mem>>
    %dma_start3A_1359 = tpu.memref_squeeze %dma_start3A_1358 : memref<1x!tpu.dma_semaphore, #tpu.memory_space<semaphore_mem>> -> memref<!tpu.dma_semaphore, #tpu.memory_space<semaphore_mem>>
    %dma_start3A_1360 = arith.constant 0 : i32
    %dma_start3A_1361 = tpu.memref_slice %arg2[%add3A_1355, %dma_start3A_1360] : memref<8192x1024xf32, #tpu.memory_space<hbm>> -> memref<128x1024xf32, #tpu.memory_space<hbm>>
    %dma_start3A_1362 = arith.constant 0 : i32
    %dma_start3A_1363 = arith.constant 0 : i32
    %dma_start3A_1364 = tpu.memref_slice %arg3[%dma_start3A_1356, %dma_start3A_1362, %dma_start3A_1363] : memref<12x128x1024xf32, #tpu.memory_space<vmem_shared>> -> memref<1x128x1024xf32, #tpu.memory_space<vmem_shared>>
    %dma_start3A_1365 = tpu.memref_squeeze %dma_start3A_1364 : memref<1x128x1024xf32, #tpu.memory_space<vmem_shared>> -> memref<128x1024xf32, #tpu.memory_space<vmem_shared>>
    tpu.enqueue_dma source(%dma_start3A_1365 : memref<128x1024xf32, #tpu.memory_space<vmem_shared>>) target(%dma_start3A_1361 : memref<128x1024xf32, #tpu.memory_space<hbm>>) target_semaphore(%dma_start3A_1359 : memref<!tpu.dma_semaphore, #tpu.memory_space<semaphore_mem>>)
    %add3A_1366 = arith.constant 3968 : i32
    %add3A_1367 = arith.addi %mul3A_0, %add3A_1366 : i32
    %dma_wait3A_1368 = arith.constant 7 : i32
    %dma_wait3A_1369 = arith.constant 7 : i32
    %dma_wait3A_1370 = tpu.memref_slice %arg4[%dma_wait3A_1369] : memref<12x!tpu.dma_semaphore, #tpu.memory_space<semaphore_mem>> -> memref<1x!tpu.dma_semaphore, #tpu.memory_space<semaphore_mem>>
    %dma_wait3A_1371 = tpu.memref_squeeze %dma_wait3A_1370 : memref<1x!tpu.dma_semaphore, #tpu.memory_space<semaphore_mem>> -> memref<!tpu.dma_semaphore, #tpu.memory_space<semaphore_mem>>
    %dma_wait3A_1372 = arith.constant 0 : i32
    %dma_wait3A_1373 = arith.constant 0 : i32
    %dma_wait3A_1374 = tpu.memref_slice %arg3[%dma_wait3A_1368, %dma_wait3A_1372, %dma_wait3A_1373] : memref<12x128x1024xf32, #tpu.memory_space<vmem_shared>> -> memref<1x128x1024xf32, #tpu.memory_space<vmem_shared>>
    %dma_wait3A_1375 = tpu.memref_squeeze %dma_wait3A_1374 : memref<1x128x1024xf32, #tpu.memory_space<vmem_shared>> -> memref<128x1024xf32, #tpu.memory_space<vmem_shared>>
    %dma_wait3A_1376 = arith.constant 0 : i32
    %dma_wait3A_1377 = tpu.memref_slice %arg1[%add3A_1367, %dma_wait3A_1376] : memref<8192x1024xf32, #tpu.memory_space<hbm>> -> memref<128x1024xf32, #tpu.memory_space<hbm>>
    tpu.wait_dma2 semaphore(%dma_wait3A_1371 : memref<!tpu.dma_semaphore, #tpu.memory_space<semaphore_mem>>) src(%dma_wait3A_1377 : memref<128x1024xf32, #tpu.memory_space<hbm>>) dst(%dma_wait3A_1375 : memref<128x1024xf32, #tpu.memory_space<vmem_shared>>)
    %add3A_1378 = arith.constant 3968 : i32
    %add3A_1379 = arith.addi %mul3A_0, %add3A_1378 : i32
    %dma_start3A_1380 = arith.constant 7 : i32
    %dma_start3A_1381 = arith.constant 7 : i32
    %dma_start3A_1382 = tpu.memref_slice %arg5[%dma_start3A_1381] : memref<12x!tpu.dma_semaphore, #tpu.memory_space<semaphore_mem>> -> memref<1x!tpu.dma_semaphore, #tpu.memory_space<semaphore_mem>>
    %dma_start3A_1383 = tpu.memref_squeeze %dma_start3A_1382 : memref<1x!tpu.dma_semaphore, #tpu.memory_space<semaphore_mem>> -> memref<!tpu.dma_semaphore, #tpu.memory_space<semaphore_mem>>
    %dma_start3A_1384 = arith.constant 0 : i32
    %dma_start3A_1385 = tpu.memref_slice %arg2[%add3A_1379, %dma_start3A_1384] : memref<8192x1024xf32, #tpu.memory_space<hbm>> -> memref<128x1024xf32, #tpu.memory_space<hbm>>
    %dma_start3A_1386 = arith.constant 0 : i32
    %dma_start3A_1387 = arith.constant 0 : i32
    %dma_start3A_1388 = tpu.memref_slice %arg3[%dma_start3A_1380, %dma_start3A_1386, %dma_start3A_1387] : memref<12x128x1024xf32, #tpu.memory_space<vmem_shared>> -> memref<1x128x1024xf32, #tpu.memory_space<vmem_shared>>
    %dma_start3A_1389 = tpu.memref_squeeze %dma_start3A_1388 : memref<1x128x1024xf32, #tpu.memory_space<vmem_shared>> -> memref<128x1024xf32, #tpu.memory_space<vmem_shared>>
    tpu.enqueue_dma source(%dma_start3A_1389 : memref<128x1024xf32, #tpu.memory_space<vmem_shared>>) target(%dma_start3A_1385 : memref<128x1024xf32, #tpu.memory_space<hbm>>) target_semaphore(%dma_start3A_1383 : memref<!tpu.dma_semaphore, #tpu.memory_space<semaphore_mem>>)
    %add3A_1390 = arith.constant 2560 : i32
    %add3A_1391 = arith.addi %mul3A_0, %add3A_1390 : i32
    %dma_wait3A_1392 = arith.constant 8 : i32
    %dma_wait3A_1393 = arith.constant 8 : i32
    %dma_wait3A_1394 = tpu.memref_slice %arg5[%dma_wait3A_1393] : memref<12x!tpu.dma_semaphore, #tpu.memory_space<semaphore_mem>> -> memref<1x!tpu.dma_semaphore, #tpu.memory_space<semaphore_mem>>
    %dma_wait3A_1395 = tpu.memref_squeeze %dma_wait3A_1394 : memref<1x!tpu.dma_semaphore, #tpu.memory_space<semaphore_mem>> -> memref<!tpu.dma_semaphore, #tpu.memory_space<semaphore_mem>>
    %dma_wait3A_1396 = arith.constant 0 : i32
    %dma_wait3A_1397 = tpu.memref_slice %arg2[%add3A_1391, %dma_wait3A_1396] : memref<8192x1024xf32, #tpu.memory_space<hbm>> -> memref<128x1024xf32, #tpu.memory_space<hbm>>
    %dma_wait3A_1398 = arith.constant 0 : i32
    %dma_wait3A_1399 = arith.constant 0 : i32
    %dma_wait3A_1400 = tpu.memref_slice %arg3[%dma_wait3A_1392, %dma_wait3A_1398, %dma_wait3A_1399] : memref<12x128x1024xf32, #tpu.memory_space<vmem_shared>> -> memref<1x128x1024xf32, #tpu.memory_space<vmem_shared>>
    %dma_wait3A_1401 = tpu.memref_squeeze %dma_wait3A_1400 : memref<1x128x1024xf32, #tpu.memory_space<vmem_shared>> -> memref<128x1024xf32, #tpu.memory_space<vmem_shared>>
    tpu.wait_dma2 semaphore(%dma_wait3A_1395 : memref<!tpu.dma_semaphore, #tpu.memory_space<semaphore_mem>>) src(%dma_wait3A_1401 : memref<128x1024xf32, #tpu.memory_space<vmem_shared>>) dst(%dma_wait3A_1397 : memref<128x1024xf32, #tpu.memory_space<hbm>>)
    %add3A_1402 = arith.constant 2688 : i32
    %add3A_1403 = arith.addi %mul3A_0, %add3A_1402 : i32
    %dma_wait3A_1404 = arith.constant 9 : i32
    %dma_wait3A_1405 = arith.constant 9 : i32
    %dma_wait3A_1406 = tpu.memref_slice %arg5[%dma_wait3A_1405] : memref<12x!tpu.dma_semaphore, #tpu.memory_space<semaphore_mem>> -> memref<1x!tpu.dma_semaphore, #tpu.memory_space<semaphore_mem>>
    %dma_wait3A_1407 = tpu.memref_squeeze %dma_wait3A_1406 : memref<1x!tpu.dma_semaphore, #tpu.memory_space<semaphore_mem>> -> memref<!tpu.dma_semaphore, #tpu.memory_space<semaphore_mem>>
    %dma_wait3A_1408 = arith.constant 0 : i32
    %dma_wait3A_1409 = tpu.memref_slice %arg2[%add3A_1403, %dma_wait3A_1408] : memref<8192x1024xf32, #tpu.memory_space<hbm>> -> memref<128x1024xf32, #tpu.memory_space<hbm>>
    %dma_wait3A_1410 = arith.constant 0 : i32
    %dma_wait3A_1411 = arith.constant 0 : i32
    %dma_wait3A_1412 = tpu.memref_slice %arg3[%dma_wait3A_1404, %dma_wait3A_1410, %dma_wait3A_1411] : memref<12x128x1024xf32, #tpu.memory_space<vmem_shared>> -> memref<1x128x1024xf32, #tpu.memory_space<vmem_shared>>
    %dma_wait3A_1413 = tpu.memref_squeeze %dma_wait3A_1412 : memref<1x128x1024xf32, #tpu.memory_space<vmem_shared>> -> memref<128x1024xf32, #tpu.memory_space<vmem_shared>>
    tpu.wait_dma2 semaphore(%dma_wait3A_1407 : memref<!tpu.dma_semaphore, #tpu.memory_space<semaphore_mem>>) src(%dma_wait3A_1413 : memref<128x1024xf32, #tpu.memory_space<vmem_shared>>) dst(%dma_wait3A_1409 : memref<128x1024xf32, #tpu.memory_space<hbm>>)
    %add3A_1414 = arith.constant 2816 : i32
    %add3A_1415 = arith.addi %mul3A_0, %add3A_1414 : i32
    %dma_wait3A_1416 = arith.constant 10 : i32
    %dma_wait3A_1417 = arith.constant 10 : i32
    %dma_wait3A_1418 = tpu.memref_slice %arg5[%dma_wait3A_1417] : memref<12x!tpu.dma_semaphore, #tpu.memory_space<semaphore_mem>> -> memref<1x!tpu.dma_semaphore, #tpu.memory_space<semaphore_mem>>
    %dma_wait3A_1419 = tpu.memref_squeeze %dma_wait3A_1418 : memref<1x!tpu.dma_semaphore, #tpu.memory_space<semaphore_mem>> -> memref<!tpu.dma_semaphore, #tpu.memory_space<semaphore_mem>>
    %dma_wait3A_1420 = arith.constant 0 : i32
    %dma_wait3A_1421 = tpu.memref_slice %arg2[%add3A_1415, %dma_wait3A_1420] : memref<8192x1024xf32, #tpu.memory_space<hbm>> -> memref<128x1024xf32, #tpu.memory_space<hbm>>
    %dma_wait3A_1422 = arith.constant 0 : i32
    %dma_wait3A_1423 = arith.constant 0 : i32
    %dma_wait3A_1424 = tpu.memref_slice %arg3[%dma_wait3A_1416, %dma_wait3A_1422, %dma_wait3A_1423] : memref<12x128x1024xf32, #tpu.memory_space<vmem_shared>> -> memref<1x128x1024xf32, #tpu.memory_space<vmem_shared>>
    %dma_wait3A_1425 = tpu.memref_squeeze %dma_wait3A_1424 : memref<1x128x1024xf32, #tpu.memory_space<vmem_shared>> -> memref<128x1024xf32, #tpu.memory_space<vmem_shared>>
    tpu.wait_dma2 semaphore(%dma_wait3A_1419 : memref<!tpu.dma_semaphore, #tpu.memory_space<semaphore_mem>>) src(%dma_wait3A_1425 : memref<128x1024xf32, #tpu.memory_space<vmem_shared>>) dst(%dma_wait3A_1421 : memref<128x1024xf32, #tpu.memory_space<hbm>>)
    %add3A_1426 = arith.constant 2944 : i32
    %add3A_1427 = arith.addi %mul3A_0, %add3A_1426 : i32
    %dma_wait3A_1428 = arith.constant 11 : i32
    %dma_wait3A_1429 = arith.constant 11 : i32
    %dma_wait3A_1430 = tpu.memref_slice %arg5[%dma_wait3A_1429] : memref<12x!tpu.dma_semaphore, #tpu.memory_space<semaphore_mem>> -> memref<1x!tpu.dma_semaphore, #tpu.memory_space<semaphore_mem>>
    %dma_wait3A_1431 = tpu.memref_squeeze %dma_wait3A_1430 : memref<1x!tpu.dma_semaphore, #tpu.memory_space<semaphore_mem>> -> memref<!tpu.dma_semaphore, #tpu.memory_space<semaphore_mem>>
    %dma_wait3A_1432 = arith.constant 0 : i32
    %dma_wait3A_1433 = tpu.memref_slice %arg2[%add3A_1427, %dma_wait3A_1432] : memref<8192x1024xf32, #tpu.memory_space<hbm>> -> memref<128x1024xf32, #tpu.memory_space<hbm>>
    %dma_wait3A_1434 = arith.constant 0 : i32
    %dma_wait3A_1435 = arith.constant 0 : i32
    %dma_wait3A_1436 = tpu.memref_slice %arg3[%dma_wait3A_1428, %dma_wait3A_1434, %dma_wait3A_1435] : memref<12x128x1024xf32, #tpu.memory_space<vmem_shared>> -> memref<1x128x1024xf32, #tpu.memory_space<vmem_shared>>
    %dma_wait3A_1437 = tpu.memref_squeeze %dma_wait3A_1436 : memref<1x128x1024xf32, #tpu.memory_space<vmem_shared>> -> memref<128x1024xf32, #tpu.memory_space<vmem_shared>>
    tpu.wait_dma2 semaphore(%dma_wait3A_1431 : memref<!tpu.dma_semaphore, #tpu.memory_space<semaphore_mem>>) src(%dma_wait3A_1437 : memref<128x1024xf32, #tpu.memory_space<vmem_shared>>) dst(%dma_wait3A_1433 : memref<128x1024xf32, #tpu.memory_space<hbm>>)
    %add3A_1438 = arith.constant 3072 : i32
    %add3A_1439 = arith.addi %mul3A_0, %add3A_1438 : i32
    %dma_wait3A_1440 = arith.constant 0 : i32
    %dma_wait3A_1441 = arith.constant 0 : i32
    %dma_wait3A_1442 = tpu.memref_slice %arg5[%dma_wait3A_1441] : memref<12x!tpu.dma_semaphore, #tpu.memory_space<semaphore_mem>> -> memref<1x!tpu.dma_semaphore, #tpu.memory_space<semaphore_mem>>
    %dma_wait3A_1443 = tpu.memref_squeeze %dma_wait3A_1442 : memref<1x!tpu.dma_semaphore, #tpu.memory_space<semaphore_mem>> -> memref<!tpu.dma_semaphore, #tpu.memory_space<semaphore_mem>>
    %dma_wait3A_1444 = arith.constant 0 : i32
    %dma_wait3A_1445 = tpu.memref_slice %arg2[%add3A_1439, %dma_wait3A_1444] : memref<8192x1024xf32, #tpu.memory_space<hbm>> -> memref<128x1024xf32, #tpu.memory_space<hbm>>
    %dma_wait3A_1446 = arith.constant 0 : i32
    %dma_wait3A_1447 = arith.constant 0 : i32
    %dma_wait3A_1448 = tpu.memref_slice %arg3[%dma_wait3A_1440, %dma_wait3A_1446, %dma_wait3A_1447] : memref<12x128x1024xf32, #tpu.memory_space<vmem_shared>> -> memref<1x128x1024xf32, #tpu.memory_space<vmem_shared>>
    %dma_wait3A_1449 = tpu.memref_squeeze %dma_wait3A_1448 : memref<1x128x1024xf32, #tpu.memory_space<vmem_shared>> -> memref<128x1024xf32, #tpu.memory_space<vmem_shared>>
    tpu.wait_dma2 semaphore(%dma_wait3A_1443 : memref<!tpu.dma_semaphore, #tpu.memory_space<semaphore_mem>>) src(%dma_wait3A_1449 : memref<128x1024xf32, #tpu.memory_space<vmem_shared>>) dst(%dma_wait3A_1445 : memref<128x1024xf32, #tpu.memory_space<hbm>>)
    %add3A_1450 = arith.constant 3200 : i32
    %add3A_1451 = arith.addi %mul3A_0, %add3A_1450 : i32
    %dma_wait3A_1452 = arith.constant 1 : i32
    %dma_wait3A_1453 = arith.constant 1 : i32
    %dma_wait3A_1454 = tpu.memref_slice %arg5[%dma_wait3A_1453] : memref<12x!tpu.dma_semaphore, #tpu.memory_space<semaphore_mem>> -> memref<1x!tpu.dma_semaphore, #tpu.memory_space<semaphore_mem>>
    %dma_wait3A_1455 = tpu.memref_squeeze %dma_wait3A_1454 : memref<1x!tpu.dma_semaphore, #tpu.memory_space<semaphore_mem>> -> memref<!tpu.dma_semaphore, #tpu.memory_space<semaphore_mem>>
    %dma_wait3A_1456 = arith.constant 0 : i32
    %dma_wait3A_1457 = tpu.memref_slice %arg2[%add3A_1451, %dma_wait3A_1456] : memref<8192x1024xf32, #tpu.memory_space<hbm>> -> memref<128x1024xf32, #tpu.memory_space<hbm>>
    %dma_wait3A_1458 = arith.constant 0 : i32
    %dma_wait3A_1459 = arith.constant 0 : i32
    %dma_wait3A_1460 = tpu.memref_slice %arg3[%dma_wait3A_1452, %dma_wait3A_1458, %dma_wait3A_1459] : memref<12x128x1024xf32, #tpu.memory_space<vmem_shared>> -> memref<1x128x1024xf32, #tpu.memory_space<vmem_shared>>
    %dma_wait3A_1461 = tpu.memref_squeeze %dma_wait3A_1460 : memref<1x128x1024xf32, #tpu.memory_space<vmem_shared>> -> memref<128x1024xf32, #tpu.memory_space<vmem_shared>>
    tpu.wait_dma2 semaphore(%dma_wait3A_1455 : memref<!tpu.dma_semaphore, #tpu.memory_space<semaphore_mem>>) src(%dma_wait3A_1461 : memref<128x1024xf32, #tpu.memory_space<vmem_shared>>) dst(%dma_wait3A_1457 : memref<128x1024xf32, #tpu.memory_space<hbm>>)
    %add3A_1462 = arith.constant 3328 : i32
    %add3A_1463 = arith.addi %mul3A_0, %add3A_1462 : i32
    %dma_wait3A_1464 = arith.constant 2 : i32
    %dma_wait3A_1465 = arith.constant 2 : i32
    %dma_wait3A_1466 = tpu.memref_slice %arg5[%dma_wait3A_1465] : memref<12x!tpu.dma_semaphore, #tpu.memory_space<semaphore_mem>> -> memref<1x!tpu.dma_semaphore, #tpu.memory_space<semaphore_mem>>
    %dma_wait3A_1467 = tpu.memref_squeeze %dma_wait3A_1466 : memref<1x!tpu.dma_semaphore, #tpu.memory_space<semaphore_mem>> -> memref<!tpu.dma_semaphore, #tpu.memory_space<semaphore_mem>>
    %dma_wait3A_1468 = arith.constant 0 : i32
    %dma_wait3A_1469 = tpu.memref_slice %arg2[%add3A_1463, %dma_wait3A_1468] : memref<8192x1024xf32, #tpu.memory_space<hbm>> -> memref<128x1024xf32, #tpu.memory_space<hbm>>
    %dma_wait3A_1470 = arith.constant 0 : i32
    %dma_wait3A_1471 = arith.constant 0 : i32
    %dma_wait3A_1472 = tpu.memref_slice %arg3[%dma_wait3A_1464, %dma_wait3A_1470, %dma_wait3A_1471] : memref<12x128x1024xf32, #tpu.memory_space<vmem_shared>> -> memref<1x128x1024xf32, #tpu.memory_space<vmem_shared>>
    %dma_wait3A_1473 = tpu.memref_squeeze %dma_wait3A_1472 : memref<1x128x1024xf32, #tpu.memory_space<vmem_shared>> -> memref<128x1024xf32, #tpu.memory_space<vmem_shared>>
    tpu.wait_dma2 semaphore(%dma_wait3A_1467 : memref<!tpu.dma_semaphore, #tpu.memory_space<semaphore_mem>>) src(%dma_wait3A_1473 : memref<128x1024xf32, #tpu.memory_space<vmem_shared>>) dst(%dma_wait3A_1469 : memref<128x1024xf32, #tpu.memory_space<hbm>>)
    %add3A_1474 = arith.constant 3456 : i32
    %add3A_1475 = arith.addi %mul3A_0, %add3A_1474 : i32
    %dma_wait3A_1476 = arith.constant 3 : i32
    %dma_wait3A_1477 = arith.constant 3 : i32
    %dma_wait3A_1478 = tpu.memref_slice %arg5[%dma_wait3A_1477] : memref<12x!tpu.dma_semaphore, #tpu.memory_space<semaphore_mem>> -> memref<1x!tpu.dma_semaphore, #tpu.memory_space<semaphore_mem>>
    %dma_wait3A_1479 = tpu.memref_squeeze %dma_wait3A_1478 : memref<1x!tpu.dma_semaphore, #tpu.memory_space<semaphore_mem>> -> memref<!tpu.dma_semaphore, #tpu.memory_space<semaphore_mem>>
    %dma_wait3A_1480 = arith.constant 0 : i32
    %dma_wait3A_1481 = tpu.memref_slice %arg2[%add3A_1475, %dma_wait3A_1480] : memref<8192x1024xf32, #tpu.memory_space<hbm>> -> memref<128x1024xf32, #tpu.memory_space<hbm>>
    %dma_wait3A_1482 = arith.constant 0 : i32
    %dma_wait3A_1483 = arith.constant 0 : i32
    %dma_wait3A_1484 = tpu.memref_slice %arg3[%dma_wait3A_1476, %dma_wait3A_1482, %dma_wait3A_1483] : memref<12x128x1024xf32, #tpu.memory_space<vmem_shared>> -> memref<1x128x1024xf32, #tpu.memory_space<vmem_shared>>
    %dma_wait3A_1485 = tpu.memref_squeeze %dma_wait3A_1484 : memref<1x128x1024xf32, #tpu.memory_space<vmem_shared>> -> memref<128x1024xf32, #tpu.memory_space<vmem_shared>>
    tpu.wait_dma2 semaphore(%dma_wait3A_1479 : memref<!tpu.dma_semaphore, #tpu.memory_space<semaphore_mem>>) src(%dma_wait3A_1485 : memref<128x1024xf32, #tpu.memory_space<vmem_shared>>) dst(%dma_wait3A_1481 : memref<128x1024xf32, #tpu.memory_space<hbm>>)
    %add3A_1486 = arith.constant 3584 : i32
    %add3A_1487 = arith.addi %mul3A_0, %add3A_1486 : i32
    %dma_wait3A_1488 = arith.constant 4 : i32
    %dma_wait3A_1489 = arith.constant 4 : i32
    %dma_wait3A_1490 = tpu.memref_slice %arg5[%dma_wait3A_1489] : memref<12x!tpu.dma_semaphore, #tpu.memory_space<semaphore_mem>> -> memref<1x!tpu.dma_semaphore, #tpu.memory_space<semaphore_mem>>
    %dma_wait3A_1491 = tpu.memref_squeeze %dma_wait3A_1490 : memref<1x!tpu.dma_semaphore, #tpu.memory_space<semaphore_mem>> -> memref<!tpu.dma_semaphore, #tpu.memory_space<semaphore_mem>>
    %dma_wait3A_1492 = arith.constant 0 : i32
    %dma_wait3A_1493 = tpu.memref_slice %arg2[%add3A_1487, %dma_wait3A_1492] : memref<8192x1024xf32, #tpu.memory_space<hbm>> -> memref<128x1024xf32, #tpu.memory_space<hbm>>
    %dma_wait3A_1494 = arith.constant 0 : i32
    %dma_wait3A_1495 = arith.constant 0 : i32
    %dma_wait3A_1496 = tpu.memref_slice %arg3[%dma_wait3A_1488, %dma_wait3A_1494, %dma_wait3A_1495] : memref<12x128x1024xf32, #tpu.memory_space<vmem_shared>> -> memref<1x128x1024xf32, #tpu.memory_space<vmem_shared>>
    %dma_wait3A_1497 = tpu.memref_squeeze %dma_wait3A_1496 : memref<1x128x1024xf32, #tpu.memory_space<vmem_shared>> -> memref<128x1024xf32, #tpu.memory_space<vmem_shared>>
    tpu.wait_dma2 semaphore(%dma_wait3A_1491 : memref<!tpu.dma_semaphore, #tpu.memory_space<semaphore_mem>>) src(%dma_wait3A_1497 : memref<128x1024xf32, #tpu.memory_space<vmem_shared>>) dst(%dma_wait3A_1493 : memref<128x1024xf32, #tpu.memory_space<hbm>>)
    %add3A_1498 = arith.constant 3712 : i32
    %add3A_1499 = arith.addi %mul3A_0, %add3A_1498 : i32
    %dma_wait3A_1500 = arith.constant 5 : i32
    %dma_wait3A_1501 = arith.constant 5 : i32
    %dma_wait3A_1502 = tpu.memref_slice %arg5[%dma_wait3A_1501] : memref<12x!tpu.dma_semaphore, #tpu.memory_space<semaphore_mem>> -> memref<1x!tpu.dma_semaphore, #tpu.memory_space<semaphore_mem>>
    %dma_wait3A_1503 = tpu.memref_squeeze %dma_wait3A_1502 : memref<1x!tpu.dma_semaphore, #tpu.memory_space<semaphore_mem>> -> memref<!tpu.dma_semaphore, #tpu.memory_space<semaphore_mem>>
    %dma_wait3A_1504 = arith.constant 0 : i32
    %dma_wait3A_1505 = tpu.memref_slice %arg2[%add3A_1499, %dma_wait3A_1504] : memref<8192x1024xf32, #tpu.memory_space<hbm>> -> memref<128x1024xf32, #tpu.memory_space<hbm>>
    %dma_wait3A_1506 = arith.constant 0 : i32
    %dma_wait3A_1507 = arith.constant 0 : i32
    %dma_wait3A_1508 = tpu.memref_slice %arg3[%dma_wait3A_1500, %dma_wait3A_1506, %dma_wait3A_1507] : memref<12x128x1024xf32, #tpu.memory_space<vmem_shared>> -> memref<1x128x1024xf32, #tpu.memory_space<vmem_shared>>
    %dma_wait3A_1509 = tpu.memref_squeeze %dma_wait3A_1508 : memref<1x128x1024xf32, #tpu.memory_space<vmem_shared>> -> memref<128x1024xf32, #tpu.memory_space<vmem_shared>>
    tpu.wait_dma2 semaphore(%dma_wait3A_1503 : memref<!tpu.dma_semaphore, #tpu.memory_space<semaphore_mem>>) src(%dma_wait3A_1509 : memref<128x1024xf32, #tpu.memory_space<vmem_shared>>) dst(%dma_wait3A_1505 : memref<128x1024xf32, #tpu.memory_space<hbm>>)
    %add3A_1510 = arith.constant 3840 : i32
    %add3A_1511 = arith.addi %mul3A_0, %add3A_1510 : i32
    %dma_wait3A_1512 = arith.constant 6 : i32
    %dma_wait3A_1513 = arith.constant 6 : i32
    %dma_wait3A_1514 = tpu.memref_slice %arg5[%dma_wait3A_1513] : memref<12x!tpu.dma_semaphore, #tpu.memory_space<semaphore_mem>> -> memref<1x!tpu.dma_semaphore, #tpu.memory_space<semaphore_mem>>
    %dma_wait3A_1515 = tpu.memref_squeeze %dma_wait3A_1514 : memref<1x!tpu.dma_semaphore, #tpu.memory_space<semaphore_mem>> -> memref<!tpu.dma_semaphore, #tpu.memory_space<semaphore_mem>>
    %dma_wait3A_1516 = arith.constant 0 : i32
    %dma_wait3A_1517 = tpu.memref_slice %arg2[%add3A_1511, %dma_wait3A_1516] : memref<8192x1024xf32, #tpu.memory_space<hbm>> -> memref<128x1024xf32, #tpu.memory_space<hbm>>
    %dma_wait3A_1518 = arith.constant 0 : i32
    %dma_wait3A_1519 = arith.constant 0 : i32
    %dma_wait3A_1520 = tpu.memref_slice %arg3[%dma_wait3A_1512, %dma_wait3A_1518, %dma_wait3A_1519] : memref<12x128x1024xf32, #tpu.memory_space<vmem_shared>> -> memref<1x128x1024xf32, #tpu.memory_space<vmem_shared>>
    %dma_wait3A_1521 = tpu.memref_squeeze %dma_wait3A_1520 : memref<1x128x1024xf32, #tpu.memory_space<vmem_shared>> -> memref<128x1024xf32, #tpu.memory_space<vmem_shared>>
    tpu.wait_dma2 semaphore(%dma_wait3A_1515 : memref<!tpu.dma_semaphore, #tpu.memory_space<semaphore_mem>>) src(%dma_wait3A_1521 : memref<128x1024xf32, #tpu.memory_space<vmem_shared>>) dst(%dma_wait3A_1517 : memref<128x1024xf32, #tpu.memory_space<hbm>>)
    %add3A_1522 = arith.constant 3968 : i32
    %add3A_1523 = arith.addi %mul3A_0, %add3A_1522 : i32
    %dma_wait3A_1524 = arith.constant 7 : i32
    %dma_wait3A_1525 = arith.constant 7 : i32
    %dma_wait3A_1526 = tpu.memref_slice %arg5[%dma_wait3A_1525] : memref<12x!tpu.dma_semaphore, #tpu.memory_space<semaphore_mem>> -> memref<1x!tpu.dma_semaphore, #tpu.memory_space<semaphore_mem>>
    %dma_wait3A_1527 = tpu.memref_squeeze %dma_wait3A_1526 : memref<1x!tpu.dma_semaphore, #tpu.memory_space<semaphore_mem>> -> memref<!tpu.dma_semaphore, #tpu.memory_space<semaphore_mem>>
    %dma_wait3A_1528 = arith.constant 0 : i32
    %dma_wait3A_1529 = tpu.memref_slice %arg2[%add3A_1523, %dma_wait3A_1528] : memref<8192x1024xf32, #tpu.memory_space<hbm>> -> memref<128x1024xf32, #tpu.memory_space<hbm>>
    %dma_wait3A_1530 = arith.constant 0 : i32
    %dma_wait3A_1531 = arith.constant 0 : i32
    %dma_wait3A_1532 = tpu.memref_slice %arg3[%dma_wait3A_1524, %dma_wait3A_1530, %dma_wait3A_1531] : memref<12x128x1024xf32, #tpu.memory_space<vmem_shared>> -> memref<1x128x1024xf32, #tpu.memory_space<vmem_shared>>
    %dma_wait3A_1533 = tpu.memref_squeeze %dma_wait3A_1532 : memref<1x128x1024xf32, #tpu.memory_space<vmem_shared>> -> memref<128x1024xf32, #tpu.memory_space<vmem_shared>>
    tpu.wait_dma2 semaphore(%dma_wait3A_1527 : memref<!tpu.dma_semaphore, #tpu.memory_space<semaphore_mem>>) src(%dma_wait3A_1533 : memref<128x1024xf32, #tpu.memory_space<vmem_shared>>) dst(%dma_wait3A_1529 : memref<128x1024xf32, #tpu.memory_space<hbm>>)
    return
  }
}

</mosaic_0001>

<sc_bundles>
// kernel: kernel.3.cloned.1.call-start
scs
__scs_entry_jumppad:
0x0: {  	(pc) =	sbr.rel $0x88, $3  }
0x1: {  	(tag) =	ssettag $0x0;
	lr =	simm.s32 $0x1  }
0x2: {  	[smem:$0x3FA0] =	sst lr;
	_ =	strace $0xD0000000  }
0x3: {  	_ = 	snop  }
0x4: {  	_ = 	snop  }
0x5: {  	_ = 	snop  }
0x6: {  	_ = 	snop  }
0x7: {  	_ = 	snop  }
__scs_overlays_trampoline_lowered:
0x8: {  	[smem:$0x3FAF] =	sst s0  }
0x9: {  	[smem:$0x3FB0] =	sst s1  }
0xa: {  	[smem:$0x3FB1] =	sst s2  }
0xb: {  	[smem:$0x3FB2] =	sst s3  }
0xc: {  	[smem:$0x3FB3] =	sst s4  }
0xd: {  	[smem:$0x3FB4] =	sst s5  }
0xe: {  	[smem:$0x3FB5] =	sst s6  }
0xf: {  	[smem:$0x3FB6] =	sst s7  }
0x10: {  	[smem:$0x3FB7] =	sst s8  }
0x11: {  	[smem:$0x3FB8] =	sst s9;
	s0 =	simm.s32 @!p0 $0x0  }
0x12: {  	s1 =	sld [smem:$0x3F9E];
	s0 =	simm.s32 @p0 $0x1  }
0x13: {  	[smem:$0x3FB9] =	sst s0;
	s0 =	simm.s32 @!p1 $0x0  }
0x14: {  	s2 =	sld [smem:$0x3F9D];
	s0 =	simm.s32 @p1 $0x1  }
0x15: {  	[smem:$0x3FBA] =	sst s0;
	s0 =	simm.s32 @!p2 $0x0  }
0x16: {  	s3 =	sld [smem:$0x3FDB];
	s0 =	simm.s32 @p2 $0x1  }
0x17: {  	s4 =	simm.s32 $0x1BF5;
	[smem:$0x3FBC] =	sst s0  }
0x18: {  	s0 =	sld [smem:$0x3F9F];
	_ =	swait.ge [sflag:s4], $0x0  }
0x19: {  	s7 =	sld [smem:$0x3FA0]  }
0x1a: {  	s8 =	sadd.s32 $0xFFFFE003, lr  }
0x1b: {  	s9 =	sadd.s32 $0xFFFFFEF7, lr;
	s5 =	simm.s32 $0xFFFFFFFF;
	p2 =	slt.u32 s8, $0xFFFFF086  }
0x1c: {  	p1 =	slt.u32 s9, $0xF7A;
	s5 =	simm.s32 @!p2 $0x0  }
0x1d: {  	s5 =	simm.s32 @p1 $0x1;
	p0 =	seq.s32 s7, s2  }
0x1e: {  	s7 =	smul.u32 @!p0 $0xF7A, s2;
	p2 =	seq.s32 @!p0 s5, $0x0  }
0x1f: {  	s9 =	smul.u32 $0xF7A, s1;
	s8 =	simm.s32 @!p0 $0x1BF5;
	p2 =	por !p2, p0  }
0x20: {  	[sflag:s8] =	ssyncset.s32 @!p0 $0xFFFFF086;
	s6 =	sadd.s32 @!p0 s3, s7;
	s7 =	simm.s32 @!p0 $0x108  }
0x21: {  	s3 =	sadd.s32 s3, s9;
	s6 =	sadd.s32 @!p0 $0x88, s6;
	s7 =	simm.s32 @p2 $0x1082  }
0x22: {  	[simem:s7], [sflag:s8] =	dma.local @!p0 [hbm:s6], $0xF7A  }
0x23: {  	s9 =	sor.u32 $0xD0000000, s2;
	s6 =	simm.s32 $0x108;
	_ =	swait.ge @!p0 [sflag:s8], $0x0  }
0x24: {  	s3 =	sadd.s32 $0x88, s3;
	s6 =	simm.s32 @!p1 $0x1082;
	[sflag:s4] =	ssyncset.s32 $0xFFFFF086  }
0x25: {  	[simem:s6], [sflag:s4] =	dma.local [hbm:s3], $0xF7A  }
0x26: {  	[smem:$0x3FA0] =	sst s1;
	(tag) =	ssettag s2;
	_ =	strace s9  }
0x27: {  	s1 =	sld [smem:$0x3FB0]  }
0x28: {  	s2 =	sld [smem:$0x3FB1]  }
0x29: {  	s4 =	sld [smem:$0x3FB3]  }
0x2a: {  	p0 =	seq.s32 s5, $0x0;
	s5 =	sld [smem:$0x3FB4]  }
0x2b: {  	s6 =	sld [smem:$0x3FB5]  }
0x2c: {  	s7 =	sld [smem:$0x3FB6]  }
0x2d: {  	s3 =	simm.s32 $0x108;
	s8 =	sld [smem:$0x3FB7]  }
0x2e: {  	s3 =	simm.s32 @!p0 $0x1082;
	s9 =	sld [smem:$0x3FB8]  }
0x2f: {  	lr =	sadd.s32 s0, s3;
	s0 =	sld [smem:$0x3FAF]  }
0x30: {  	s3 =	sld [smem:$0x3FB2]  }
0x31: {  	[smem:$0x3FBB] =	sst s10  }
0x32: {  	s10 =	sld [smem:$0x3FB9];
	_ =	sdelay $0x3  }
0x33: {  	p0 =	seq.s32 s10, $0x1;
	s10 =	sld [smem:$0x3FBB];
	_ =	sdelay $0x3  }
0x34: {  	[smem:$0x3FBB] =	sst s10  }
0x35: {  	s10 =	sld [smem:$0x3FBA];
	_ =	sdelay $0x3  }
0x36: {  	p1 =	seq.s32 s10, $0x1;
	s10 =	sld [smem:$0x3FBB];
	_ =	sdelay $0x3  }
0x37: {  	[smem:$0x3FBB] =	sst s10  }
0x38: {  	s10 =	sld [smem:$0x3FBC]  }
0x39: {  	_ = 	snop;
	(pc) =	sbr.ind lr, $3  }
0x3a: {  	_ = 	snop  }
0x3b: {  	_ = 	snop  }
0x3c: {  	p2 =	seq.s32 s10, $0x1;
	s10 =	sld [smem:$0x3FBB]  }
0x3d: {  	_ =	shalt  }
0x3e: {  	_ =	shalt  }
0x3f: {  	_ =	shalt  }
0x40: {  	_ =	shalt  }
0x41: {  	_ =	shalt  }
0x42: {  	_ =	shalt  }
0x43: {  	_ =	shalt  }
0x44: {  	_ =	shalt  }
0x45: {  	_ =	shalt  }
0x46: {  	_ =	shalt  }
0x47: {  	_ =	shalt  }
0x48: {  	_ =	shalt  }
0x49: {  	_ =	shalt  }
0x4a: {  	_ =	shalt  }
0x4b: {  	_ =	shalt  }
0x4c: {  	_ =	shalt  }
0x4d: {  	_ =	shalt  }
0x4e: {  	_ =	shalt  }
0x4f: {  	_ =	shalt  }
0x50: {  	_ =	shalt  }
0x51: {  	_ =	shalt  }
0x52: {  	_ =	shalt  }
0x53: {  	_ =	shalt  }
0x54: {  	_ =	shalt  }
0x55: {  	_ =	shalt  }
0x56: {  	_ =	shalt  }
0x57: {  	_ =	shalt  }
0x58: {  	_ =	shalt  }
0x59: {  	_ =	shalt  }
0x5a: {  	_ =	shalt  }
0x5b: {  	_ =	shalt  }
0x5c: {  	_ =	shalt  }
0x5d: {  	_ =	shalt  }
0x5e: {  	_ =	shalt  }
0x5f: {  	_ =	shalt  }
0x60: {  	_ =	shalt  }
0x61: {  	_ =	shalt  }
0x62: {  	_ =	shalt  }
0x63: {  	_ =	shalt  }
0x64: {  	_ =	shalt  }
0x65: {  	_ =	shalt  }
0x66: {  	_ =	shalt  }
0x67: {  	_ =	shalt  }
0x68: {  	_ =	shalt  }
0x69: {  	_ =	shalt  }
0x6a: {  	_ =	shalt  }
0x6b: {  	_ =	shalt  }
0x6c: {  	_ =	shalt  }
0x6d: {  	_ =	shalt  }
0x6e: {  	_ =	shalt  }
0x6f: {  	_ =	shalt  }
0x70: {  	_ =	shalt  }
0x71: {  	_ =	shalt  }
0x72: {  	_ =	shalt  }
0x73: {  	_ =	shalt  }
0x74: {  	_ =	shalt  }
0x75: {  	_ =	shalt  }
0x76: {  	_ =	shalt  }
0x77: {  	_ =	shalt  }
0x78: {  	_ =	shalt  }
0x79: {  	_ =	shalt  }
0x7a: {  	_ =	shalt  }
0x7b: {  	_ =	shalt  }
0x7c: {  	_ =	shalt  }
0x7d: {  	_ =	shalt  }
0x7e: {  	_ =	shalt  }
0x7f: {  	_ =	shalt  }
0x80: {  	_ =	shalt  }
0x81: {  	_ =	shalt  }
0x82: {  	_ =	shalt  }
0x83: {  	_ =	shalt  }
0x84: {  	_ =	shalt  }
0x85: {  	_ =	shalt  }
0x86: {  	_ =	shalt  }
0x87: {  	_ =	shalt  }
.Lfunc_end0:
.L_simem_size_0:
called_computation_lowered:
.L_overlay_start_0:
0x88: {  	s0 =	sld [smem:$0x3FD9]  }
0x89: {  	s1 =	sld [smem:$0x3FFE];
	_ =	sdelay $0x1  }
0x8a: {  	s2 =	srdreg.scid  }
0x8b: {  	s3 =	sand.u32 $0x1, s2  }
0x8c: {  	s23 =	sshll.u32 s3, $0xA;
	s0 =	sadd.s32 s1, s0  }
0x8d: {  	[dreg:$0x0] =	wrdreg s3;
	s0 =	sadd.s32 s0, s23  }
0x8e: {  	s24 =	simm.s32 $0x0;
	[smem:$0x3FC7] =	sst s0  }
0x8f: {  	[smem:$0xF] =	sst s24  }
0x90: {  	s4 =	sld [smem:$0x3FC9]  }
0x91: {  	s2 =	sld [smem:$0x3FD0];
	(tm) =	ssettm $0x1  }
0x92: {  	s25 =	sld [smem:$0x3FFB];
	_ =	sdelay $0x3  }
0x93: {  	_ =	strace s25  }
0x94: {  	s0 =	sld [smem:$0x3FFC];
	_ =	sdelay $0x3  }
0x95: {  	s16 =	simm.s32 $0x0;
	_ =	strace s0  }
0x96: {  	s26 =	simm.s32 $0x1B8B;
	s28 =	simm.s32 $0x1B8E;
	s0 =	sld [smem:$0x3FFD]  }
0x97: {  	s15 =	simm.s32 $0xA;
	s31 =	simm.s32 $0x4000;
	s20 =	simm.s32 $0xB  }
0x98: {  	s6 =	simm.s32 $0xC000;
	s19 =	simm.s32 $0xD;
	s8 =	simm.s32 $0x10000  }
0x99: {  	s14 =	simm.s32 $0xE;
	s17 =	simm.s32 $0x14000;
	s21 =	simm.s32 $0x18000  }
0x9a: {  	s22 =	sshll.u32 s3, $0x13;
	s3 =	simm.s32 $0x8000;
	_ =	strace s0  }
0x9b: {  	s12 =	sor.u32 $0x4000, s22;
	s11 =	sor.u32 $0x8000, s22;
	_ =	strace $0x8FFFFFFF  }
0x9c: {  	s10 =	sor.u32 $0xC000, s22;
	s9 =	sor.u32 $0x10000, s22;
	_ =	swait.ge [sflag:s26], $0x1  }
0x9d: {  	s24 =	simm.s32 $0x9;
	s29 =	sadd.s32 s22, s4;
	[sflag:s26] =	ssyncset.done $0x0  }
0x9e: {  	s30 =	sadd.s32 s12, s4;
	s1 =	sadd.s32 s11, s4;
	[sflag:s26] =	ssyncadd.s32 $0xFFFFFFFF  }
0x9f: {  	s5 =	sadd.s32 s10, s4;
	s7 =	sadd.s32 s9, s4;
	[smem:$0x3FD2] =	sst s28  }
0xa0: {  	s0 =	sor.u32 $0x1C000, s22;
	s26 =	simm.s32 $0xC;
	_ =	strace $0x80000046  }
0xa1: {  	[spmem:s16], [sflag:s24] =	dma.local [hbm:s29], $0x4000  }
0xa2: {  	[spmem:s31], [sflag:s15] =	dma.local [hbm:s30], $0x4000  }
0xa3: {  	s29 =	simm.s32 $0xF;
	s30 =	sadd.s32 s0, s4;
	s31 =	simm.s32 $0x1C000  }
0xa4: {  	[spmem:s3], [sflag:s20] =	dma.local [hbm:s1], $0x4000  }
0xa5: {  	[spmem:s6], [sflag:s26] =	dma.local [hbm:s5], $0x4000  }
0xa6: {  	[spmem:s8], [sflag:s19] =	dma.local [hbm:s7], $0x4000  }
0xa7: {  	s6 =	sor.u32 $0x20000, s22;
	s8 =	sor.u32 $0x14000, s22;
	s7 =	sor.u32 $0x18000, s22  }
0xa8: {  	s5 =	simm.s32 $0x11;
	s13 =	sadd.s32 s8, s4;
	s18 =	sadd.s32 s7, s4  }
0xa9: {  	[spmem:s17], [sflag:s14] =	dma.local [hbm:s13], $0x4000  }
0xaa: {  	[spmem:s21], [sflag:s29] =	dma.local [hbm:s18], $0x4000  }
0xab: {  	s3 =	sadd.s32 s6, s4;
	s13 =	simm.s32 $0x20000;
	s21 =	simm.s32 $0x10  }
0xac: {  	[spmem:s31], [sflag:s21] =	dma.local [hbm:s30], $0x4000  }
0xad: {  	[spmem:s13], [sflag:s5] =	dma.local [hbm:s3], $0x4000  }
0xae: {  	s18 =	simm.s32 $0x24000;
	s5 =	sor.u32 $0x24000, s22  }
0xaf: {  	s13 =	simm.s32 $0x12;
	s3 =	sor.u32 $0x28000, s22;
	s17 =	sadd.s32 s5, s4  }
0xb0: {  	[spmem:s18], [sflag:s13] =	dma.local [hbm:s17], $0x4000  }
0xb1: {  	s31 =	simm.s32 $0x28000;
	s30 =	sadd.s32 s3, s4;
	s17 =	simm.s32 $0x13  }
0xb2: {  	[spmem:s31], [sflag:s17] =	dma.local [hbm:s30], $0x4000  }
0xb3: {  	_ =	swait.ge [sflag:s24], $0x4000  }
0xb4: {  	[sflag:s24] =	ssyncset.done $0x0  }
0xb5: {  	s18 =	sadd.s32 s22, s2;
	s30 =	simm.s32 $0x15;
	[sflag:s24] =	ssyncadd.s32 $0xFFFFC000  }
0xb6: {  	[hbm:s18], [sflag:s30] =	dma.local [spmem:s16], $0x4000  }
0xb7: {  	s18 =	sor.u32 $0x2C000, s22  }
0xb8: {  	s1 =	simm.s32 $0x14;
	s30 =	simm.s32 $0x2C000;
	s31 =	sadd.s32 s18, s4  }
0xb9: {  	[spmem:s30], [sflag:s1] =	dma.local [hbm:s31], $0x4000  }
0xba: {  	_ =	swait.ge [sflag:s15], $0x4000  }
0xbb: {  	[sflag:s15] =	ssyncset.done $0x0  }
0xbc: {  	s12 =	sadd.s32 s12, s2;
	[sflag:s15] =	ssyncadd.s32 $0xFFFFC000  }
0xbd: {  	s25 =	simm.s32 $0x4000;
	s30 =	simm.s32 $0x16;
	s31 =	simm.s32 $0x15  }
0xbe: {  	[hbm:s12], [sflag:s30] =	dma.local [spmem:s25], $0x4000  }
0xbf: {  	_ =	swait.ge [sflag:s31], $0x4000  }
0xc0: {  	[sflag:s31] =	ssyncset.done $0x0  }
0xc1: {  	s17 =	sor.u32 $0x30000, s22;
	[sflag:s31] =	ssyncadd.s32 $0xFFFFC000  }
0xc2: {  	s1 =	sadd.s32 s17, s4  }
0xc3: {  	[spmem:s16], [sflag:s24] =	dma.local [hbm:s1], $0x4000  }
0xc4: {  	_ =	swait.ge [sflag:s20], $0x4000  }
0xc5: {  	[sflag:s20] =	ssyncset.done $0x0  }
0xc6: {  	[sflag:s20] =	ssyncadd.s32 $0xFFFFC000  }
0xc7: {  	s11 =	sadd.s32 s11, s2;
	s28 =	simm.s32 $0x8000;
	s31 =	simm.s32 $0x17  }
0xc8: {  	[hbm:s11], [sflag:s31] =	dma.local [spmem:s28], $0x4000  }
0xc9: {  	_ =	swait.ge [sflag:s30], $0x4000  }
0xca: {  	[sflag:s30] =	ssyncset.done $0x0  }
0xcb: {  	s16 =	sor.u32 $0x34000, s22;
	[sflag:s30] =	ssyncadd.s32 $0xFFFFC000  }
0xcc: {  	s12 =	sadd.s32 s16, s4  }
0xcd: {  	[spmem:s25], [sflag:s15] =	dma.local [hbm:s12], $0x4000  }
0xce: {  	_ =	swait.ge [sflag:s26], $0x4000  }
0xcf: {  	[sflag:s26] =	ssyncset.done $0x0  }
0xd0: {  	[sflag:s26] =	ssyncadd.s32 $0xFFFFC000  }
0xd1: {  	s23 =	simm.s32 $0xC000;
	s10 =	sadd.s32 s10, s2;
	s24 =	simm.s32 $0x18  }
0xd2: {  	[hbm:s10], [sflag:s24] =	dma.local [spmem:s23], $0x4000  }
0xd3: {  	_ =	swait.ge [sflag:s31], $0x4000  }
0xd4: {  	[sflag:s31] =	ssyncset.done $0x0  }
0xd5: {  	s15 =	sor.u32 $0x38000, s22;
	[sflag:s31] =	ssyncadd.s32 $0xFFFFC000  }
0xd6: {  	s13 =	sadd.s32 s15, s4  }
0xd7: {  	[spmem:s28], [sflag:s20] =	dma.local [hbm:s13], $0x4000  }
0xd8: {  	_ =	swait.ge [sflag:s19], $0x4000  }
0xd9: {  	[sflag:s19] =	ssyncset.done $0x0  }
0xda: {  	[sflag:s19] =	ssyncadd.s32 $0xFFFFC000  }
0xdb: {  	s9 =	sadd.s32 s9, s2;
	s25 =	simm.s32 $0x19;
	s20 =	simm.s32 $0x10000  }
0xdc: {  	[hbm:s9], [sflag:s25] =	dma.local [spmem:s20], $0x4000  }
0xdd: {  	_ =	swait.ge [sflag:s24], $0x4000  }
0xde: {  	[sflag:s24] =	ssyncset.done $0x0  }
0xdf: {  	s13 =	sor.u32 $0x3C000, s22;
	[sflag:s24] =	ssyncadd.s32 $0xFFFFC000  }
0xe0: {  	s28 =	sadd.s32 s13, s4  }
0xe1: {  	[spmem:s23], [sflag:s26] =	dma.local [hbm:s28], $0x4000  }
0xe2: {  	_ =	swait.ge [sflag:s14], $0x4000  }
0xe3: {  	[sflag:s14] =	ssyncset.done $0x0  }
0xe4: {  	[sflag:s14] =	ssyncadd.s32 $0xFFFFC000  }
0xe5: {  	s8 =	sadd.s32 s8, s2;
	s10 =	simm.s32 $0x14000;
	s26 =	simm.s32 $0x1A  }
0xe6: {  	[hbm:s8], [sflag:s26] =	dma.local [spmem:s10], $0x4000  }
0xe7: {  	_ =	swait.ge [sflag:s25], $0x4000  }
0xe8: {  	[sflag:s25] =	ssyncset.done $0x0  }
0xe9: {  	s12 =	sor.u32 $0x40000, s22;
	[sflag:s25] =	ssyncadd.s32 $0xFFFFC000  }
0xea: {  	s11 =	sadd.s32 s12, s4  }
0xeb: {  	[spmem:s20], [sflag:s19] =	dma.local [hbm:s11], $0x4000  }
0xec: {  	_ =	swait.ge [sflag:s29], $0x4000  }
0xed: {  	[sflag:s29] =	ssyncset.done $0x0  }
0xee: {  	[sflag:s29] =	ssyncadd.s32 $0xFFFFC000  }
0xef: {  	s7 =	sadd.s32 s7, s2;
	s28 =	simm.s32 $0x1B;
	s20 =	simm.s32 $0x18000  }
0xf0: {  	[hbm:s7], [sflag:s28] =	dma.local [spmem:s20], $0x4000  }
0xf1: {  	_ =	swait.ge [sflag:s26], $0x4000  }
0xf2: {  	[sflag:s26] =	ssyncset.done $0x0  }
0xf3: {  	s11 =	sor.u32 $0x44000, s22;
	[sflag:s26] =	ssyncadd.s32 $0xFFFFC000  }
0xf4: {  	s23 =	sadd.s32 s11, s4  }
0xf5: {  	[spmem:s10], [sflag:s14] =	dma.local [hbm:s23], $0x4000  }
0xf6: {  	_ =	swait.ge [sflag:s21], $0x4000  }
0xf7: {  	[sflag:s21] =	ssyncset.done $0x0  }
0xf8: {  	[sflag:s21] =	ssyncadd.s32 $0xFFFFC000  }
0xf9: {  	s0 =	sadd.s32 s0, s2;
	s8 =	simm.s32 $0x1C000;
	s14 =	simm.s32 $0x1C  }
0xfa: {  	[hbm:s0], [sflag:s14] =	dma.local [spmem:s8], $0x4000  }
0xfb: {  	_ =	swait.ge [sflag:s28], $0x4000  }
0xfc: {  	[sflag:s28] =	ssyncset.done $0x0  }
0xfd: {  	s10 =	sor.u32 $0x48000, s22;
	[sflag:s28] =	ssyncadd.s32 $0xFFFFC000  }
0xfe: {  	s19 =	simm.s32 $0x11;
	s9 =	sadd.s32 s10, s4  }
0xff: {  	[spmem:s20], [sflag:s29] =	dma.local [hbm:s9], $0x4000  }
0x100: {  	_ =	swait.ge [sflag:s19], $0x4000  }
0x101: {  	[sflag:s19] =	ssyncset.done $0x0  }
0x102: {  	[sflag:s19] =	ssyncadd.s32 $0xFFFFC000  }
0x103: {  	s6 =	sadd.s32 s6, s2;
	s7 =	simm.s32 $0x20000;
	s20 =	simm.s32 $0x1D  }
0x104: {  	[hbm:s6], [sflag:s20] =	dma.local [spmem:s7], $0x4000  }
0x105: {  	_ =	swait.ge [sflag:s14], $0x4000  }
0x106: {  	[sflag:s14] =	ssyncset.done $0x0  }
0x107: {  	s9 =	sor.u32 $0x4C000, s22;
	[sflag:s14] =	ssyncadd.s32 $0xFFFFC000  }
0x108: {  	s29 =	simm.s32 $0x12;
	s23 =	sadd.s32 s9, s4  }
0x109: {  	[spmem:s8], [sflag:s21] =	dma.local [hbm:s23], $0x4000  }
0x10a: {  	_ =	swait.ge [sflag:s29], $0x4000  }
0x10b: {  	[sflag:s29] =	ssyncset.done $0x0  }
0x10c: {  	s5 =	sadd.s32 s5, s2;
	[sflag:s29] =	ssyncadd.s32 $0xFFFFC000  }
0x10d: {  	s20 =	simm.s32 $0x24000;
	s23 =	simm.s32 $0x1D;
	s29 =	simm.s32 $0x1E  }
0x10e: {  	[hbm:s5], [sflag:s29] =	dma.local [spmem:s20], $0x4000  }
0x10f: {  	_ =	swait.ge [sflag:s23], $0x4000  }
0x110: {  	[sflag:s23] =	ssyncset.done $0x0  }
0x111: {  	s8 =	sor.u32 $0x50000, s22;
	[sflag:s23] =	ssyncadd.s32 $0xFFFFC000  }
0x112: {  	s19 =	simm.s32 $0x11;
	s0 =	sadd.s32 s8, s4;
	s5 =	simm.s32 $0x13  }
0x113: {  	[spmem:s7], [sflag:s19] =	dma.local [hbm:s0], $0x4000  }
0x114: {  	_ =	swait.ge [sflag:s5], $0x4000  }
0x115: {  	[sflag:s5] =	ssyncset.done $0x0  }
0x116: {  	[sflag:s5] =	ssyncadd.s32 $0xFFFFC000  }
0x117: {  	s3 =	sadd.s32 s3, s2;
	s21 =	simm.s32 $0x1F;
	s0 =	simm.s32 $0x28000  }
0x118: {  	[hbm:s3], [sflag:s21] =	dma.local [spmem:s0], $0x4000  }
0x119: {  	_ =	swait.ge [sflag:s29], $0x4000  }
0x11a: {  	[sflag:s29] =	ssyncset.done $0x0  }
0x11b: {  	s23 =	sor.u32 $0x54000, s22;
	[sflag:s29] =	ssyncadd.s32 $0xFFFFC000  }
0x11c: {  	s1 =	simm.s32 $0x12;
	s7 =	sadd.s32 s23, s4;
	s19 =	simm.s32 $0x14  }
0x11d: {  	[spmem:s20], [sflag:s1] =	dma.local [hbm:s7], $0x4000  }
0x11e: {  	_ =	swait.ge [sflag:s19], $0x4000  }
0x11f: {  	[sflag:s19] =	ssyncset.done $0x0  }
0x120: {  	[sflag:s19] =	ssyncadd.s32 $0xFFFFC000  }
0x121: {  	s20 =	sadd.s32 s18, s2;
	s7 =	simm.s32 $0x20;
	s1 =	simm.s32 $0x2C000  }
0x122: {  	[hbm:s20], [sflag:s7] =	dma.local [spmem:s1], $0x4000  }
0x123: {  	_ =	swait.ge [sflag:s21], $0x4000  }
0x124: {  	s19 =	sor.u32 $0x58000, s22;
	[sflag:s21] =	ssyncset.done $0x0  }
0x125: {  	s5 =	simm.s32 $0x13;
	s3 =	sadd.s32 s19, s4;
	[sflag:s21] =	ssyncadd.s32 $0xFFFFC000  }
0x126: {  	[spmem:s0], [sflag:s5] =	dma.local [hbm:s3], $0x4000  }
0x127: {  	s5 =	simm.s32 $0x9  }
0x128: {  	_ =	swait.ge [sflag:s5], $0x4000  }
0x129: {  	[sflag:s5] =	ssyncset.done $0x0  }
0x12a: {  	[sflag:s5] =	ssyncadd.s32 $0xFFFFC000  }
0x12b: {  	s17 =	sadd.s32 s17, s2;
	s18 =	simm.s32 $0x15;
	s0 =	simm.s32 $0x0  }
0x12c: {  	[hbm:s17], [sflag:s18] =	dma.local [spmem:s0], $0x4000  }
0x12d: {  	_ =	swait.ge [sflag:s7], $0x4000  }
0x12e: {  	s17 =	sor.u32 $0x5C000, s22;
	[sflag:s7] =	ssyncset.done $0x0  }
0x12f: {  	s6 =	simm.s32 $0x14;
	s5 =	sadd.s32 s17, s4;
	[sflag:s7] =	ssyncadd.s32 $0xFFFFC000  }
0x130: {  	[spmem:s1], [sflag:s6] =	dma.local [hbm:s5], $0x4000  }
0x131: {  	s6 =	simm.s32 $0xA  }
0x132: {  	_ =	swait.ge [sflag:s6], $0x4000  }
0x133: {  	[sflag:s6] =	ssyncset.done $0x0  }
0x134: {  	s16 =	sadd.s32 s16, s2;
	s1 =	simm.s32 $0x4000;
	[sflag:s6] =	ssyncadd.s32 $0xFFFFC000  }
0x135: {  	[hbm:s16], [sflag:s30] =	dma.local [spmem:s1], $0x4000  }
0x136: {  	s30 =	simm.s32 $0x15  }
0x137: {  	_ =	swait.ge [sflag:s30], $0x4000  }
0x138: {  	[sflag:s30] =	ssyncset.done $0x0  }
0x139: {  	s16 =	sor.u32 $0x60000, s22;
	[sflag:s30] =	ssyncadd.s32 $0xFFFFC000  }
0x13a: {  	s20 =	simm.s32 $0x9;
	s6 =	sadd.s32 s16, s4;
	s30 =	simm.s32 $0xB  }
0x13b: {  	[spmem:s0], [sflag:s20] =	dma.local [hbm:s6], $0x4000  }
0x13c: {  	_ =	swait.ge [sflag:s30], $0x4000  }
0x13d: {  	[sflag:s30] =	ssyncset.done $0x0  }
0x13e: {  	[sflag:s30] =	ssyncadd.s32 $0xFFFFC000  }
0x13f: {  	s15 =	sadd.s32 s15, s2;
	s20 =	simm.s32 $0x8000;
	s30 =	simm.s32 $0x16  }
0x140: {  	[hbm:s15], [sflag:s31] =	dma.local [spmem:s20], $0x4000  }
0x141: {  	_ =	swait.ge [sflag:s30], $0x4000  }
0x142: {  	s15 =	sor.u32 $0x64000, s22;
	[sflag:s30] =	ssyncset.done $0x0  }
0x143: {  	s3 =	simm.s32 $0xA;
	s0 =	sadd.s32 s15, s4;
	[sflag:s30] =	ssyncadd.s32 $0xFFFFC000  }
0x144: {  	[spmem:s1], [sflag:s3] =	dma.local [hbm:s0], $0x4000  }
0x145: {  	s1 =	simm.s32 $0xC  }
0x146: {  	_ =	swait.ge [sflag:s1], $0x4000  }
0x147: {  	[sflag:s1] =	ssyncset.done $0x0  }
0x148: {  	[sflag:s1] =	ssyncadd.s32 $0xFFFFC000  }
0x149: {  	s13 =	sadd.s32 s13, s2;
	s1 =	simm.s32 $0xC000  }
0x14a: {  	[hbm:s13], [sflag:s24] =	dma.local [spmem:s1], $0x4000  }
0x14b: {  	_ =	swait.ge [sflag:s31], $0x4000  }
0x14c: {  	s13 =	sor.u32 $0x68000, s22;
	[sflag:s31] =	ssyncset.done $0x0  }
0x14d: {  	s5 =	simm.s32 $0xB;
	s3 =	sadd.s32 s13, s4;
	[sflag:s31] =	ssyncadd.s32 $0xFFFFC000  }
0x14e: {  	[spmem:s20], [sflag:s5] =	dma.local [hbm:s3], $0x4000  }
0x14f: {  	s20 =	simm.s32 $0xD  }
0x150: {  	_ =	swait.ge [sflag:s20], $0x4000  }
0x151: {  	[sflag:s20] =	ssyncset.done $0x0  }
0x152: {  	[sflag:s20] =	ssyncadd.s32 $0xFFFFC000  }
0x153: {  	s12 =	sadd.s32 s12, s2;
	s3 =	simm.s32 $0x10000  }
0x154: {  	[hbm:s12], [sflag:s25] =	dma.local [spmem:s3], $0x4000  }
0x155: {  	_ =	swait.ge [sflag:s24], $0x4000  }
0x156: {  	s12 =	sor.u32 $0x6C000, s22;
	[sflag:s24] =	ssyncset.done $0x0  }
0x157: {  	s30 =	simm.s32 $0xC;
	s0 =	sadd.s32 s12, s4;
	[sflag:s24] =	ssyncadd.s32 $0xFFFFC000  }
0x158: {  	[spmem:s1], [sflag:s30] =	dma.local [hbm:s0], $0x4000  }
0x159: {  	s1 =	simm.s32 $0xE  }
0x15a: {  	_ =	swait.ge [sflag:s1], $0x4000  }
0x15b: {  	[sflag:s1] =	ssyncset.done $0x0  }
0x15c: {  	[sflag:s1] =	ssyncadd.s32 $0xFFFFC000  }
0x15d: {  	s11 =	sadd.s32 s11, s2;
	s1 =	simm.s32 $0x14000  }
0x15e: {  	[hbm:s11], [sflag:s26] =	dma.local [spmem:s1], $0x4000  }
0x15f: {  	_ =	swait.ge [sflag:s25], $0x4000  }
0x160: {  	[sflag:s25] =	ssyncset.done $0x0  }
0x161: {  	s11 =	sor.u32 $0x70000, s22;
	[sflag:s25] =	ssyncadd.s32 $0xFFFFC000  }
0x162: {  	s18 =	simm.s32 $0xF;
	s20 =	simm.s32 $0xD;
	s5 =	sadd.s32 s11, s4  }
0x163: {  	[spmem:s3], [sflag:s20] =	dma.local [hbm:s5], $0x4000  }
0x164: {  	_ =	swait.ge [sflag:s18], $0x4000  }
0x165: {  	[sflag:s18] =	ssyncset.done $0x0  }
0x166: {  	[sflag:s18] =	ssyncadd.s32 $0xFFFFC000  }
0x167: {  	s10 =	sadd.s32 s10, s2;
	s3 =	simm.s32 $0x18000  }
0x168: {  	[hbm:s10], [sflag:s28] =	dma.local [spmem:s3], $0x4000  }
0x169: {  	_ =	swait.ge [sflag:s26], $0x4000  }
0x16a: {  	s10 =	sor.u32 $0x74000, s22;
	[sflag:s26] =	ssyncset.done $0x0  }
0x16b: {  	s6 =	simm.s32 $0xE;
	s0 =	sadd.s32 s10, s4;
	[sflag:s26] =	ssyncadd.s32 $0xFFFFC000  }
0x16c: {  	[spmem:s1], [sflag:s6] =	dma.local [hbm:s0], $0x4000  }
0x16d: {  	s1 =	simm.s32 $0x10  }
0x16e: {  	_ =	swait.ge [sflag:s1], $0x4000  }
0x16f: {  	[sflag:s1] =	ssyncset.done $0x0  }
0x170: {  	[sflag:s1] =	ssyncadd.s32 $0xFFFFC000  }
0x171: {  	s9 =	sadd.s32 s9, s2;
	s1 =	simm.s32 $0x1C000  }
0x172: {  	[hbm:s9], [sflag:s14] =	dma.local [spmem:s1], $0x4000  }
0x173: {  	_ =	swait.ge [sflag:s28], $0x4000  }
0x174: {  	s9 =	sor.u32 $0x78000, s22;
	[sflag:s28] =	ssyncset.done $0x0  }
0x175: {  	s5 =	simm.s32 $0xF;
	s18 =	sadd.s32 s9, s4;
	[sflag:s28] =	ssyncadd.s32 $0xFFFFC000  }
0x176: {  	[spmem:s3], [sflag:s5] =	dma.local [hbm:s18], $0x4000  }
0x177: {  	s18 =	simm.s32 $0x11  }
0x178: {  	_ =	swait.ge [sflag:s18], $0x4000  }
0x179: {  	[sflag:s18] =	ssyncset.done $0x0  }
0x17a: {  	[sflag:s18] =	ssyncadd.s32 $0xFFFFC000  }
0x17b: {  	s8 =	sadd.s32 s8, s2;
	s3 =	simm.s32 $0x1D;
	s18 =	simm.s32 $0x20000  }
0x17c: {  	[hbm:s8], [sflag:s3] =	dma.local [spmem:s18], $0x4000  }
0x17d: {  	_ =	swait.ge [sflag:s14], $0x4000  }
0x17e: {  	[sflag:s14] =	ssyncset.done $0x0  }
0x17f: {  	s8 =	sor.u32 $0x7C000, s22;
	[sflag:s14] =	ssyncadd.s32 $0xFFFFC000  }
0x180: {  	s0 =	simm.s32 $0x10;
	s18 =	simm.s32 $0x12;
	s4 =	sadd.s32 s8, s4  }
0x181: {  	[spmem:s1], [sflag:s0] =	dma.local [hbm:s4], $0x4000  }
0x182: {  	_ =	swait.ge [sflag:s18], $0x4000  }
0x183: {  	[sflag:s18] =	ssyncset.done $0x0  }
0x184: {  	[sflag:s18] =	ssyncadd.s32 $0xFFFFC000  }
0x185: {  	s22 =	sadd.s32 s23, s2;
	s23 =	simm.s32 $0x24000;
	s18 =	simm.s32 $0x13  }
0x186: {  	[hbm:s22], [sflag:s29] =	dma.local [spmem:s23], $0x4000  }
0x187: {  	_ =	swait.ge [sflag:s18], $0x4000  }
0x188: {  	[sflag:s18] =	ssyncset.done $0x0  }
0x189: {  	[sflag:s18] =	ssyncadd.s32 $0xFFFFC000  }
0x18a: {  	s19 =	sadd.s32 s19, s2;
	s22 =	simm.s32 $0x28000;
	s23 =	simm.s32 $0x14  }
0x18b: {  	[hbm:s19], [sflag:s21] =	dma.local [spmem:s22], $0x4000  }
0x18c: {  	_ =	swait.ge [sflag:s23], $0x4000  }
0x18d: {  	[sflag:s23] =	ssyncset.done $0x0  }
0x18e: {  	[sflag:s23] =	ssyncadd.s32 $0xFFFFC000  }
0x18f: {  	s4 =	sadd.s32 s17, s2;
	s17 =	simm.s32 $0x2C000;
	s18 =	simm.s32 $0x9  }
0x190: {  	[hbm:s4], [sflag:s7] =	dma.local [spmem:s17], $0x4000  }
0x191: {  	_ =	swait.ge [sflag:s18], $0x4000  }
0x192: {  	[sflag:s18] =	ssyncset.done $0x0  }
0x193: {  	s19 =	sadd.s32 s16, s2;
	[sflag:s18] =	ssyncadd.s32 $0xFFFFC000  }
0x194: {  	s22 =	simm.s32 $0x15;
	s23 =	simm.s32 $0x0;
	s4 =	simm.s32 $0xA  }
0x195: {  	[hbm:s19], [sflag:s22] =	dma.local [spmem:s23], $0x4000  }
0x196: {  	_ =	swait.ge [sflag:s4], $0x4000  }
0x197: {  	[sflag:s4] =	ssyncset.done $0x0  }
0x198: {  	s16 =	sadd.s32 s15, s2;
	[sflag:s4] =	ssyncadd.s32 $0xFFFFC000  }
0x199: {  	s17 =	simm.s32 $0x16;
	s18 =	simm.s32 $0x4000;
	s19 =	simm.s32 $0xB  }
0x19a: {  	[hbm:s16], [sflag:s17] =	dma.local [spmem:s18], $0x4000  }
0x19b: {  	_ =	swait.ge [sflag:s19], $0x4000  }
0x19c: {  	[sflag:s19] =	ssyncset.done $0x0  }
0x19d: {  	[sflag:s19] =	ssyncadd.s32 $0xFFFFC000  }
0x19e: {  	s22 =	sadd.s32 s13, s2;
	s23 =	simm.s32 $0x8000  }
0x19f: {  	[hbm:s22], [sflag:s31] =	dma.local [spmem:s23], $0x4000  }
0x1a0: {  	_ =	swait.ge [sflag:s30], $0x4000  }
0x1a1: {  	[sflag:s30] =	ssyncset.done $0x0  }
0x1a2: {  	[sflag:s30] =	ssyncadd.s32 $0xFFFFC000  }
0x1a3: {  	s4 =	sadd.s32 s12, s2;
	s12 =	simm.s32 $0xC000  }
0x1a4: {  	[hbm:s4], [sflag:s24] =	dma.local [spmem:s12], $0x4000  }
0x1a5: {  	_ =	swait.ge [sflag:s20], $0x4000  }
0x1a6: {  	[sflag:s20] =	ssyncset.done $0x0  }
0x1a7: {  	[sflag:s20] =	ssyncadd.s32 $0xFFFFC000  }
0x1a8: {  	s15 =	simm.s32 $0x10000;
	s13 =	sadd.s32 s11, s2  }
0x1a9: {  	[hbm:s13], [sflag:s25] =	dma.local [spmem:s15], $0x4000  }
0x1aa: {  	_ =	swait.ge [sflag:s6], $0x4000  }
0x1ab: {  	[sflag:s6] =	ssyncset.done $0x0  }
0x1ac: {  	[sflag:s6] =	ssyncadd.s32 $0xFFFFC000  }
0x1ad: {  	s16 =	sadd.s32 s10, s2;
	s17 =	simm.s32 $0x14000  }
0x1ae: {  	[hbm:s16], [sflag:s26] =	dma.local [spmem:s17], $0x4000  }
0x1af: {  	_ =	swait.ge [sflag:s5], $0x4000  }
0x1b0: {  	[sflag:s5] =	ssyncset.done $0x0  }
0x1b1: {  	[sflag:s5] =	ssyncadd.s32 $0xFFFFC000  }
0x1b2: {  	s18 =	sadd.s32 s9, s2;
	s19 =	simm.s32 $0x18000  }
0x1b3: {  	[hbm:s18], [sflag:s28] =	dma.local [spmem:s19], $0x4000  }
0x1b4: {  	_ =	swait.ge [sflag:s0], $0x4000  }
0x1b5: {  	[sflag:s0] =	ssyncset.done $0x0  }
0x1b6: {  	[sflag:s0] =	ssyncadd.s32 $0xFFFFC000  }
0x1b7: {  	s1 =	simm.s32 $0x1C000;
	s2 =	sadd.s32 s8, s2;
	s20 =	simm.s32 $0x1D  }
0x1b8: {  	[hbm:s2], [sflag:s14] =	dma.local [spmem:s1], $0x4000  }
0x1b9: {  	_ =	swait.ge [sflag:s20], $0x4000  }
0x1ba: {  	[sflag:s20] =	ssyncset.done $0x0  }
0x1bb: {  	[sflag:s20] =	ssyncadd.s32 $0xFFFFC000;
	_ =	sdelay $0x2  }
0x1bc: {  	_ =	swait.ge [sflag:s29], $0x4000  }
0x1bd: {  	[sflag:s29] =	ssyncset.done $0x0  }
0x1be: {  	[sflag:s29] =	ssyncadd.s32 $0xFFFFC000;
	_ =	sdelay $0x2  }
0x1bf: {  	_ =	swait.ge [sflag:s21], $0x4000  }
0x1c0: {  	[sflag:s21] =	ssyncset.done $0x0  }
0x1c1: {  	[sflag:s21] =	ssyncadd.s32 $0xFFFFC000;
	_ =	sdelay $0x2  }
0x1c2: {  	_ =	swait.ge [sflag:s7], $0x4000  }
0x1c3: {  	[sflag:s7] =	ssyncset.done $0x0  }
0x1c4: {  	[sflag:s7] =	ssyncadd.s32 $0xFFFFC000;
	_ =	sdelay $0x1  }
0x1c5: {  	s22 =	simm.s32 $0x15  }
0x1c6: {  	_ =	swait.ge [sflag:s22], $0x4000  }
0x1c7: {  	[sflag:s22] =	ssyncset.done $0x0  }
0x1c8: {  	[sflag:s22] =	ssyncadd.s32 $0xFFFFC000;
	_ =	sdelay $0x1  }
0x1c9: {  	s23 =	simm.s32 $0x16  }
0x1ca: {  	_ =	swait.ge [sflag:s23], $0x4000  }
0x1cb: {  	[sflag:s23] =	ssyncset.done $0x0  }
0x1cc: {  	[sflag:s23] =	ssyncadd.s32 $0xFFFFC000;
	_ =	sdelay $0x2  }
0x1cd: {  	_ =	swait.ge [sflag:s31], $0x4000  }
0x1ce: {  	[sflag:s31] =	ssyncset.done $0x0  }
0x1cf: {  	[sflag:s31] =	ssyncadd.s32 $0xFFFFC000;
	_ =	sdelay $0x2  }
0x1d0: {  	_ =	swait.ge [sflag:s24], $0x4000  }
0x1d1: {  	[sflag:s24] =	ssyncset.done $0x0  }
0x1d2: {  	[sflag:s24] =	ssyncadd.s32 $0xFFFFC000;
	_ =	sdelay $0x2  }
0x1d3: {  	_ =	swait.ge [sflag:s25], $0x4000  }
0x1d4: {  	[sflag:s25] =	ssyncset.done $0x0  }
0x1d5: {  	[sflag:s25] =	ssyncadd.s32 $0xFFFFC000;
	_ =	sdelay $0x2  }
0x1d6: {  	_ =	swait.ge [sflag:s26], $0x4000  }
0x1d7: {  	[sflag:s26] =	ssyncset.done $0x0  }
0x1d8: {  	[sflag:s26] =	ssyncadd.s32 $0xFFFFC000;
	_ =	sdelay $0x2  }
0x1d9: {  	_ =	swait.ge [sflag:s28], $0x4000  }
0x1da: {  	[sflag:s28] =	ssyncset.done $0x0  }
0x1db: {  	[sflag:s28] =	ssyncadd.s32 $0xFFFFC000;
	_ =	sdelay $0x2  }
0x1dc: {  	_ =	swait.ge [sflag:s14], $0x4000  }
0x1dd: {  	[sflag:s14] =	ssyncset.done $0x0  }
0x1de: {  	[sflag:s14] =	ssyncadd.s32 $0xFFFFC000  }
0x1df: {  	_ =	strace $0x90000046  }
0x1e0: {  	_ =	sfence  }
0x1e1: {  	s28 =	sld [smem:$0x0];
	_ =	sdelay $0x1  }
0x1e2: {  	s29 =	srdreg.scid  }
0x1e3: {  	s30 =	sshll.u32 s29, $0xD;
	s2 =	sshrl.u32 s29, $0x2  }
0x1e4: {  	s1 =	sand.u32 $0x4000, s30;
	s31 =	rddreg [dreg:$0x0];
	s0 =	sadd.s32 s2, s28  }
0x1e5: {  	s1 =	sor.u32 s1, s31;
	s0 =	sshll.u32 s0, $0x11  }
0x1e6: {  	s0 =	sor.u32 s0, s1  }
0x1e7: {  	s0 =	sadd.s32 $0x8F2B, s0;
	(pc) =	sbr.abs _section_cstart, $3  }
0x1e8: {  	[sflag:s0] =	ssyncadd.remote.s32 $0x1  }
0x1e9: {  	_ =	strace $0x9FFFFFFF  }
0x1ea: {  	(tm) =	ssettm $0x7FFFFFFF  }
0x1eb: {  	_ =	shalt  }

</sc_bundles>
